<compile_context>
chip_gen: v7x
topology: tpu7x:2x2x1
jax: 0.10.2.dev20260603
libtpu: 0.0.44.dev20260713+nightly
codegen_flags: <defaults>
</compile_context>

<pallas_src>
import functools

import jax
import jax.numpy as jnp
from jax import lax
from jax.experimental import pallas as pl
from jax.experimental.pallas import tpu as pltpu
from jax.experimental.pallas import tpu_sc as plsc

N = 10000
E = 320000
D = 128
NPAD = 10240

NC = 1
NS = 16
NW = NC * NS
K = 16
CHUNKS = E // K // NW
CB = 25
NBLK = CHUNKS // CB
ROWS_PER_SUB = NPAD // NS
NBUF = 5

_mesh = plsc.VectorSubcoreMesh(core_axis_name="c", subcore_axis_name="s",
                               num_cores=NC)


@functools.partial(
    pl.kernel,
    out_type=jax.ShapeDtypeStruct((NC, NPAD, D), jnp.float32),
    mesh=_mesh,
    scratch_types=[
        pltpu.VMEM((2, CB, K), jnp.int32),
        pltpu.VMEM((2, CB, K), jnp.int32),
        [pltpu.VMEM((K, D), jnp.float32) for _ in range(NBUF)],
        pltpu.VMEM_SHARED((NPAD, D), jnp.float32),
        [pltpu.SemaphoreType.DMA for _ in range(NBUF)],
        pltpu.SemaphoreType.DMA,
        pltpu.SemaphoreType.DMA,
    ],
)
def _sc_scatter(h_hbm, row_hbm, col_hbm, zeros_hbm, out_hbm,
                rowbuf, colbuf, rows_v, agg_sh, sems, isem_r, isem_c):
    c = lax.axis_index("c")
    s = lax.axis_index("s")
    w = c * NS + s

    pltpu.sync_copy(zeros_hbm, agg_sh.at[pl.ds(s * ROWS_PER_SUB, ROWS_PER_SUB)])
    plsc.subcore_barrier()

    def fire(slot, j, b):
        pltpu.async_copy(h_hbm.at[colbuf.at[slot, j]], rows_v[b], sems[b])

    def drain_scatter(slot, j, b):
        pltpu.make_async_copy(h_hbm.at[colbuf.at[slot, j]], rows_v[b],
                              sems[b]).wait()
        pltpu.sync_copy(rows_v[b], agg_sh.at[rowbuf.at[slot, j]], add=True)

    def refill_async(slot, blk):
        base = w * NBLK + blk
        pltpu.async_copy(row_hbm.at[pl.ds(base, 1)], rowbuf.at[pl.ds(slot, 1)],
                         isem_r)
        pltpu.async_copy(col_hbm.at[pl.ds(base, 1)], colbuf.at[pl.ds(slot, 1)],
                         isem_c)

    def refill_wait(slot, blk):
        base = w * NBLK + blk
        pltpu.make_async_copy(row_hbm.at[pl.ds(base, 1)],
                              rowbuf.at[pl.ds(slot, 1)], isem_r).wait()
        pltpu.make_async_copy(col_hbm.at[pl.ds(base, 1)],
                              colbuf.at[pl.ds(slot, 1)], isem_c).wait()

    pltpu.sync_copy(row_hbm.at[pl.ds(w * NBLK, 1)], rowbuf.at[pl.ds(0, 1)])
    pltpu.sync_copy(col_hbm.at[pl.ds(w * NBLK, 1)], colbuf.at[pl.ds(0, 1)])
    refill_async(1, 1)
    for b in range(NBUF):
        fire(0, b, b)

    def blk_body(blk, carry):
        slot = lax.rem(blk, 2)
        nslot = lax.rem(blk + 1, 2)
        for j in range(CB):
            if j == CB - NBUF:
                refill_wait(nslot, blk + 1)
            drain_scatter(slot, j, j % NBUF)
            if j < CB - NBUF:
                fire(slot, j + NBUF, j % NBUF)
            else:
                fire(nslot, j + NBUF - CB, j % NBUF)
        refill_async(slot, blk + 2)
        return carry

    lax.fori_loop(0, NBLK - 1, blk_body, 0)

    lslot = (NBLK - 1) % 2
    for j in range(CB):
        drain_scatter(lslot, j, j % NBUF)
        if j < CB - NBUF:
            fire(lslot, j + NBUF, j % NBUF)
    refill_wait(NBLK % 2, NBLK)
    plsc.subcore_barrier()

    pltpu.sync_copy(agg_sh.at[pl.ds(s * ROWS_PER_SUB, ROWS_PER_SUB)],
                    out_hbm.at[c, pl.ds(s * ROWS_PER_SUB, ROWS_PER_SUB)])


def _dense_body(aggp_ref, deg_ref, w_ref, b_ref, g_ref, be_ref, sbn_ref,
                out_ref):
    deg = deg_ref[:, 0] + 1e-6
    agg = sum(aggp_ref[i, :N] for i in range(NC)) * (1.0 / deg)[:, None]
    u = lax.dot_general(agg, w_ref[...], (((1,), (1,)), ((), ())),
                        preferred_element_type=jnp.float32) + b_ref[...]
    mean = jnp.mean(u, axis=0)
    var = jnp.mean(u * u, axis=0) - mean * mean
    h = (u - mean) * jax.lax.rsqrt(var + 1e-5) * g_ref[...] + be_ref[...]
    h = jnp.maximum(h, 0.0)
    f = sbn_ref[0, 0]
    out_ref[...] = f * h + (1.0 - f) * u


_dense = pl.pallas_call(
    _dense_body, out_shape=jax.ShapeDtypeStruct((N, D), jnp.float32))


def kernel(x, edge_index, W1, b1, g1, be1, W2, b2, g2, be2, W3, b3):
    pad = jnp.zeros((1, CB, K), jnp.int32)
    row = jnp.concatenate([edge_index[0].reshape(NW * NBLK, CB, K), pad])
    col = jnp.concatenate([edge_index[1].reshape(NW * NBLK, CB, K), pad])
    zeros_feat = jnp.zeros((ROWS_PER_SUB, D), jnp.float32)
    ones_feat = jnp.ones((N, D), jnp.float32)

    onesD = jnp.ones((D,), jnp.float32)
    zerosD = jnp.zeros((D,), jnp.float32)
    cols_s = jnp.stack([row, col, col, col])
    Ws = jnp.stack([W1, W1, W2, W3])
    bs = jnp.stack([zerosD, b1, b2, b3])
    gs = jnp.stack([onesD, g1, g2, onesD])
    bes = jnp.stack([zerosD, be1, be2, zerosD])
    s_bn = jnp.array([1.0, 1.0, 1.0, 0.0], jnp.float32).reshape(4, 1, 1)
    s_deg = jnp.array([1.0, 0.0, 0.0, 0.0], jnp.float32)

    def body(carry, xs):
        h, deg = carry
        cols_i, W, b, g, be, f_bn, f_deg = xs
        aggp = _sc_scatter(h, row, cols_i, zeros_feat)
        deg_new = sum(aggp[i, :N, :1] for i in range(NC))
        deg = jnp.where(f_deg > 0, deg_new, deg)
        out = _dense(aggp, deg, W, b, g, be, f_bn)
        h = jnp.where(f_deg > 0, x, out)
        return (h, deg), None

    init = (ones_feat, jnp.ones((N, 1), jnp.float32))
    (h, _), _ = lax.scan(body, init, (cols_s, Ws, bs, gs, bes, s_bn, s_deg))
    return h

# --- scband reference (transcript-rebuilt; emitter-appended) ---
"""Pipeline reference for scband-gcn-81363860455527 (READ-ONLY COPY).

The authoritative reference and input builder live on the scoring server;
editing this copy changes nothing except your own understanding.
"""

import jax, jax.numpy as jnp
import numpy as np

N = 10000
E = 320000
D = 128

def setup_inputs(seed: int = 0) -> dict:
    key = jax.random.key(seed)
    ks = jax.random.split(key, 12)
    x = jax.random.normal(ks[0], (N, D), dtype=jnp.float32)
    edge_index = jax.random.randint(ks[1], (2, E), 0, N, dtype=jnp.int32)
    W1 = jax.random.normal(ks[2], (D, D), dtype=jnp.float32) * 0.05
    b1 = jnp.zeros((D,), dtype=jnp.float32)
    g1 = jnp.ones((D,), dtype=jnp.float32)
    be1 = jnp.zeros((D,), dtype=jnp.float32)
    W2 = jax.random.normal(ks[3], (D, D), dtype=jnp.float32) * 0.05
    b2 = jnp.zeros((D,), dtype=jnp.float32)
    g2 = jnp.ones((D,), dtype=jnp.float32)
    be2 = jnp.zeros((D,), dtype=jnp.float32)
    W3 = jax.random.normal(ks[4], (D, D), dtype=jnp.float32) * 0.05
    b3 = jnp.zeros((D,), dtype=jnp.float32)
    return {"x": x, "edge_index": edge_index, "W1": W1, "b1": b1, "g1": g1, "be1": be1, "W2": W2, "b2": b2, "g2": g2, "be2": be2, "W3": W3, "b3": b3}


def gcn_layer(x, edge_index, W, b):
    row = edge_index[0]
    col = edge_index[1]
    n = x.shape[0]
    deg = jnp.bincount(row, length=n).astype(jnp.float32)[:, None] + 1e-06
    agg = jnp.zeros_like(x).at[row].add(x[col])
    agg = agg / deg
    return agg @ W.T + b


def batchnorm(x, gamma, beta, eps=1e-05):
    mean = jnp.mean(x, axis=0)
    var = jnp.var(x, axis=0)
    return (x - mean) / jnp.sqrt(var + eps) * gamma + beta


def reference(x, edge_index, W1, b1, g1, be1, W2, b2, g2, be2, W3, b3):
    h = gcn_layer(x, edge_index, W1, b1)
    h = batchnorm(h, g1, be1)
    h = jax.nn.relu(h)
    # dropout is identity in eval mode
    h = gcn_layer(h, edge_index, W2, b2)
    h = batchnorm(h, g2, be2)
    h = jax.nn.relu(h)
    h = gcn_layer(h, edge_index, W3, b3)
    return h

if __name__ == "__main__":
    import jax
    _d = setup_inputs()
    print(jax.jit(kernel)(*tuple(_d.values())))

</pallas_src>

<mosaic_0001>
#map = affine_map<(d0, d1) -> (0, 0)>
#map1 = affine_map<(d0, d1) -> (0, 0, 0)>
module attributes {stable_mosaic.version = 14 : i64} {
  func.func @_sc_scatter(%arg0: i32, %arg1: i32, %arg2: memref<10000x128xf32, #tpu.memory_space<hbm>>, %arg3: memref<801x25x16xi32, #tpu.memory_space<hbm>>, %arg4: memref<801x25x16xi32, #tpu.memory_space<hbm>>, %arg5: memref<640x128xf32, #tpu.memory_space<hbm>>, %arg6: memref<1x10240x128xf32, #tpu.memory_space<hbm>>, %arg7: memref<2x25x16xi32, #tpu.memory_space<vmem>>, %arg8: memref<2x25x16xi32, #tpu.memory_space<vmem>>, %arg9: memref<16x128xf32, #tpu.memory_space<vmem>>, %arg10: memref<16x128xf32, #tpu.memory_space<vmem>>, %arg11: memref<16x128xf32, #tpu.memory_space<vmem>>, %arg12: memref<16x128xf32, #tpu.memory_space<vmem>>, %arg13: memref<16x128xf32, #tpu.memory_space<vmem>>, %arg14: memref<10240x128xf32, #tpu.memory_space<vmem_shared>>, %arg15: memref<!tpu.dma_semaphore, #tpu.memory_space<semaphore_mem>>, %arg16: memref<!tpu.dma_semaphore, #tpu.memory_space<semaphore_mem>>, %arg17: memref<!tpu.dma_semaphore, #tpu.memory_space<semaphore_mem>>, %arg18: memref<!tpu.dma_semaphore, #tpu.memory_space<semaphore_mem>>, %arg19: memref<!tpu.dma_semaphore, #tpu.memory_space<semaphore_mem>>, %arg20: memref<!tpu.dma_semaphore, #tpu.memory_space<semaphore_mem>>, %arg21: memref<!tpu.dma_semaphore, #tpu.memory_space<semaphore_mem>>) attributes {dimension_semantics = [#tpu.dimension_semantics<core_parallel>, #tpu.dimension_semantics<subcore_parallel>], iteration_bounds = array<i64: 1, 16>, scalar_prefetch = 0 : i64, scratch_operands = 15 : i64, tpu.core_type = #tpu.core_type<sc_vector_subcore>, window_params = [{transform_indices = #map}, {transform_indices = #map1}, {transform_indices = #map1}, {transform_indices = #map}, {transform_indices = #map1}]} {
    %mul3A = arith.constant 16 : i32
    %mul3A_0 = arith.muli %arg0, %mul3A : i32
    %add3A = arith.addi %mul3A_0, %arg1 : i32
    %mul3A_1 = arith.constant 640 : i32
    %mul3A_2 = arith.muli %arg1, %mul3A_1 : i32
    "tpu.region"() ({
      %run_scoped3A_528 = tpu.sem_alloc : memref<!tpu.dma_semaphore, #tpu.memory_space<semaphore_mem>>
      %dma_start3A_529 = arith.constant 0 : i32
      %dma_start3A_530 = tpu.memref_slice %arg14[%mul3A_2, %dma_start3A_529] : memref<10240x128xf32, #tpu.memory_space<vmem_shared>> -> memref<640x128xf32, #tpu.memory_space<vmem_shared>>
      tpu.enqueue_dma source(%arg5 : memref<640x128xf32, #tpu.memory_space<hbm>>) target(%dma_start3A_530 : memref<640x128xf32, #tpu.memory_space<vmem_shared>>) target_semaphore(%run_scoped3A_528 : memref<!tpu.dma_semaphore, #tpu.memory_space<semaphore_mem>>)
      %dma_wait3A_531 = arith.constant 0 : i32
      %dma_wait3A_532 = tpu.memref_slice %arg14[%mul3A_2, %dma_wait3A_531] : memref<10240x128xf32, #tpu.memory_space<vmem_shared>> -> memref<640x128xf32, #tpu.memory_space<vmem_shared>>
      tpu.wait_dma2 semaphore(%run_scoped3A_528 : memref<!tpu.dma_semaphore, #tpu.memory_space<semaphore_mem>>) src(%arg5 : memref<640x128xf32, #tpu.memory_space<hbm>>) dst(%dma_wait3A_532 : memref<640x128xf32, #tpu.memory_space<vmem_shared>>)
      tpu.yield
    }) : () -> ()
    %barrier3A = arith.constant 0 : index
    tpu.barrier barrier_id(%barrier3A)
    %mul3A_3 = arith.constant 50 : i32
    %mul3A_4 = arith.muli %add3A, %mul3A_3 : i32
    "tpu.region"() ({
      %run_scoped3A_528 = tpu.sem_alloc : memref<!tpu.dma_semaphore, #tpu.memory_space<semaphore_mem>>
      %dma_start3A_529 = arith.constant 0 : i32
      %dma_start3A_530 = arith.constant 0 : i32
      %dma_start3A_531 = arith.constant 0 : i32
      %dma_start3A_532 = tpu.memref_slice %arg7[%dma_start3A_529, %dma_start3A_530, %dma_start3A_531] : memref<2x25x16xi32, #tpu.memory_space<vmem>> -> memref<1x25x16xi32, #tpu.memory_space<vmem>>
      %dma_start3A_533 = arith.constant 0 : i32
      %dma_start3A_534 = arith.constant 0 : i32
      %dma_start3A_535 = tpu.memref_slice %arg3[%mul3A_4, %dma_start3A_533, %dma_start3A_534] : memref<801x25x16xi32, #tpu.memory_space<hbm>> -> memref<1x25x16xi32, #tpu.memory_space<hbm>>
      %dma_start3A_536 = arith.constant 0 : i32
      %dma_start3A_537 = arith.constant 0 : i32
      %dma_start3A_538 = arith.constant 0 : i32
      %dma_start3A_539 = tpu.memref_slice %arg7[%dma_start3A_536, %dma_start3A_537, %dma_start3A_538] : memref<2x25x16xi32, #tpu.memory_space<vmem>> -> memref<1x25x16xi32, #tpu.memory_space<vmem>>
      %dma_start3A_540 = arith.constant 0 : i32
      %dma_start3A_541 = arith.constant 0 : i32
      %dma_start3A_542 = tpu.memref_slice %arg3[%mul3A_4, %dma_start3A_540, %dma_start3A_541] : memref<801x25x16xi32, #tpu.memory_space<hbm>> -> memref<1x25x16xi32, #tpu.memory_space<hbm>>
      tpu.enqueue_dma source(%dma_start3A_542 : memref<1x25x16xi32, #tpu.memory_space<hbm>>) target(%dma_start3A_539 : memref<1x25x16xi32, #tpu.memory_space<vmem>>) target_semaphore(%run_scoped3A_528 : memref<!tpu.dma_semaphore, #tpu.memory_space<semaphore_mem>>)
      %dma_wait3A_543 = arith.constant 0 : i32
      %dma_wait3A_544 = arith.constant 0 : i32
      %dma_wait3A_545 = arith.constant 0 : i32
      %dma_wait3A_546 = tpu.memref_slice %arg7[%dma_wait3A_543, %dma_wait3A_544, %dma_wait3A_545] : memref<2x25x16xi32, #tpu.memory_space<vmem>> -> memref<1x25x16xi32, #tpu.memory_space<vmem>>
      %dma_wait3A_547 = arith.constant 0 : i32
      %dma_wait3A_548 = arith.constant 0 : i32
      %dma_wait3A_549 = tpu.memref_slice %arg3[%mul3A_4, %dma_wait3A_547, %dma_wait3A_548] : memref<801x25x16xi32, #tpu.memory_space<hbm>> -> memref<1x25x16xi32, #tpu.memory_space<hbm>>
      %dma_wait3A_550 = arith.constant 0 : i32
      %dma_wait3A_551 = arith.constant 0 : i32
      %dma_wait3A_552 = arith.constant 0 : i32
      %dma_wait3A_553 = tpu.memref_slice %arg7[%dma_wait3A_550, %dma_wait3A_551, %dma_wait3A_552] : memref<2x25x16xi32, #tpu.memory_space<vmem>> -> memref<1x25x16xi32, #tpu.memory_space<vmem>>
      %dma_wait3A_554 = arith.constant 0 : i32
      %dma_wait3A_555 = arith.constant 0 : i32
      %dma_wait3A_556 = tpu.memref_slice %arg3[%mul3A_4, %dma_wait3A_554, %dma_wait3A_555] : memref<801x25x16xi32, #tpu.memory_space<hbm>> -> memref<1x25x16xi32, #tpu.memory_space<hbm>>
      tpu.wait_dma2 semaphore(%run_scoped3A_528 : memref<!tpu.dma_semaphore, #tpu.memory_space<semaphore_mem>>) src(%dma_wait3A_556 : memref<1x25x16xi32, #tpu.memory_space<hbm>>) dst(%dma_wait3A_553 : memref<1x25x16xi32, #tpu.memory_space<vmem>>)
      tpu.yield
    }) : () -> ()
    %mul3A_5 = arith.constant 50 : i32
    %mul3A_6 = arith.muli %add3A, %mul3A_5 : i32
    "tpu.region"() ({
      %run_scoped3A_528 = tpu.sem_alloc : memref<!tpu.dma_semaphore, #tpu.memory_space<semaphore_mem>>
      %dma_start3A_529 = arith.constant 0 : i32
      %dma_start3A_530 = arith.constant 0 : i32
      %dma_start3A_531 = arith.constant 0 : i32
      %dma_start3A_532 = tpu.memref_slice %arg8[%dma_start3A_529, %dma_start3A_530, %dma_start3A_531] : memref<2x25x16xi32, #tpu.memory_space<vmem>> -> memref<1x25x16xi32, #tpu.memory_space<vmem>>
      %dma_start3A_533 = arith.constant 0 : i32
      %dma_start3A_534 = arith.constant 0 : i32
      %dma_start3A_535 = tpu.memref_slice %arg4[%mul3A_6, %dma_start3A_533, %dma_start3A_534] : memref<801x25x16xi32, #tpu.memory_space<hbm>> -> memref<1x25x16xi32, #tpu.memory_space<hbm>>
      %dma_start3A_536 = arith.constant 0 : i32
      %dma_start3A_537 = arith.constant 0 : i32
      %dma_start3A_538 = arith.constant 0 : i32
      %dma_start3A_539 = tpu.memref_slice %arg8[%dma_start3A_536, %dma_start3A_537, %dma_start3A_538] : memref<2x25x16xi32, #tpu.memory_space<vmem>> -> memref<1x25x16xi32, #tpu.memory_space<vmem>>
      %dma_start3A_540 = arith.constant 0 : i32
      %dma_start3A_541 = arith.constant 0 : i32
      %dma_start3A_542 = tpu.memref_slice %arg4[%mul3A_6, %dma_start3A_540, %dma_start3A_541] : memref<801x25x16xi32, #tpu.memory_space<hbm>> -> memref<1x25x16xi32, #tpu.memory_space<hbm>>
      tpu.enqueue_dma source(%dma_start3A_542 : memref<1x25x16xi32, #tpu.memory_space<hbm>>) target(%dma_start3A_539 : memref<1x25x16xi32, #tpu.memory_space<vmem>>) target_semaphore(%run_scoped3A_528 : memref<!tpu.dma_semaphore, #tpu.memory_space<semaphore_mem>>)
      %dma_wait3A_543 = arith.constant 0 : i32
      %dma_wait3A_544 = arith.constant 0 : i32
      %dma_wait3A_545 = arith.constant 0 : i32
      %dma_wait3A_546 = tpu.memref_slice %arg8[%dma_wait3A_543, %dma_wait3A_544, %dma_wait3A_545] : memref<2x25x16xi32, #tpu.memory_space<vmem>> -> memref<1x25x16xi32, #tpu.memory_space<vmem>>
      %dma_wait3A_547 = arith.constant 0 : i32
      %dma_wait3A_548 = arith.constant 0 : i32
      %dma_wait3A_549 = tpu.memref_slice %arg4[%mul3A_6, %dma_wait3A_547, %dma_wait3A_548] : memref<801x25x16xi32, #tpu.memory_space<hbm>> -> memref<1x25x16xi32, #tpu.memory_space<hbm>>
      %dma_wait3A_550 = arith.constant 0 : i32
      %dma_wait3A_551 = arith.constant 0 : i32
      %dma_wait3A_552 = arith.constant 0 : i32
      %dma_wait3A_553 = tpu.memref_slice %arg8[%dma_wait3A_550, %dma_wait3A_551, %dma_wait3A_552] : memref<2x25x16xi32, #tpu.memory_space<vmem>> -> memref<1x25x16xi32, #tpu.memory_space<vmem>>
      %dma_wait3A_554 = arith.constant 0 : i32
      %dma_wait3A_555 = arith.constant 0 : i32
      %dma_wait3A_556 = tpu.memref_slice %arg4[%mul3A_6, %dma_wait3A_554, %dma_wait3A_555] : memref<801x25x16xi32, #tpu.memory_space<hbm>> -> memref<1x25x16xi32, #tpu.memory_space<hbm>>
      tpu.wait_dma2 semaphore(%run_scoped3A_528 : memref<!tpu.dma_semaphore, #tpu.memory_space<semaphore_mem>>) src(%dma_wait3A_556 : memref<1x25x16xi32, #tpu.memory_space<hbm>>) dst(%dma_wait3A_553 : memref<1x25x16xi32, #tpu.memory_space<vmem>>)
      tpu.yield
    }) : () -> ()
    %mul3A_7 = arith.constant 50 : i32
    %mul3A_8 = arith.muli %add3A, %mul3A_7 : i32
    %add3A_9 = arith.constant 1 : i32
    %add3A_10 = arith.addi %mul3A_8, %add3A_9 : i32
    %dma_start3A = arith.constant 1 : i32
    %dma_start3A_11 = arith.constant 0 : i32
    %dma_start3A_12 = arith.constant 0 : i32
    %dma_start3A_13 = tpu.memref_slice %arg7[%dma_start3A, %dma_start3A_11, %dma_start3A_12] : memref<2x25x16xi32, #tpu.memory_space<vmem>> -> memref<1x25x16xi32, #tpu.memory_space<vmem>>
    %dma_start3A_14 = arith.constant 0 : i32
    %dma_start3A_15 = arith.constant 0 : i32
    %dma_start3A_16 = tpu.memref_slice %arg3[%add3A_10, %dma_start3A_14, %dma_start3A_15] : memref<801x25x16xi32, #tpu.memory_space<hbm>> -> memref<1x25x16xi32, #tpu.memory_space<hbm>>
    %dma_start3A_17 = arith.constant 1 : i32
    %dma_start3A_18 = arith.constant 0 : i32
    %dma_start3A_19 = arith.constant 0 : i32
    %dma_start3A_20 = tpu.memref_slice %arg7[%dma_start3A_17, %dma_start3A_18, %dma_start3A_19] : memref<2x25x16xi32, #tpu.memory_space<vmem>> -> memref<1x25x16xi32, #tpu.memory_space<vmem>>
    %dma_start3A_21 = arith.constant 0 : i32
    %dma_start3A_22 = arith.constant 0 : i32
    %dma_start3A_23 = tpu.memref_slice %arg3[%add3A_10, %dma_start3A_21, %dma_start3A_22] : memref<801x25x16xi32, #tpu.memory_space<hbm>> -> memref<1x25x16xi32, #tpu.memory_space<hbm>>
    tpu.enqueue_dma source(%dma_start3A_23 : memref<1x25x16xi32, #tpu.memory_space<hbm>>) target(%dma_start3A_20 : memref<1x25x16xi32, #tpu.memory_space<vmem>>) target_semaphore(%arg20 : memref<!tpu.dma_semaphore, #tpu.memory_space<semaphore_mem>>)
    %dma_start3A_24 = arith.constant 1 : i32
    %dma_start3A_25 = arith.constant 0 : i32
    %dma_start3A_26 = arith.constant 0 : i32
    %dma_start3A_27 = tpu.memref_slice %arg8[%dma_start3A_24, %dma_start3A_25, %dma_start3A_26] : memref<2x25x16xi32, #tpu.memory_space<vmem>> -> memref<1x25x16xi32, #tpu.memory_space<vmem>>
    %dma_start3A_28 = arith.constant 0 : i32
    %dma_start3A_29 = arith.constant 0 : i32
    %dma_start3A_30 = tpu.memref_slice %arg4[%add3A_10, %dma_start3A_28, %dma_start3A_29] : memref<801x25x16xi32, #tpu.memory_space<hbm>> -> memref<1x25x16xi32, #tpu.memory_space<hbm>>
    %dma_start3A_31 = arith.constant 1 : i32
    %dma_start3A_32 = arith.constant 0 : i32
    %dma_start3A_33 = arith.constant 0 : i32
    %dma_start3A_34 = tpu.memref_slice %arg8[%dma_start3A_31, %dma_start3A_32, %dma_start3A_33] : memref<2x25x16xi32, #tpu.memory_space<vmem>> -> memref<1x25x16xi32, #tpu.memory_space<vmem>>
    %dma_start3A_35 = arith.constant 0 : i32
    %dma_start3A_36 = arith.constant 0 : i32
    %dma_start3A_37 = tpu.memref_slice %arg4[%add3A_10, %dma_start3A_35, %dma_start3A_36] : memref<801x25x16xi32, #tpu.memory_space<hbm>> -> memref<1x25x16xi32, #tpu.memory_space<hbm>>
    tpu.enqueue_dma source(%dma_start3A_37 : memref<1x25x16xi32, #tpu.memory_space<hbm>>) target(%dma_start3A_34 : memref<1x25x16xi32, #tpu.memory_space<vmem>>) target_semaphore(%arg21 : memref<!tpu.dma_semaphore, #tpu.memory_space<semaphore_mem>>)
    %dma_start3A_38 = arith.constant 0 : i32
    %dma_start3A_39 = arith.constant 0 : i32
    %dma_start3A_40 = arith.constant 0 : i32
    %dma_start3A_41 = tpu.memref_slice %arg8[%dma_start3A_38, %dma_start3A_39, %dma_start3A_40] : memref<2x25x16xi32, #tpu.memory_space<vmem>> -> memref<1x1x16xi32, #tpu.memory_space<vmem>>
    %dma_start3A_42 = tpu.memref_squeeze %dma_start3A_41 : memref<1x1x16xi32, #tpu.memory_space<vmem>> -> memref<16xi32, #tpu.memory_space<vmem>>
    %dma_start3A_43 = arith.constant 0 : i32
    %dma_start3A_44 = arith.constant 0 : i32
    %dma_start3A_45 = tpu.memref_slice %arg2[%dma_start3A_43, %dma_start3A_44] : memref<10000x128xf32, #tpu.memory_space<hbm>> -> memref<10000x128xf32, #tpu.memory_space<hbm>>
    tpu.enqueue_indirect_dma source(%dma_start3A_45 : memref<10000x128xf32, #tpu.memory_space<hbm>>) target(%arg9 : memref<16x128xf32, #tpu.memory_space<vmem>>) offsets(%dma_start3A_42 : memref<16xi32, #tpu.memory_space<vmem>>) semaphore(%arg15 : memref<!tpu.dma_semaphore, #tpu.memory_space<semaphore_mem>>)
    %dma_start3A_46 = arith.constant 0 : i32
    %dma_start3A_47 = arith.constant 1 : i32
    %dma_start3A_48 = arith.constant 0 : i32
    %dma_start3A_49 = tpu.memref_slice %arg8[%dma_start3A_46, %dma_start3A_47, %dma_start3A_48] : memref<2x25x16xi32, #tpu.memory_space<vmem>> -> memref<1x1x16xi32, #tpu.memory_space<vmem>>
    %dma_start3A_50 = tpu.memref_squeeze %dma_start3A_49 : memref<1x1x16xi32, #tpu.memory_space<vmem>> -> memref<16xi32, #tpu.memory_space<vmem>>
    %dma_start3A_51 = arith.constant 0 : i32
    %dma_start3A_52 = arith.constant 0 : i32
    %dma_start3A_53 = tpu.memref_slice %arg2[%dma_start3A_51, %dma_start3A_52] : memref<10000x128xf32, #tpu.memory_space<hbm>> -> memref<10000x128xf32, #tpu.memory_space<hbm>>
    tpu.enqueue_indirect_dma source(%dma_start3A_53 : memref<10000x128xf32, #tpu.memory_space<hbm>>) target(%arg10 : memref<16x128xf32, #tpu.memory_space<vmem>>) offsets(%dma_start3A_50 : memref<16xi32, #tpu.memory_space<vmem>>) semaphore(%arg16 : memref<!tpu.dma_semaphore, #tpu.memory_space<semaphore_mem>>)
    %dma_start3A_54 = arith.constant 0 : i32
    %dma_start3A_55 = arith.constant 2 : i32
    %dma_start3A_56 = arith.constant 0 : i32
    %dma_start3A_57 = tpu.memref_slice %arg8[%dma_start3A_54, %dma_start3A_55, %dma_start3A_56] : memref<2x25x16xi32, #tpu.memory_space<vmem>> -> memref<1x1x16xi32, #tpu.memory_space<vmem>>
    %dma_start3A_58 = tpu.memref_squeeze %dma_start3A_57 : memref<1x1x16xi32, #tpu.memory_space<vmem>> -> memref<16xi32, #tpu.memory_space<vmem>>
    %dma_start3A_59 = arith.constant 0 : i32
    %dma_start3A_60 = arith.constant 0 : i32
    %dma_start3A_61 = tpu.memref_slice %arg2[%dma_start3A_59, %dma_start3A_60] : memref<10000x128xf32, #tpu.memory_space<hbm>> -> memref<10000x128xf32, #tpu.memory_space<hbm>>
    tpu.enqueue_indirect_dma source(%dma_start3A_61 : memref<10000x128xf32, #tpu.memory_space<hbm>>) target(%arg11 : memref<16x128xf32, #tpu.memory_space<vmem>>) offsets(%dma_start3A_58 : memref<16xi32, #tpu.memory_space<vmem>>) semaphore(%arg17 : memref<!tpu.dma_semaphore, #tpu.memory_space<semaphore_mem>>)
    %dma_start3A_62 = arith.constant 0 : i32
    %dma_start3A_63 = arith.constant 3 : i32
    %dma_start3A_64 = arith.constant 0 : i32
    %dma_start3A_65 = tpu.memref_slice %arg8[%dma_start3A_62, %dma_start3A_63, %dma_start3A_64] : memref<2x25x16xi32, #tpu.memory_space<vmem>> -> memref<1x1x16xi32, #tpu.memory_space<vmem>>
    %dma_start3A_66 = tpu.memref_squeeze %dma_start3A_65 : memref<1x1x16xi32, #tpu.memory_space<vmem>> -> memref<16xi32, #tpu.memory_space<vmem>>
    %dma_start3A_67 = arith.constant 0 : i32
    %dma_start3A_68 = arith.constant 0 : i32
    %dma_start3A_69 = tpu.memref_slice %arg2[%dma_start3A_67, %dma_start3A_68] : memref<10000x128xf32, #tpu.memory_space<hbm>> -> memref<10000x128xf32, #tpu.memory_space<hbm>>
    tpu.enqueue_indirect_dma source(%dma_start3A_69 : memref<10000x128xf32, #tpu.memory_space<hbm>>) target(%arg12 : memref<16x128xf32, #tpu.memory_space<vmem>>) offsets(%dma_start3A_66 : memref<16xi32, #tpu.memory_space<vmem>>) semaphore(%arg18 : memref<!tpu.dma_semaphore, #tpu.memory_space<semaphore_mem>>)
    %dma_start3A_70 = arith.constant 0 : i32
    %dma_start3A_71 = arith.constant 4 : i32
    %dma_start3A_72 = arith.constant 0 : i32
    %dma_start3A_73 = tpu.memref_slice %arg8[%dma_start3A_70, %dma_start3A_71, %dma_start3A_72] : memref<2x25x16xi32, #tpu.memory_space<vmem>> -> memref<1x1x16xi32, #tpu.memory_space<vmem>>
    %dma_start3A_74 = tpu.memref_squeeze %dma_start3A_73 : memref<1x1x16xi32, #tpu.memory_space<vmem>> -> memref<16xi32, #tpu.memory_space<vmem>>
    %dma_start3A_75 = arith.constant 0 : i32
    %dma_start3A_76 = arith.constant 0 : i32
    %dma_start3A_77 = tpu.memref_slice %arg2[%dma_start3A_75, %dma_start3A_76] : memref<10000x128xf32, #tpu.memory_space<hbm>> -> memref<10000x128xf32, #tpu.memory_space<hbm>>
    tpu.enqueue_indirect_dma source(%dma_start3A_77 : memref<10000x128xf32, #tpu.memory_space<hbm>>) target(%arg13 : memref<16x128xf32, #tpu.memory_space<vmem>>) offsets(%dma_start3A_74 : memref<16xi32, #tpu.memory_space<vmem>>) semaphore(%arg19 : memref<!tpu.dma_semaphore, #tpu.memory_space<semaphore_mem>>)
    %scan3A = arith.constant 0 : i32
    %scan3A_78 = arith.constant 0 : i32
    %scan3A_79 = arith.constant 49 : i32
    %scan3A_80 = arith.addi %scan3A_78, %scan3A_79 : i32
    %scan3A_81 = arith.constant 1 : i32
    scf.for %scan3A_528 = %scan3A_78 to %scan3A_80 step %scan3A_81  : i32 {
      %rem3A = arith.constant 2 : i32
      %rem3A_529 = arith.remsi %scan3A_528, %rem3A : i32
      %add3A_530 = arith.constant 1 : i32
      %add3A_531 = arith.addi %scan3A_528, %add3A_530 : i32
      %rem3A_532 = arith.constant 2 : i32
      %rem3A_533 = arith.remsi %add3A_531, %rem3A_532 : i32
      %dma_wait3A_534 = arith.constant 0 : i32
      %dma_wait3A_535 = arith.constant 0 : i32
      %dma_wait3A_536 = tpu.memref_slice %arg8[%rem3A_529, %dma_wait3A_534, %dma_wait3A_535] : memref<2x25x16xi32, #tpu.memory_space<vmem>> -> memref<1x1x16xi32, #tpu.memory_space<vmem>>
      %dma_wait3A_537 = tpu.memref_squeeze %dma_wait3A_536 : memref<1x1x16xi32, #tpu.memory_space<vmem>> -> memref<16xi32, #tpu.memory_space<vmem>>
      %dma_wait3A_538 = arith.constant 0 : i32
      %dma_wait3A_539 = arith.constant 0 : i32
      %dma_wait3A_540 = tpu.memref_slice %arg2[%dma_wait3A_538, %dma_wait3A_539] : memref<10000x128xf32, #tpu.memory_space<hbm>> -> memref<10000x128xf32, #tpu.memory_space<hbm>>
      tpu.wait_indirect_dma semaphore(%arg15 : memref<!tpu.dma_semaphore, #tpu.memory_space<semaphore_mem>>) src(%dma_wait3A_540 : memref<10000x128xf32, #tpu.memory_space<hbm>>) dst(%arg9 : memref<16x128xf32, #tpu.memory_space<vmem>>)
      %run_scoped3A_541 = arith.constant 0 : i32
      "tpu.region"() ({
        %run_scoped3A_967 = tpu.sem_alloc : memref<!tpu.dma_semaphore, #tpu.memory_space<semaphore_mem>>
        %dma_start3A_968 = arith.constant 0 : i32
        %dma_start3A_969 = tpu.memref_slice %arg7[%rem3A_529, %run_scoped3A_541, %dma_start3A_968] : memref<2x25x16xi32, #tpu.memory_space<vmem>> -> memref<1x1x16xi32, #tpu.memory_space<vmem>>
        %dma_start3A_970 = tpu.memref_squeeze %dma_start3A_969 : memref<1x1x16xi32, #tpu.memory_space<vmem>> -> memref<16xi32, #tpu.memory_space<vmem>>
        %dma_start3A_971 = arith.constant 0 : i32
        %dma_start3A_972 = arith.constant 0 : i32
        %dma_start3A_973 = tpu.memref_slice %arg14[%dma_start3A_971, %dma_start3A_972] : memref<10240x128xf32, #tpu.memory_space<vmem_shared>> -> memref<10240x128xf32, #tpu.memory_space<vmem_shared>>
        tpu.enqueue_indirect_dma source(%arg9 : memref<16x128xf32, #tpu.memory_space<vmem>>) target(%dma_start3A_973 : memref<10240x128xf32, #tpu.memory_space<vmem_shared>>) offsets(%dma_start3A_970 : memref<16xi32, #tpu.memory_space<vmem>>) semaphore(%run_scoped3A_967 : memref<!tpu.dma_semaphore, #tpu.memory_space<semaphore_mem>>) {add = true}
        %dma_wait3A_974 = arith.constant 0 : i32
        %dma_wait3A_975 = tpu.memref_slice %arg7[%rem3A_529, %run_scoped3A_541, %dma_wait3A_974] : memref<2x25x16xi32, #tpu.memory_space<vmem>> -> memref<1x1x16xi32, #tpu.memory_space<vmem>>
        %dma_wait3A_976 = tpu.memref_squeeze %dma_wait3A_975 : memref<1x1x16xi32, #tpu.memory_space<vmem>> -> memref<16xi32, #tpu.memory_space<vmem>>
        %dma_wait3A_977 = arith.constant 0 : i32
        %dma_wait3A_978 = arith.constant 0 : i32
        %dma_wait3A_979 = tpu.memref_slice %arg14[%dma_wait3A_977, %dma_wait3A_978] : memref<10240x128xf32, #tpu.memory_space<vmem_shared>> -> memref<10240x128xf32, #tpu.memory_space<vmem_shared>>
        tpu.wait_indirect_dma semaphore(%run_scoped3A_967 : memref<!tpu.dma_semaphore, #tpu.memory_space<semaphore_mem>>) src(%arg9 : memref<16x128xf32, #tpu.memory_space<vmem>>) dst(%dma_wait3A_979 : memref<10240x128xf32, #tpu.memory_space<vmem_shared>>)
        tpu.yield
      }) : () -> ()
      %dma_start3A_542 = arith.constant 5 : i32
      %dma_start3A_543 = arith.constant 0 : i32
      %dma_start3A_544 = tpu.memref_slice %arg8[%rem3A_529, %dma_start3A_542, %dma_start3A_543] : memref<2x25x16xi32, #tpu.memory_space<vmem>> -> memref<1x1x16xi32, #tpu.memory_space<vmem>>
      %dma_start3A_545 = tpu.memref_squeeze %dma_start3A_544 : memref<1x1x16xi32, #tpu.memory_space<vmem>> -> memref<16xi32, #tpu.memory_space<vmem>>
      %dma_start3A_546 = arith.constant 0 : i32
      %dma_start3A_547 = arith.constant 0 : i32
      %dma_start3A_548 = tpu.memref_slice %arg2[%dma_start3A_546, %dma_start3A_547] : memref<10000x128xf32, #tpu.memory_space<hbm>> -> memref<10000x128xf32, #tpu.memory_space<hbm>>
      tpu.enqueue_indirect_dma source(%dma_start3A_548 : memref<10000x128xf32, #tpu.memory_space<hbm>>) target(%arg9 : memref<16x128xf32, #tpu.memory_space<vmem>>) offsets(%dma_start3A_545 : memref<16xi32, #tpu.memory_space<vmem>>) semaphore(%arg15 : memref<!tpu.dma_semaphore, #tpu.memory_space<semaphore_mem>>)
      %dma_wait3A_549 = arith.constant 1 : i32
      %dma_wait3A_550 = arith.constant 0 : i32
      %dma_wait3A_551 = tpu.memref_slice %arg8[%rem3A_529, %dma_wait3A_549, %dma_wait3A_550] : memref<2x25x16xi32, #tpu.memory_space<vmem>> -> memref<1x1x16xi32, #tpu.memory_space<vmem>>
      %dma_wait3A_552 = tpu.memref_squeeze %dma_wait3A_551 : memref<1x1x16xi32, #tpu.memory_space<vmem>> -> memref<16xi32, #tpu.memory_space<vmem>>
      %dma_wait3A_553 = arith.constant 0 : i32
      %dma_wait3A_554 = arith.constant 0 : i32
      %dma_wait3A_555 = tpu.memref_slice %arg2[%dma_wait3A_553, %dma_wait3A_554] : memref<10000x128xf32, #tpu.memory_space<hbm>> -> memref<10000x128xf32, #tpu.memory_space<hbm>>
      tpu.wait_indirect_dma semaphore(%arg16 : memref<!tpu.dma_semaphore, #tpu.memory_space<semaphore_mem>>) src(%dma_wait3A_555 : memref<10000x128xf32, #tpu.memory_space<hbm>>) dst(%arg10 : memref<16x128xf32, #tpu.memory_space<vmem>>)
      %run_scoped3A_556 = arith.constant 1 : i32
      "tpu.region"() ({
        %run_scoped3A_967 = tpu.sem_alloc : memref<!tpu.dma_semaphore, #tpu.memory_space<semaphore_mem>>
        %dma_start3A_968 = arith.constant 0 : i32
        %dma_start3A_969 = tpu.memref_slice %arg7[%rem3A_529, %run_scoped3A_556, %dma_start3A_968] : memref<2x25x16xi32, #tpu.memory_space<vmem>> -> memref<1x1x16xi32, #tpu.memory_space<vmem>>
        %dma_start3A_970 = tpu.memref_squeeze %dma_start3A_969 : memref<1x1x16xi32, #tpu.memory_space<vmem>> -> memref<16xi32, #tpu.memory_space<vmem>>
        %dma_start3A_971 = arith.constant 0 : i32
        %dma_start3A_972 = arith.constant 0 : i32
        %dma_start3A_973 = tpu.memref_slice %arg14[%dma_start3A_971, %dma_start3A_972] : memref<10240x128xf32, #tpu.memory_space<vmem_shared>> -> memref<10240x128xf32, #tpu.memory_space<vmem_shared>>
        tpu.enqueue_indirect_dma source(%arg10 : memref<16x128xf32, #tpu.memory_space<vmem>>) target(%dma_start3A_973 : memref<10240x128xf32, #tpu.memory_space<vmem_shared>>) offsets(%dma_start3A_970 : memref<16xi32, #tpu.memory_space<vmem>>) semaphore(%run_scoped3A_967 : memref<!tpu.dma_semaphore, #tpu.memory_space<semaphore_mem>>) {add = true}
        %dma_wait3A_974 = arith.constant 0 : i32
        %dma_wait3A_975 = tpu.memref_slice %arg7[%rem3A_529, %run_scoped3A_556, %dma_wait3A_974] : memref<2x25x16xi32, #tpu.memory_space<vmem>> -> memref<1x1x16xi32, #tpu.memory_space<vmem>>
        %dma_wait3A_976 = tpu.memref_squeeze %dma_wait3A_975 : memref<1x1x16xi32, #tpu.memory_space<vmem>> -> memref<16xi32, #tpu.memory_space<vmem>>
        %dma_wait3A_977 = arith.constant 0 : i32
        %dma_wait3A_978 = arith.constant 0 : i32
        %dma_wait3A_979 = tpu.memref_slice %arg14[%dma_wait3A_977, %dma_wait3A_978] : memref<10240x128xf32, #tpu.memory_space<vmem_shared>> -> memref<10240x128xf32, #tpu.memory_space<vmem_shared>>
        tpu.wait_indirect_dma semaphore(%run_scoped3A_967 : memref<!tpu.dma_semaphore, #tpu.memory_space<semaphore_mem>>) src(%arg10 : memref<16x128xf32, #tpu.memory_space<vmem>>) dst(%dma_wait3A_979 : memref<10240x128xf32, #tpu.memory_space<vmem_shared>>)
        tpu.yield
      }) : () -> ()
      %dma_start3A_557 = arith.constant 6 : i32
      %dma_start3A_558 = arith.constant 0 : i32
      %dma_start3A_559 = tpu.memref_slice %arg8[%rem3A_529, %dma_start3A_557, %dma_start3A_558] : memref<2x25x16xi32, #tpu.memory_space<vmem>> -> memref<1x1x16xi32, #tpu.memory_space<vmem>>
      %dma_start3A_560 = tpu.memref_squeeze %dma_start3A_559 : memref<1x1x16xi32, #tpu.memory_space<vmem>> -> memref<16xi32, #tpu.memory_space<vmem>>
      %dma_start3A_561 = arith.constant 0 : i32
      %dma_start3A_562 = arith.constant 0 : i32
      %dma_start3A_563 = tpu.memref_slice %arg2[%dma_start3A_561, %dma_start3A_562] : memref<10000x128xf32, #tpu.memory_space<hbm>> -> memref<10000x128xf32, #tpu.memory_space<hbm>>
      tpu.enqueue_indirect_dma source(%dma_start3A_563 : memref<10000x128xf32, #tpu.memory_space<hbm>>) target(%arg10 : memref<16x128xf32, #tpu.memory_space<vmem>>) offsets(%dma_start3A_560 : memref<16xi32, #tpu.memory_space<vmem>>) semaphore(%arg16 : memref<!tpu.dma_semaphore, #tpu.memory_space<semaphore_mem>>)
      %dma_wait3A_564 = arith.constant 2 : i32
      %dma_wait3A_565 = arith.constant 0 : i32
      %dma_wait3A_566 = tpu.memref_slice %arg8[%rem3A_529, %dma_wait3A_564, %dma_wait3A_565] : memref<2x25x16xi32, #tpu.memory_space<vmem>> -> memref<1x1x16xi32, #tpu.memory_space<vmem>>
      %dma_wait3A_567 = tpu.memref_squeeze %dma_wait3A_566 : memref<1x1x16xi32, #tpu.memory_space<vmem>> -> memref<16xi32, #tpu.memory_space<vmem>>
      %dma_wait3A_568 = arith.constant 0 : i32
      %dma_wait3A_569 = arith.constant 0 : i32
      %dma_wait3A_570 = tpu.memref_slice %arg2[%dma_wait3A_568, %dma_wait3A_569] : memref<10000x128xf32, #tpu.memory_space<hbm>> -> memref<10000x128xf32, #tpu.memory_space<hbm>>
      tpu.wait_indirect_dma semaphore(%arg17 : memref<!tpu.dma_semaphore, #tpu.memory_space<semaphore_mem>>) src(%dma_wait3A_570 : memref<10000x128xf32, #tpu.memory_space<hbm>>) dst(%arg11 : memref<16x128xf32, #tpu.memory_space<vmem>>)
      %run_scoped3A_571 = arith.constant 2 : i32
      "tpu.region"() ({
        %run_scoped3A_967 = tpu.sem_alloc : memref<!tpu.dma_semaphore, #tpu.memory_space<semaphore_mem>>
        %dma_start3A_968 = arith.constant 0 : i32
        %dma_start3A_969 = tpu.memref_slice %arg7[%rem3A_529, %run_scoped3A_571, %dma_start3A_968] : memref<2x25x16xi32, #tpu.memory_space<vmem>> -> memref<1x1x16xi32, #tpu.memory_space<vmem>>
        %dma_start3A_970 = tpu.memref_squeeze %dma_start3A_969 : memref<1x1x16xi32, #tpu.memory_space<vmem>> -> memref<16xi32, #tpu.memory_space<vmem>>
        %dma_start3A_971 = arith.constant 0 : i32
        %dma_start3A_972 = arith.constant 0 : i32
        %dma_start3A_973 = tpu.memref_slice %arg14[%dma_start3A_971, %dma_start3A_972] : memref<10240x128xf32, #tpu.memory_space<vmem_shared>> -> memref<10240x128xf32, #tpu.memory_space<vmem_shared>>
        tpu.enqueue_indirect_dma source(%arg11 : memref<16x128xf32, #tpu.memory_space<vmem>>) target(%dma_start3A_973 : memref<10240x128xf32, #tpu.memory_space<vmem_shared>>) offsets(%dma_start3A_970 : memref<16xi32, #tpu.memory_space<vmem>>) semaphore(%run_scoped3A_967 : memref<!tpu.dma_semaphore, #tpu.memory_space<semaphore_mem>>) {add = true}
        %dma_wait3A_974 = arith.constant 0 : i32
        %dma_wait3A_975 = tpu.memref_slice %arg7[%rem3A_529, %run_scoped3A_571, %dma_wait3A_974] : memref<2x25x16xi32, #tpu.memory_space<vmem>> -> memref<1x1x16xi32, #tpu.memory_space<vmem>>
        %dma_wait3A_976 = tpu.memref_squeeze %dma_wait3A_975 : memref<1x1x16xi32, #tpu.memory_space<vmem>> -> memref<16xi32, #tpu.memory_space<vmem>>
        %dma_wait3A_977 = arith.constant 0 : i32
        %dma_wait3A_978 = arith.constant 0 : i32
        %dma_wait3A_979 = tpu.memref_slice %arg14[%dma_wait3A_977, %dma_wait3A_978] : memref<10240x128xf32, #tpu.memory_space<vmem_shared>> -> memref<10240x128xf32, #tpu.memory_space<vmem_shared>>
        tpu.wait_indirect_dma semaphore(%run_scoped3A_967 : memref<!tpu.dma_semaphore, #tpu.memory_space<semaphore_mem>>) src(%arg11 : memref<16x128xf32, #tpu.memory_space<vmem>>) dst(%dma_wait3A_979 : memref<10240x128xf32, #tpu.memory_space<vmem_shared>>)
        tpu.yield
      }) : () -> ()
      %dma_start3A_572 = arith.constant 7 : i32
      %dma_start3A_573 = arith.constant 0 : i32
      %dma_start3A_574 = tpu.memref_slice %arg8[%rem3A_529, %dma_start3A_572, %dma_start3A_573] : memref<2x25x16xi32, #tpu.memory_space<vmem>> -> memref<1x1x16xi32, #tpu.memory_space<vmem>>
      %dma_start3A_575 = tpu.memref_squeeze %dma_start3A_574 : memref<1x1x16xi32, #tpu.memory_space<vmem>> -> memref<16xi32, #tpu.memory_space<vmem>>
      %dma_start3A_576 = arith.constant 0 : i32
      %dma_start3A_577 = arith.constant 0 : i32
      %dma_start3A_578 = tpu.memref_slice %arg2[%dma_start3A_576, %dma_start3A_577] : memref<10000x128xf32, #tpu.memory_space<hbm>> -> memref<10000x128xf32, #tpu.memory_space<hbm>>
      tpu.enqueue_indirect_dma source(%dma_start3A_578 : memref<10000x128xf32, #tpu.memory_space<hbm>>) target(%arg11 : memref<16x128xf32, #tpu.memory_space<vmem>>) offsets(%dma_start3A_575 : memref<16xi32, #tpu.memory_space<vmem>>) semaphore(%arg17 : memref<!tpu.dma_semaphore, #tpu.memory_space<semaphore_mem>>)
      %dma_wait3A_579 = arith.constant 3 : i32
      %dma_wait3A_580 = arith.constant 0 : i32
      %dma_wait3A_581 = tpu.memref_slice %arg8[%rem3A_529, %dma_wait3A_579, %dma_wait3A_580] : memref<2x25x16xi32, #tpu.memory_space<vmem>> -> memref<1x1x16xi32, #tpu.memory_space<vmem>>
      %dma_wait3A_582 = tpu.memref_squeeze %dma_wait3A_581 : memref<1x1x16xi32, #tpu.memory_space<vmem>> -> memref<16xi32, #tpu.memory_space<vmem>>
      %dma_wait3A_583 = arith.constant 0 : i32
      %dma_wait3A_584 = arith.constant 0 : i32
      %dma_wait3A_585 = tpu.memref_slice %arg2[%dma_wait3A_583, %dma_wait3A_584] : memref<10000x128xf32, #tpu.memory_space<hbm>> -> memref<10000x128xf32, #tpu.memory_space<hbm>>
      tpu.wait_indirect_dma semaphore(%arg18 : memref<!tpu.dma_semaphore, #tpu.memory_space<semaphore_mem>>) src(%dma_wait3A_585 : memref<10000x128xf32, #tpu.memory_space<hbm>>) dst(%arg12 : memref<16x128xf32, #tpu.memory_space<vmem>>)
      %run_scoped3A_586 = arith.constant 3 : i32
      "tpu.region"() ({
        %run_scoped3A_967 = tpu.sem_alloc : memref<!tpu.dma_semaphore, #tpu.memory_space<semaphore_mem>>
        %dma_start3A_968 = arith.constant 0 : i32
        %dma_start3A_969 = tpu.memref_slice %arg7[%rem3A_529, %run_scoped3A_586, %dma_start3A_968] : memref<2x25x16xi32, #tpu.memory_space<vmem>> -> memref<1x1x16xi32, #tpu.memory_space<vmem>>
        %dma_start3A_970 = tpu.memref_squeeze %dma_start3A_969 : memref<1x1x16xi32, #tpu.memory_space<vmem>> -> memref<16xi32, #tpu.memory_space<vmem>>
        %dma_start3A_971 = arith.constant 0 : i32
        %dma_start3A_972 = arith.constant 0 : i32
        %dma_start3A_973 = tpu.memref_slice %arg14[%dma_start3A_971, %dma_start3A_972] : memref<10240x128xf32, #tpu.memory_space<vmem_shared>> -> memref<10240x128xf32, #tpu.memory_space<vmem_shared>>
        tpu.enqueue_indirect_dma source(%arg12 : memref<16x128xf32, #tpu.memory_space<vmem>>) target(%dma_start3A_973 : memref<10240x128xf32, #tpu.memory_space<vmem_shared>>) offsets(%dma_start3A_970 : memref<16xi32, #tpu.memory_space<vmem>>) semaphore(%run_scoped3A_967 : memref<!tpu.dma_semaphore, #tpu.memory_space<semaphore_mem>>) {add = true}
        %dma_wait3A_974 = arith.constant 0 : i32
        %dma_wait3A_975 = tpu.memref_slice %arg7[%rem3A_529, %run_scoped3A_586, %dma_wait3A_974] : memref<2x25x16xi32, #tpu.memory_space<vmem>> -> memref<1x1x16xi32, #tpu.memory_space<vmem>>
        %dma_wait3A_976 = tpu.memref_squeeze %dma_wait3A_975 : memref<1x1x16xi32, #tpu.memory_space<vmem>> -> memref<16xi32, #tpu.memory_space<vmem>>
        %dma_wait3A_977 = arith.constant 0 : i32
        %dma_wait3A_978 = arith.constant 0 : i32
        %dma_wait3A_979 = tpu.memref_slice %arg14[%dma_wait3A_977, %dma_wait3A_978] : memref<10240x128xf32, #tpu.memory_space<vmem_shared>> -> memref<10240x128xf32, #tpu.memory_space<vmem_shared>>
        tpu.wait_indirect_dma semaphore(%run_scoped3A_967 : memref<!tpu.dma_semaphore, #tpu.memory_space<semaphore_mem>>) src(%arg12 : memref<16x128xf32, #tpu.memory_space<vmem>>) dst(%dma_wait3A_979 : memref<10240x128xf32, #tpu.memory_space<vmem_shared>>)
        tpu.yield
      }) : () -> ()
      %dma_start3A_587 = arith.constant 8 : i32
      %dma_start3A_588 = arith.constant 0 : i32
      %dma_start3A_589 = tpu.memref_slice %arg8[%rem3A_529, %dma_start3A_587, %dma_start3A_588] : memref<2x25x16xi32, #tpu.memory_space<vmem>> -> memref<1x1x16xi32, #tpu.memory_space<vmem>>
      %dma_start3A_590 = tpu.memref_squeeze %dma_start3A_589 : memref<1x1x16xi32, #tpu.memory_space<vmem>> -> memref<16xi32, #tpu.memory_space<vmem>>
      %dma_start3A_591 = arith.constant 0 : i32
      %dma_start3A_592 = arith.constant 0 : i32
      %dma_start3A_593 = tpu.memref_slice %arg2[%dma_start3A_591, %dma_start3A_592] : memref<10000x128xf32, #tpu.memory_space<hbm>> -> memref<10000x128xf32, #tpu.memory_space<hbm>>
      tpu.enqueue_indirect_dma source(%dma_start3A_593 : memref<10000x128xf32, #tpu.memory_space<hbm>>) target(%arg12 : memref<16x128xf32, #tpu.memory_space<vmem>>) offsets(%dma_start3A_590 : memref<16xi32, #tpu.memory_space<vmem>>) semaphore(%arg18 : memref<!tpu.dma_semaphore, #tpu.memory_space<semaphore_mem>>)
      %dma_wait3A_594 = arith.constant 4 : i32
      %dma_wait3A_595 = arith.constant 0 : i32
      %dma_wait3A_596 = tpu.memref_slice %arg8[%rem3A_529, %dma_wait3A_594, %dma_wait3A_595] : memref<2x25x16xi32, #tpu.memory_space<vmem>> -> memref<1x1x16xi32, #tpu.memory_space<vmem>>
      %dma_wait3A_597 = tpu.memref_squeeze %dma_wait3A_596 : memref<1x1x16xi32, #tpu.memory_space<vmem>> -> memref<16xi32, #tpu.memory_space<vmem>>
      %dma_wait3A_598 = arith.constant 0 : i32
      %dma_wait3A_599 = arith.constant 0 : i32
      %dma_wait3A_600 = tpu.memref_slice %arg2[%dma_wait3A_598, %dma_wait3A_599] : memref<10000x128xf32, #tpu.memory_space<hbm>> -> memref<10000x128xf32, #tpu.memory_space<hbm>>
      tpu.wait_indirect_dma semaphore(%arg19 : memref<!tpu.dma_semaphore, #tpu.memory_space<semaphore_mem>>) src(%dma_wait3A_600 : memref<10000x128xf32, #tpu.memory_space<hbm>>) dst(%arg13 : memref<16x128xf32, #tpu.memory_space<vmem>>)
      %run_scoped3A_601 = arith.constant 4 : i32
      "tpu.region"() ({
        %run_scoped3A_967 = tpu.sem_alloc : memref<!tpu.dma_semaphore, #tpu.memory_space<semaphore_mem>>
        %dma_start3A_968 = arith.constant 0 : i32
        %dma_start3A_969 = tpu.memref_slice %arg7[%rem3A_529, %run_scoped3A_601, %dma_start3A_968] : memref<2x25x16xi32, #tpu.memory_space<vmem>> -> memref<1x1x16xi32, #tpu.memory_space<vmem>>
        %dma_start3A_970 = tpu.memref_squeeze %dma_start3A_969 : memref<1x1x16xi32, #tpu.memory_space<vmem>> -> memref<16xi32, #tpu.memory_space<vmem>>
        %dma_start3A_971 = arith.constant 0 : i32
        %dma_start3A_972 = arith.constant 0 : i32
        %dma_start3A_973 = tpu.memref_slice %arg14[%dma_start3A_971, %dma_start3A_972] : memref<10240x128xf32, #tpu.memory_space<vmem_shared>> -> memref<10240x128xf32, #tpu.memory_space<vmem_shared>>
        tpu.enqueue_indirect_dma source(%arg13 : memref<16x128xf32, #tpu.memory_space<vmem>>) target(%dma_start3A_973 : memref<10240x128xf32, #tpu.memory_space<vmem_shared>>) offsets(%dma_start3A_970 : memref<16xi32, #tpu.memory_space<vmem>>) semaphore(%run_scoped3A_967 : memref<!tpu.dma_semaphore, #tpu.memory_space<semaphore_mem>>) {add = true}
        %dma_wait3A_974 = arith.constant 0 : i32
        %dma_wait3A_975 = tpu.memref_slice %arg7[%rem3A_529, %run_scoped3A_601, %dma_wait3A_974] : memref<2x25x16xi32, #tpu.memory_space<vmem>> -> memref<1x1x16xi32, #tpu.memory_space<vmem>>
        %dma_wait3A_976 = tpu.memref_squeeze %dma_wait3A_975 : memref<1x1x16xi32, #tpu.memory_space<vmem>> -> memref<16xi32, #tpu.memory_space<vmem>>
        %dma_wait3A_977 = arith.constant 0 : i32
        %dma_wait3A_978 = arith.constant 0 : i32
        %dma_wait3A_979 = tpu.memref_slice %arg14[%dma_wait3A_977, %dma_wait3A_978] : memref<10240x128xf32, #tpu.memory_space<vmem_shared>> -> memref<10240x128xf32, #tpu.memory_space<vmem_shared>>
        tpu.wait_indirect_dma semaphore(%run_scoped3A_967 : memref<!tpu.dma_semaphore, #tpu.memory_space<semaphore_mem>>) src(%arg13 : memref<16x128xf32, #tpu.memory_space<vmem>>) dst(%dma_wait3A_979 : memref<10240x128xf32, #tpu.memory_space<vmem_shared>>)
        tpu.yield
      }) : () -> ()
      %dma_start3A_602 = arith.constant 9 : i32
      %dma_start3A_603 = arith.constant 0 : i32
      %dma_start3A_604 = tpu.memref_slice %arg8[%rem3A_529, %dma_start3A_602, %dma_start3A_603] : memref<2x25x16xi32, #tpu.memory_space<vmem>> -> memref<1x1x16xi32, #tpu.memory_space<vmem>>
      %dma_start3A_605 = tpu.memref_squeeze %dma_start3A_604 : memref<1x1x16xi32, #tpu.memory_space<vmem>> -> memref<16xi32, #tpu.memory_space<vmem>>
      %dma_start3A_606 = arith.constant 0 : i32
      %dma_start3A_607 = arith.constant 0 : i32
      %dma_start3A_608 = tpu.memref_slice %arg2[%dma_start3A_606, %dma_start3A_607] : memref<10000x128xf32, #tpu.memory_space<hbm>> -> memref<10000x128xf32, #tpu.memory_space<hbm>>
      tpu.enqueue_indirect_dma source(%dma_start3A_608 : memref<10000x128xf32, #tpu.memory_space<hbm>>) target(%arg13 : memref<16x128xf32, #tpu.memory_space<vmem>>) offsets(%dma_start3A_605 : memref<16xi32, #tpu.memory_space<vmem>>) semaphore(%arg19 : memref<!tpu.dma_semaphore, #tpu.memory_space<semaphore_mem>>)
      %dma_wait3A_609 = arith.constant 5 : i32
      %dma_wait3A_610 = arith.constant 0 : i32
      %dma_wait3A_611 = tpu.memref_slice %arg8[%rem3A_529, %dma_wait3A_609, %dma_wait3A_610] : memref<2x25x16xi32, #tpu.memory_space<vmem>> -> memref<1x1x16xi32, #tpu.memory_space<vmem>>
      %dma_wait3A_612 = tpu.memref_squeeze %dma_wait3A_611 : memref<1x1x16xi32, #tpu.memory_space<vmem>> -> memref<16xi32, #tpu.memory_space<vmem>>
      %dma_wait3A_613 = arith.constant 0 : i32
      %dma_wait3A_614 = arith.constant 0 : i32
      %dma_wait3A_615 = tpu.memref_slice %arg2[%dma_wait3A_613, %dma_wait3A_614] : memref<10000x128xf32, #tpu.memory_space<hbm>> -> memref<10000x128xf32, #tpu.memory_space<hbm>>
      tpu.wait_indirect_dma semaphore(%arg15 : memref<!tpu.dma_semaphore, #tpu.memory_space<semaphore_mem>>) src(%dma_wait3A_615 : memref<10000x128xf32, #tpu.memory_space<hbm>>) dst(%arg9 : memref<16x128xf32, #tpu.memory_space<vmem>>)
      %run_scoped3A_616 = arith.constant 5 : i32
      "tpu.region"() ({
        %run_scoped3A_967 = tpu.sem_alloc : memref<!tpu.dma_semaphore, #tpu.memory_space<semaphore_mem>>
        %dma_start3A_968 = arith.constant 0 : i32
        %dma_start3A_969 = tpu.memref_slice %arg7[%rem3A_529, %run_scoped3A_616, %dma_start3A_968] : memref<2x25x16xi32, #tpu.memory_space<vmem>> -> memref<1x1x16xi32, #tpu.memory_space<vmem>>
        %dma_start3A_970 = tpu.memref_squeeze %dma_start3A_969 : memref<1x1x16xi32, #tpu.memory_space<vmem>> -> memref<16xi32, #tpu.memory_space<vmem>>
        %dma_start3A_971 = arith.constant 0 : i32
        %dma_start3A_972 = arith.constant 0 : i32
        %dma_start3A_973 = tpu.memref_slice %arg14[%dma_start3A_971, %dma_start3A_972] : memref<10240x128xf32, #tpu.memory_space<vmem_shared>> -> memref<10240x128xf32, #tpu.memory_space<vmem_shared>>
        tpu.enqueue_indirect_dma source(%arg9 : memref<16x128xf32, #tpu.memory_space<vmem>>) target(%dma_start3A_973 : memref<10240x128xf32, #tpu.memory_space<vmem_shared>>) offsets(%dma_start3A_970 : memref<16xi32, #tpu.memory_space<vmem>>) semaphore(%run_scoped3A_967 : memref<!tpu.dma_semaphore, #tpu.memory_space<semaphore_mem>>) {add = true}
        %dma_wait3A_974 = arith.constant 0 : i32
        %dma_wait3A_975 = tpu.memref_slice %arg7[%rem3A_529, %run_scoped3A_616, %dma_wait3A_974] : memref<2x25x16xi32, #tpu.memory_space<vmem>> -> memref<1x1x16xi32, #tpu.memory_space<vmem>>
        %dma_wait3A_976 = tpu.memref_squeeze %dma_wait3A_975 : memref<1x1x16xi32, #tpu.memory_space<vmem>> -> memref<16xi32, #tpu.memory_space<vmem>>
        %dma_wait3A_977 = arith.constant 0 : i32
        %dma_wait3A_978 = arith.constant 0 : i32
        %dma_wait3A_979 = tpu.memref_slice %arg14[%dma_wait3A_977, %dma_wait3A_978] : memref<10240x128xf32, #tpu.memory_space<vmem_shared>> -> memref<10240x128xf32, #tpu.memory_space<vmem_shared>>
        tpu.wait_indirect_dma semaphore(%run_scoped3A_967 : memref<!tpu.dma_semaphore, #tpu.memory_space<semaphore_mem>>) src(%arg9 : memref<16x128xf32, #tpu.memory_space<vmem>>) dst(%dma_wait3A_979 : memref<10240x128xf32, #tpu.memory_space<vmem_shared>>)
        tpu.yield
      }) : () -> ()
      %dma_start3A_617 = arith.constant 10 : i32
      %dma_start3A_618 = arith.constant 0 : i32
      %dma_start3A_619 = tpu.memref_slice %arg8[%rem3A_529, %dma_start3A_617, %dma_start3A_618] : memref<2x25x16xi32, #tpu.memory_space<vmem>> -> memref<1x1x16xi32, #tpu.memory_space<vmem>>
      %dma_start3A_620 = tpu.memref_squeeze %dma_start3A_619 : memref<1x1x16xi32, #tpu.memory_space<vmem>> -> memref<16xi32, #tpu.memory_space<vmem>>
      %dma_start3A_621 = arith.constant 0 : i32
      %dma_start3A_622 = arith.constant 0 : i32
      %dma_start3A_623 = tpu.memref_slice %arg2[%dma_start3A_621, %dma_start3A_622] : memref<10000x128xf32, #tpu.memory_space<hbm>> -> memref<10000x128xf32, #tpu.memory_space<hbm>>
      tpu.enqueue_indirect_dma source(%dma_start3A_623 : memref<10000x128xf32, #tpu.memory_space<hbm>>) target(%arg9 : memref<16x128xf32, #tpu.memory_space<vmem>>) offsets(%dma_start3A_620 : memref<16xi32, #tpu.memory_space<vmem>>) semaphore(%arg15 : memref<!tpu.dma_semaphore, #tpu.memory_space<semaphore_mem>>)
      %dma_wait3A_624 = arith.constant 6 : i32
      %dma_wait3A_625 = arith.constant 0 : i32
      %dma_wait3A_626 = tpu.memref_slice %arg8[%rem3A_529, %dma_wait3A_624, %dma_wait3A_625] : memref<2x25x16xi32, #tpu.memory_space<vmem>> -> memref<1x1x16xi32, #tpu.memory_space<vmem>>
      %dma_wait3A_627 = tpu.memref_squeeze %dma_wait3A_626 : memref<1x1x16xi32, #tpu.memory_space<vmem>> -> memref<16xi32, #tpu.memory_space<vmem>>
      %dma_wait3A_628 = arith.constant 0 : i32
      %dma_wait3A_629 = arith.constant 0 : i32
      %dma_wait3A_630 = tpu.memref_slice %arg2[%dma_wait3A_628, %dma_wait3A_629] : memref<10000x128xf32, #tpu.memory_space<hbm>> -> memref<10000x128xf32, #tpu.memory_space<hbm>>
      tpu.wait_indirect_dma semaphore(%arg16 : memref<!tpu.dma_semaphore, #tpu.memory_space<semaphore_mem>>) src(%dma_wait3A_630 : memref<10000x128xf32, #tpu.memory_space<hbm>>) dst(%arg10 : memref<16x128xf32, #tpu.memory_space<vmem>>)
      %run_scoped3A_631 = arith.constant 6 : i32
      "tpu.region"() ({
        %run_scoped3A_967 = tpu.sem_alloc : memref<!tpu.dma_semaphore, #tpu.memory_space<semaphore_mem>>
        %dma_start3A_968 = arith.constant 0 : i32
        %dma_start3A_969 = tpu.memref_slice %arg7[%rem3A_529, %run_scoped3A_631, %dma_start3A_968] : memref<2x25x16xi32, #tpu.memory_space<vmem>> -> memref<1x1x16xi32, #tpu.memory_space<vmem>>
        %dma_start3A_970 = tpu.memref_squeeze %dma_start3A_969 : memref<1x1x16xi32, #tpu.memory_space<vmem>> -> memref<16xi32, #tpu.memory_space<vmem>>
        %dma_start3A_971 = arith.constant 0 : i32
        %dma_start3A_972 = arith.constant 0 : i32
        %dma_start3A_973 = tpu.memref_slice %arg14[%dma_start3A_971, %dma_start3A_972] : memref<10240x128xf32, #tpu.memory_space<vmem_shared>> -> memref<10240x128xf32, #tpu.memory_space<vmem_shared>>
        tpu.enqueue_indirect_dma source(%arg10 : memref<16x128xf32, #tpu.memory_space<vmem>>) target(%dma_start3A_973 : memref<10240x128xf32, #tpu.memory_space<vmem_shared>>) offsets(%dma_start3A_970 : memref<16xi32, #tpu.memory_space<vmem>>) semaphore(%run_scoped3A_967 : memref<!tpu.dma_semaphore, #tpu.memory_space<semaphore_mem>>) {add = true}
        %dma_wait3A_974 = arith.constant 0 : i32
        %dma_wait3A_975 = tpu.memref_slice %arg7[%rem3A_529, %run_scoped3A_631, %dma_wait3A_974] : memref<2x25x16xi32, #tpu.memory_space<vmem>> -> memref<1x1x16xi32, #tpu.memory_space<vmem>>
        %dma_wait3A_976 = tpu.memref_squeeze %dma_wait3A_975 : memref<1x1x16xi32, #tpu.memory_space<vmem>> -> memref<16xi32, #tpu.memory_space<vmem>>
        %dma_wait3A_977 = arith.constant 0 : i32
        %dma_wait3A_978 = arith.constant 0 : i32
        %dma_wait3A_979 = tpu.memref_slice %arg14[%dma_wait3A_977, %dma_wait3A_978] : memref<10240x128xf32, #tpu.memory_space<vmem_shared>> -> memref<10240x128xf32, #tpu.memory_space<vmem_shared>>
        tpu.wait_indirect_dma semaphore(%run_scoped3A_967 : memref<!tpu.dma_semaphore, #tpu.memory_space<semaphore_mem>>) src(%arg10 : memref<16x128xf32, #tpu.memory_space<vmem>>) dst(%dma_wait3A_979 : memref<10240x128xf32, #tpu.memory_space<vmem_shared>>)
        tpu.yield
      }) : () -> ()
      %dma_start3A_632 = arith.constant 11 : i32
      %dma_start3A_633 = arith.constant 0 : i32
      %dma_start3A_634 = tpu.memref_slice %arg8[%rem3A_529, %dma_start3A_632, %dma_start3A_633] : memref<2x25x16xi32, #tpu.memory_space<vmem>> -> memref<1x1x16xi32, #tpu.memory_space<vmem>>
      %dma_start3A_635 = tpu.memref_squeeze %dma_start3A_634 : memref<1x1x16xi32, #tpu.memory_space<vmem>> -> memref<16xi32, #tpu.memory_space<vmem>>
      %dma_start3A_636 = arith.constant 0 : i32
      %dma_start3A_637 = arith.constant 0 : i32
      %dma_start3A_638 = tpu.memref_slice %arg2[%dma_start3A_636, %dma_start3A_637] : memref<10000x128xf32, #tpu.memory_space<hbm>> -> memref<10000x128xf32, #tpu.memory_space<hbm>>
      tpu.enqueue_indirect_dma source(%dma_start3A_638 : memref<10000x128xf32, #tpu.memory_space<hbm>>) target(%arg10 : memref<16x128xf32, #tpu.memory_space<vmem>>) offsets(%dma_start3A_635 : memref<16xi32, #tpu.memory_space<vmem>>) semaphore(%arg16 : memref<!tpu.dma_semaphore, #tpu.memory_space<semaphore_mem>>)
      %dma_wait3A_639 = arith.constant 7 : i32
      %dma_wait3A_640 = arith.constant 0 : i32
      %dma_wait3A_641 = tpu.memref_slice %arg8[%rem3A_529, %dma_wait3A_639, %dma_wait3A_640] : memref<2x25x16xi32, #tpu.memory_space<vmem>> -> memref<1x1x16xi32, #tpu.memory_space<vmem>>
      %dma_wait3A_642 = tpu.memref_squeeze %dma_wait3A_641 : memref<1x1x16xi32, #tpu.memory_space<vmem>> -> memref<16xi32, #tpu.memory_space<vmem>>
      %dma_wait3A_643 = arith.constant 0 : i32
      %dma_wait3A_644 = arith.constant 0 : i32
      %dma_wait3A_645 = tpu.memref_slice %arg2[%dma_wait3A_643, %dma_wait3A_644] : memref<10000x128xf32, #tpu.memory_space<hbm>> -> memref<10000x128xf32, #tpu.memory_space<hbm>>
      tpu.wait_indirect_dma semaphore(%arg17 : memref<!tpu.dma_semaphore, #tpu.memory_space<semaphore_mem>>) src(%dma_wait3A_645 : memref<10000x128xf32, #tpu.memory_space<hbm>>) dst(%arg11 : memref<16x128xf32, #tpu.memory_space<vmem>>)
      %run_scoped3A_646 = arith.constant 7 : i32
      "tpu.region"() ({
        %run_scoped3A_967 = tpu.sem_alloc : memref<!tpu.dma_semaphore, #tpu.memory_space<semaphore_mem>>
        %dma_start3A_968 = arith.constant 0 : i32
        %dma_start3A_969 = tpu.memref_slice %arg7[%rem3A_529, %run_scoped3A_646, %dma_start3A_968] : memref<2x25x16xi32, #tpu.memory_space<vmem>> -> memref<1x1x16xi32, #tpu.memory_space<vmem>>
        %dma_start3A_970 = tpu.memref_squeeze %dma_start3A_969 : memref<1x1x16xi32, #tpu.memory_space<vmem>> -> memref<16xi32, #tpu.memory_space<vmem>>
        %dma_start3A_971 = arith.constant 0 : i32
        %dma_start3A_972 = arith.constant 0 : i32
        %dma_start3A_973 = tpu.memref_slice %arg14[%dma_start3A_971, %dma_start3A_972] : memref<10240x128xf32, #tpu.memory_space<vmem_shared>> -> memref<10240x128xf32, #tpu.memory_space<vmem_shared>>
        tpu.enqueue_indirect_dma source(%arg11 : memref<16x128xf32, #tpu.memory_space<vmem>>) target(%dma_start3A_973 : memref<10240x128xf32, #tpu.memory_space<vmem_shared>>) offsets(%dma_start3A_970 : memref<16xi32, #tpu.memory_space<vmem>>) semaphore(%run_scoped3A_967 : memref<!tpu.dma_semaphore, #tpu.memory_space<semaphore_mem>>) {add = true}
        %dma_wait3A_974 = arith.constant 0 : i32
        %dma_wait3A_975 = tpu.memref_slice %arg7[%rem3A_529, %run_scoped3A_646, %dma_wait3A_974] : memref<2x25x16xi32, #tpu.memory_space<vmem>> -> memref<1x1x16xi32, #tpu.memory_space<vmem>>
        %dma_wait3A_976 = tpu.memref_squeeze %dma_wait3A_975 : memref<1x1x16xi32, #tpu.memory_space<vmem>> -> memref<16xi32, #tpu.memory_space<vmem>>
        %dma_wait3A_977 = arith.constant 0 : i32
        %dma_wait3A_978 = arith.constant 0 : i32
        %dma_wait3A_979 = tpu.memref_slice %arg14[%dma_wait3A_977, %dma_wait3A_978] : memref<10240x128xf32, #tpu.memory_space<vmem_shared>> -> memref<10240x128xf32, #tpu.memory_space<vmem_shared>>
        tpu.wait_indirect_dma semaphore(%run_scoped3A_967 : memref<!tpu.dma_semaphore, #tpu.memory_space<semaphore_mem>>) src(%arg11 : memref<16x128xf32, #tpu.memory_space<vmem>>) dst(%dma_wait3A_979 : memref<10240x128xf32, #tpu.memory_space<vmem_shared>>)
        tpu.yield
      }) : () -> ()
      %dma_start3A_647 = arith.constant 12 : i32
      %dma_start3A_648 = arith.constant 0 : i32
      %dma_start3A_649 = tpu.memref_slice %arg8[%rem3A_529, %dma_start3A_647, %dma_start3A_648] : memref<2x25x16xi32, #tpu.memory_space<vmem>> -> memref<1x1x16xi32, #tpu.memory_space<vmem>>
      %dma_start3A_650 = tpu.memref_squeeze %dma_start3A_649 : memref<1x1x16xi32, #tpu.memory_space<vmem>> -> memref<16xi32, #tpu.memory_space<vmem>>
      %dma_start3A_651 = arith.constant 0 : i32
      %dma_start3A_652 = arith.constant 0 : i32
      %dma_start3A_653 = tpu.memref_slice %arg2[%dma_start3A_651, %dma_start3A_652] : memref<10000x128xf32, #tpu.memory_space<hbm>> -> memref<10000x128xf32, #tpu.memory_space<hbm>>
      tpu.enqueue_indirect_dma source(%dma_start3A_653 : memref<10000x128xf32, #tpu.memory_space<hbm>>) target(%arg11 : memref<16x128xf32, #tpu.memory_space<vmem>>) offsets(%dma_start3A_650 : memref<16xi32, #tpu.memory_space<vmem>>) semaphore(%arg17 : memref<!tpu.dma_semaphore, #tpu.memory_space<semaphore_mem>>)
      %dma_wait3A_654 = arith.constant 8 : i32
      %dma_wait3A_655 = arith.constant 0 : i32
      %dma_wait3A_656 = tpu.memref_slice %arg8[%rem3A_529, %dma_wait3A_654, %dma_wait3A_655] : memref<2x25x16xi32, #tpu.memory_space<vmem>> -> memref<1x1x16xi32, #tpu.memory_space<vmem>>
      %dma_wait3A_657 = tpu.memref_squeeze %dma_wait3A_656 : memref<1x1x16xi32, #tpu.memory_space<vmem>> -> memref<16xi32, #tpu.memory_space<vmem>>
      %dma_wait3A_658 = arith.constant 0 : i32
      %dma_wait3A_659 = arith.constant 0 : i32
      %dma_wait3A_660 = tpu.memref_slice %arg2[%dma_wait3A_658, %dma_wait3A_659] : memref<10000x128xf32, #tpu.memory_space<hbm>> -> memref<10000x128xf32, #tpu.memory_space<hbm>>
      tpu.wait_indirect_dma semaphore(%arg18 : memref<!tpu.dma_semaphore, #tpu.memory_space<semaphore_mem>>) src(%dma_wait3A_660 : memref<10000x128xf32, #tpu.memory_space<hbm>>) dst(%arg12 : memref<16x128xf32, #tpu.memory_space<vmem>>)
      %run_scoped3A_661 = arith.constant 8 : i32
      "tpu.region"() ({
        %run_scoped3A_967 = tpu.sem_alloc : memref<!tpu.dma_semaphore, #tpu.memory_space<semaphore_mem>>
        %dma_start3A_968 = arith.constant 0 : i32
        %dma_start3A_969 = tpu.memref_slice %arg7[%rem3A_529, %run_scoped3A_661, %dma_start3A_968] : memref<2x25x16xi32, #tpu.memory_space<vmem>> -> memref<1x1x16xi32, #tpu.memory_space<vmem>>
        %dma_start3A_970 = tpu.memref_squeeze %dma_start3A_969 : memref<1x1x16xi32, #tpu.memory_space<vmem>> -> memref<16xi32, #tpu.memory_space<vmem>>
        %dma_start3A_971 = arith.constant 0 : i32
        %dma_start3A_972 = arith.constant 0 : i32
        %dma_start3A_973 = tpu.memref_slice %arg14[%dma_start3A_971, %dma_start3A_972] : memref<10240x128xf32, #tpu.memory_space<vmem_shared>> -> memref<10240x128xf32, #tpu.memory_space<vmem_shared>>
        tpu.enqueue_indirect_dma source(%arg12 : memref<16x128xf32, #tpu.memory_space<vmem>>) target(%dma_start3A_973 : memref<10240x128xf32, #tpu.memory_space<vmem_shared>>) offsets(%dma_start3A_970 : memref<16xi32, #tpu.memory_space<vmem>>) semaphore(%run_scoped3A_967 : memref<!tpu.dma_semaphore, #tpu.memory_space<semaphore_mem>>) {add = true}
        %dma_wait3A_974 = arith.constant 0 : i32
        %dma_wait3A_975 = tpu.memref_slice %arg7[%rem3A_529, %run_scoped3A_661, %dma_wait3A_974] : memref<2x25x16xi32, #tpu.memory_space<vmem>> -> memref<1x1x16xi32, #tpu.memory_space<vmem>>
        %dma_wait3A_976 = tpu.memref_squeeze %dma_wait3A_975 : memref<1x1x16xi32, #tpu.memory_space<vmem>> -> memref<16xi32, #tpu.memory_space<vmem>>
        %dma_wait3A_977 = arith.constant 0 : i32
        %dma_wait3A_978 = arith.constant 0 : i32
        %dma_wait3A_979 = tpu.memref_slice %arg14[%dma_wait3A_977, %dma_wait3A_978] : memref<10240x128xf32, #tpu.memory_space<vmem_shared>> -> memref<10240x128xf32, #tpu.memory_space<vmem_shared>>
        tpu.wait_indirect_dma semaphore(%run_scoped3A_967 : memref<!tpu.dma_semaphore, #tpu.memory_space<semaphore_mem>>) src(%arg12 : memref<16x128xf32, #tpu.memory_space<vmem>>) dst(%dma_wait3A_979 : memref<10240x128xf32, #tpu.memory_space<vmem_shared>>)
        tpu.yield
      }) : () -> ()
      %dma_start3A_662 = arith.constant 13 : i32
      %dma_start3A_663 = arith.constant 0 : i32
      %dma_start3A_664 = tpu.memref_slice %arg8[%rem3A_529, %dma_start3A_662, %dma_start3A_663] : memref<2x25x16xi32, #tpu.memory_space<vmem>> -> memref<1x1x16xi32, #tpu.memory_space<vmem>>
      %dma_start3A_665 = tpu.memref_squeeze %dma_start3A_664 : memref<1x1x16xi32, #tpu.memory_space<vmem>> -> memref<16xi32, #tpu.memory_space<vmem>>
      %dma_start3A_666 = arith.constant 0 : i32
      %dma_start3A_667 = arith.constant 0 : i32
      %dma_start3A_668 = tpu.memref_slice %arg2[%dma_start3A_666, %dma_start3A_667] : memref<10000x128xf32, #tpu.memory_space<hbm>> -> memref<10000x128xf32, #tpu.memory_space<hbm>>
      tpu.enqueue_indirect_dma source(%dma_start3A_668 : memref<10000x128xf32, #tpu.memory_space<hbm>>) target(%arg12 : memref<16x128xf32, #tpu.memory_space<vmem>>) offsets(%dma_start3A_665 : memref<16xi32, #tpu.memory_space<vmem>>) semaphore(%arg18 : memref<!tpu.dma_semaphore, #tpu.memory_space<semaphore_mem>>)
      %dma_wait3A_669 = arith.constant 9 : i32
      %dma_wait3A_670 = arith.constant 0 : i32
      %dma_wait3A_671 = tpu.memref_slice %arg8[%rem3A_529, %dma_wait3A_669, %dma_wait3A_670] : memref<2x25x16xi32, #tpu.memory_space<vmem>> -> memref<1x1x16xi32, #tpu.memory_space<vmem>>
      %dma_wait3A_672 = tpu.memref_squeeze %dma_wait3A_671 : memref<1x1x16xi32, #tpu.memory_space<vmem>> -> memref<16xi32, #tpu.memory_space<vmem>>
      %dma_wait3A_673 = arith.constant 0 : i32
      %dma_wait3A_674 = arith.constant 0 : i32
      %dma_wait3A_675 = tpu.memref_slice %arg2[%dma_wait3A_673, %dma_wait3A_674] : memref<10000x128xf32, #tpu.memory_space<hbm>> -> memref<10000x128xf32, #tpu.memory_space<hbm>>
      tpu.wait_indirect_dma semaphore(%arg19 : memref<!tpu.dma_semaphore, #tpu.memory_space<semaphore_mem>>) src(%dma_wait3A_675 : memref<10000x128xf32, #tpu.memory_space<hbm>>) dst(%arg13 : memref<16x128xf32, #tpu.memory_space<vmem>>)
      %run_scoped3A_676 = arith.constant 9 : i32
      "tpu.region"() ({
        %run_scoped3A_967 = tpu.sem_alloc : memref<!tpu.dma_semaphore, #tpu.memory_space<semaphore_mem>>
        %dma_start3A_968 = arith.constant 0 : i32
        %dma_start3A_969 = tpu.memref_slice %arg7[%rem3A_529, %run_scoped3A_676, %dma_start3A_968] : memref<2x25x16xi32, #tpu.memory_space<vmem>> -> memref<1x1x16xi32, #tpu.memory_space<vmem>>
        %dma_start3A_970 = tpu.memref_squeeze %dma_start3A_969 : memref<1x1x16xi32, #tpu.memory_space<vmem>> -> memref<16xi32, #tpu.memory_space<vmem>>
        %dma_start3A_971 = arith.constant 0 : i32
        %dma_start3A_972 = arith.constant 0 : i32
        %dma_start3A_973 = tpu.memref_slice %arg14[%dma_start3A_971, %dma_start3A_972] : memref<10240x128xf32, #tpu.memory_space<vmem_shared>> -> memref<10240x128xf32, #tpu.memory_space<vmem_shared>>
        tpu.enqueue_indirect_dma source(%arg13 : memref<16x128xf32, #tpu.memory_space<vmem>>) target(%dma_start3A_973 : memref<10240x128xf32, #tpu.memory_space<vmem_shared>>) offsets(%dma_start3A_970 : memref<16xi32, #tpu.memory_space<vmem>>) semaphore(%run_scoped3A_967 : memref<!tpu.dma_semaphore, #tpu.memory_space<semaphore_mem>>) {add = true}
        %dma_wait3A_974 = arith.constant 0 : i32
        %dma_wait3A_975 = tpu.memref_slice %arg7[%rem3A_529, %run_scoped3A_676, %dma_wait3A_974] : memref<2x25x16xi32, #tpu.memory_space<vmem>> -> memref<1x1x16xi32, #tpu.memory_space<vmem>>
        %dma_wait3A_976 = tpu.memref_squeeze %dma_wait3A_975 : memref<1x1x16xi32, #tpu.memory_space<vmem>> -> memref<16xi32, #tpu.memory_space<vmem>>
        %dma_wait3A_977 = arith.constant 0 : i32
        %dma_wait3A_978 = arith.constant 0 : i32
        %dma_wait3A_979 = tpu.memref_slice %arg14[%dma_wait3A_977, %dma_wait3A_978] : memref<10240x128xf32, #tpu.memory_space<vmem_shared>> -> memref<10240x128xf32, #tpu.memory_space<vmem_shared>>
        tpu.wait_indirect_dma semaphore(%run_scoped3A_967 : memref<!tpu.dma_semaphore, #tpu.memory_space<semaphore_mem>>) src(%arg13 : memref<16x128xf32, #tpu.memory_space<vmem>>) dst(%dma_wait3A_979 : memref<10240x128xf32, #tpu.memory_space<vmem_shared>>)
        tpu.yield
      }) : () -> ()
      %dma_start3A_677 = arith.constant 14 : i32
      %dma_start3A_678 = arith.constant 0 : i32
      %dma_start3A_679 = tpu.memref_slice %arg8[%rem3A_529, %dma_start3A_677, %dma_start3A_678] : memref<2x25x16xi32, #tpu.memory_space<vmem>> -> memref<1x1x16xi32, #tpu.memory_space<vmem>>
      %dma_start3A_680 = tpu.memref_squeeze %dma_start3A_679 : memref<1x1x16xi32, #tpu.memory_space<vmem>> -> memref<16xi32, #tpu.memory_space<vmem>>
      %dma_start3A_681 = arith.constant 0 : i32
      %dma_start3A_682 = arith.constant 0 : i32
      %dma_start3A_683 = tpu.memref_slice %arg2[%dma_start3A_681, %dma_start3A_682] : memref<10000x128xf32, #tpu.memory_space<hbm>> -> memref<10000x128xf32, #tpu.memory_space<hbm>>
      tpu.enqueue_indirect_dma source(%dma_start3A_683 : memref<10000x128xf32, #tpu.memory_space<hbm>>) target(%arg13 : memref<16x128xf32, #tpu.memory_space<vmem>>) offsets(%dma_start3A_680 : memref<16xi32, #tpu.memory_space<vmem>>) semaphore(%arg19 : memref<!tpu.dma_semaphore, #tpu.memory_space<semaphore_mem>>)
      %dma_wait3A_684 = arith.constant 10 : i32
      %dma_wait3A_685 = arith.constant 0 : i32
      %dma_wait3A_686 = tpu.memref_slice %arg8[%rem3A_529, %dma_wait3A_684, %dma_wait3A_685] : memref<2x25x16xi32, #tpu.memory_space<vmem>> -> memref<1x1x16xi32, #tpu.memory_space<vmem>>
      %dma_wait3A_687 = tpu.memref_squeeze %dma_wait3A_686 : memref<1x1x16xi32, #tpu.memory_space<vmem>> -> memref<16xi32, #tpu.memory_space<vmem>>
      %dma_wait3A_688 = arith.constant 0 : i32
      %dma_wait3A_689 = arith.constant 0 : i32
      %dma_wait3A_690 = tpu.memref_slice %arg2[%dma_wait3A_688, %dma_wait3A_689] : memref<10000x128xf32, #tpu.memory_space<hbm>> -> memref<10000x128xf32, #tpu.memory_space<hbm>>
      tpu.wait_indirect_dma semaphore(%arg15 : memref<!tpu.dma_semaphore, #tpu.memory_space<semaphore_mem>>) src(%dma_wait3A_690 : memref<10000x128xf32, #tpu.memory_space<hbm>>) dst(%arg9 : memref<16x128xf32, #tpu.memory_space<vmem>>)
      %run_scoped3A_691 = arith.constant 10 : i32
      "tpu.region"() ({
        %run_scoped3A_967 = tpu.sem_alloc : memref<!tpu.dma_semaphore, #tpu.memory_space<semaphore_mem>>
        %dma_start3A_968 = arith.constant 0 : i32
        %dma_start3A_969 = tpu.memref_slice %arg7[%rem3A_529, %run_scoped3A_691, %dma_start3A_968] : memref<2x25x16xi32, #tpu.memory_space<vmem>> -> memref<1x1x16xi32, #tpu.memory_space<vmem>>
        %dma_start3A_970 = tpu.memref_squeeze %dma_start3A_969 : memref<1x1x16xi32, #tpu.memory_space<vmem>> -> memref<16xi32, #tpu.memory_space<vmem>>
        %dma_start3A_971 = arith.constant 0 : i32
        %dma_start3A_972 = arith.constant 0 : i32
        %dma_start3A_973 = tpu.memref_slice %arg14[%dma_start3A_971, %dma_start3A_972] : memref<10240x128xf32, #tpu.memory_space<vmem_shared>> -> memref<10240x128xf32, #tpu.memory_space<vmem_shared>>
        tpu.enqueue_indirect_dma source(%arg9 : memref<16x128xf32, #tpu.memory_space<vmem>>) target(%dma_start3A_973 : memref<10240x128xf32, #tpu.memory_space<vmem_shared>>) offsets(%dma_start3A_970 : memref<16xi32, #tpu.memory_space<vmem>>) semaphore(%run_scoped3A_967 : memref<!tpu.dma_semaphore, #tpu.memory_space<semaphore_mem>>) {add = true}
        %dma_wait3A_974 = arith.constant 0 : i32
        %dma_wait3A_975 = tpu.memref_slice %arg7[%rem3A_529, %run_scoped3A_691, %dma_wait3A_974] : memref<2x25x16xi32, #tpu.memory_space<vmem>> -> memref<1x1x16xi32, #tpu.memory_space<vmem>>
        %dma_wait3A_976 = tpu.memref_squeeze %dma_wait3A_975 : memref<1x1x16xi32, #tpu.memory_space<vmem>> -> memref<16xi32, #tpu.memory_space<vmem>>
        %dma_wait3A_977 = arith.constant 0 : i32
        %dma_wait3A_978 = arith.constant 0 : i32
        %dma_wait3A_979 = tpu.memref_slice %arg14[%dma_wait3A_977, %dma_wait3A_978] : memref<10240x128xf32, #tpu.memory_space<vmem_shared>> -> memref<10240x128xf32, #tpu.memory_space<vmem_shared>>
        tpu.wait_indirect_dma semaphore(%run_scoped3A_967 : memref<!tpu.dma_semaphore, #tpu.memory_space<semaphore_mem>>) src(%arg9 : memref<16x128xf32, #tpu.memory_space<vmem>>) dst(%dma_wait3A_979 : memref<10240x128xf32, #tpu.memory_space<vmem_shared>>)
        tpu.yield
      }) : () -> ()
      %dma_start3A_692 = arith.constant 15 : i32
      %dma_start3A_693 = arith.constant 0 : i32
      %dma_start3A_694 = tpu.memref_slice %arg8[%rem3A_529, %dma_start3A_692, %dma_start3A_693] : memref<2x25x16xi32, #tpu.memory_space<vmem>> -> memref<1x1x16xi32, #tpu.memory_space<vmem>>
      %dma_start3A_695 = tpu.memref_squeeze %dma_start3A_694 : memref<1x1x16xi32, #tpu.memory_space<vmem>> -> memref<16xi32, #tpu.memory_space<vmem>>
      %dma_start3A_696 = arith.constant 0 : i32
      %dma_start3A_697 = arith.constant 0 : i32
      %dma_start3A_698 = tpu.memref_slice %arg2[%dma_start3A_696, %dma_start3A_697] : memref<10000x128xf32, #tpu.memory_space<hbm>> -> memref<10000x128xf32, #tpu.memory_space<hbm>>
      tpu.enqueue_indirect_dma source(%dma_start3A_698 : memref<10000x128xf32, #tpu.memory_space<hbm>>) target(%arg9 : memref<16x128xf32, #tpu.memory_space<vmem>>) offsets(%dma_start3A_695 : memref<16xi32, #tpu.memory_space<vmem>>) semaphore(%arg15 : memref<!tpu.dma_semaphore, #tpu.memory_space<semaphore_mem>>)
      %dma_wait3A_699 = arith.constant 11 : i32
      %dma_wait3A_700 = arith.constant 0 : i32
      %dma_wait3A_701 = tpu.memref_slice %arg8[%rem3A_529, %dma_wait3A_699, %dma_wait3A_700] : memref<2x25x16xi32, #tpu.memory_space<vmem>> -> memref<1x1x16xi32, #tpu.memory_space<vmem>>
      %dma_wait3A_702 = tpu.memref_squeeze %dma_wait3A_701 : memref<1x1x16xi32, #tpu.memory_space<vmem>> -> memref<16xi32, #tpu.memory_space<vmem>>
      %dma_wait3A_703 = arith.constant 0 : i32
      %dma_wait3A_704 = arith.constant 0 : i32
      %dma_wait3A_705 = tpu.memref_slice %arg2[%dma_wait3A_703, %dma_wait3A_704] : memref<10000x128xf32, #tpu.memory_space<hbm>> -> memref<10000x128xf32, #tpu.memory_space<hbm>>
      tpu.wait_indirect_dma semaphore(%arg16 : memref<!tpu.dma_semaphore, #tpu.memory_space<semaphore_mem>>) src(%dma_wait3A_705 : memref<10000x128xf32, #tpu.memory_space<hbm>>) dst(%arg10 : memref<16x128xf32, #tpu.memory_space<vmem>>)
      %run_scoped3A_706 = arith.constant 11 : i32
      "tpu.region"() ({
        %run_scoped3A_967 = tpu.sem_alloc : memref<!tpu.dma_semaphore, #tpu.memory_space<semaphore_mem>>
        %dma_start3A_968 = arith.constant 0 : i32
        %dma_start3A_969 = tpu.memref_slice %arg7[%rem3A_529, %run_scoped3A_706, %dma_start3A_968] : memref<2x25x16xi32, #tpu.memory_space<vmem>> -> memref<1x1x16xi32, #tpu.memory_space<vmem>>
        %dma_start3A_970 = tpu.memref_squeeze %dma_start3A_969 : memref<1x1x16xi32, #tpu.memory_space<vmem>> -> memref<16xi32, #tpu.memory_space<vmem>>
        %dma_start3A_971 = arith.constant 0 : i32
        %dma_start3A_972 = arith.constant 0 : i32
        %dma_start3A_973 = tpu.memref_slice %arg14[%dma_start3A_971, %dma_start3A_972] : memref<10240x128xf32, #tpu.memory_space<vmem_shared>> -> memref<10240x128xf32, #tpu.memory_space<vmem_shared>>
        tpu.enqueue_indirect_dma source(%arg10 : memref<16x128xf32, #tpu.memory_space<vmem>>) target(%dma_start3A_973 : memref<10240x128xf32, #tpu.memory_space<vmem_shared>>) offsets(%dma_start3A_970 : memref<16xi32, #tpu.memory_space<vmem>>) semaphore(%run_scoped3A_967 : memref<!tpu.dma_semaphore, #tpu.memory_space<semaphore_mem>>) {add = true}
        %dma_wait3A_974 = arith.constant 0 : i32
        %dma_wait3A_975 = tpu.memref_slice %arg7[%rem3A_529, %run_scoped3A_706, %dma_wait3A_974] : memref<2x25x16xi32, #tpu.memory_space<vmem>> -> memref<1x1x16xi32, #tpu.memory_space<vmem>>
        %dma_wait3A_976 = tpu.memref_squeeze %dma_wait3A_975 : memref<1x1x16xi32, #tpu.memory_space<vmem>> -> memref<16xi32, #tpu.memory_space<vmem>>
        %dma_wait3A_977 = arith.constant 0 : i32
        %dma_wait3A_978 = arith.constant 0 : i32
        %dma_wait3A_979 = tpu.memref_slice %arg14[%dma_wait3A_977, %dma_wait3A_978] : memref<10240x128xf32, #tpu.memory_space<vmem_shared>> -> memref<10240x128xf32, #tpu.memory_space<vmem_shared>>
        tpu.wait_indirect_dma semaphore(%run_scoped3A_967 : memref<!tpu.dma_semaphore, #tpu.memory_space<semaphore_mem>>) src(%arg10 : memref<16x128xf32, #tpu.memory_space<vmem>>) dst(%dma_wait3A_979 : memref<10240x128xf32, #tpu.memory_space<vmem_shared>>)
        tpu.yield
      }) : () -> ()
      %dma_start3A_707 = arith.constant 16 : i32
      %dma_start3A_708 = arith.constant 0 : i32
      %dma_start3A_709 = tpu.memref_slice %arg8[%rem3A_529, %dma_start3A_707, %dma_start3A_708] : memref<2x25x16xi32, #tpu.memory_space<vmem>> -> memref<1x1x16xi32, #tpu.memory_space<vmem>>
      %dma_start3A_710 = tpu.memref_squeeze %dma_start3A_709 : memref<1x1x16xi32, #tpu.memory_space<vmem>> -> memref<16xi32, #tpu.memory_space<vmem>>
      %dma_start3A_711 = arith.constant 0 : i32
      %dma_start3A_712 = arith.constant 0 : i32
      %dma_start3A_713 = tpu.memref_slice %arg2[%dma_start3A_711, %dma_start3A_712] : memref<10000x128xf32, #tpu.memory_space<hbm>> -> memref<10000x128xf32, #tpu.memory_space<hbm>>
      tpu.enqueue_indirect_dma source(%dma_start3A_713 : memref<10000x128xf32, #tpu.memory_space<hbm>>) target(%arg10 : memref<16x128xf32, #tpu.memory_space<vmem>>) offsets(%dma_start3A_710 : memref<16xi32, #tpu.memory_space<vmem>>) semaphore(%arg16 : memref<!tpu.dma_semaphore, #tpu.memory_space<semaphore_mem>>)
      %dma_wait3A_714 = arith.constant 12 : i32
      %dma_wait3A_715 = arith.constant 0 : i32
      %dma_wait3A_716 = tpu.memref_slice %arg8[%rem3A_529, %dma_wait3A_714, %dma_wait3A_715] : memref<2x25x16xi32, #tpu.memory_space<vmem>> -> memref<1x1x16xi32, #tpu.memory_space<vmem>>
      %dma_wait3A_717 = tpu.memref_squeeze %dma_wait3A_716 : memref<1x1x16xi32, #tpu.memory_space<vmem>> -> memref<16xi32, #tpu.memory_space<vmem>>
      %dma_wait3A_718 = arith.constant 0 : i32
      %dma_wait3A_719 = arith.constant 0 : i32
      %dma_wait3A_720 = tpu.memref_slice %arg2[%dma_wait3A_718, %dma_wait3A_719] : memref<10000x128xf32, #tpu.memory_space<hbm>> -> memref<10000x128xf32, #tpu.memory_space<hbm>>
      tpu.wait_indirect_dma semaphore(%arg17 : memref<!tpu.dma_semaphore, #tpu.memory_space<semaphore_mem>>) src(%dma_wait3A_720 : memref<10000x128xf32, #tpu.memory_space<hbm>>) dst(%arg11 : memref<16x128xf32, #tpu.memory_space<vmem>>)
      %run_scoped3A_721 = arith.constant 12 : i32
      "tpu.region"() ({
        %run_scoped3A_967 = tpu.sem_alloc : memref<!tpu.dma_semaphore, #tpu.memory_space<semaphore_mem>>
        %dma_start3A_968 = arith.constant 0 : i32
        %dma_start3A_969 = tpu.memref_slice %arg7[%rem3A_529, %run_scoped3A_721, %dma_start3A_968] : memref<2x25x16xi32, #tpu.memory_space<vmem>> -> memref<1x1x16xi32, #tpu.memory_space<vmem>>
        %dma_start3A_970 = tpu.memref_squeeze %dma_start3A_969 : memref<1x1x16xi32, #tpu.memory_space<vmem>> -> memref<16xi32, #tpu.memory_space<vmem>>
        %dma_start3A_971 = arith.constant 0 : i32
        %dma_start3A_972 = arith.constant 0 : i32
        %dma_start3A_973 = tpu.memref_slice %arg14[%dma_start3A_971, %dma_start3A_972] : memref<10240x128xf32, #tpu.memory_space<vmem_shared>> -> memref<10240x128xf32, #tpu.memory_space<vmem_shared>>
        tpu.enqueue_indirect_dma source(%arg11 : memref<16x128xf32, #tpu.memory_space<vmem>>) target(%dma_start3A_973 : memref<10240x128xf32, #tpu.memory_space<vmem_shared>>) offsets(%dma_start3A_970 : memref<16xi32, #tpu.memory_space<vmem>>) semaphore(%run_scoped3A_967 : memref<!tpu.dma_semaphore, #tpu.memory_space<semaphore_mem>>) {add = true}
        %dma_wait3A_974 = arith.constant 0 : i32
        %dma_wait3A_975 = tpu.memref_slice %arg7[%rem3A_529, %run_scoped3A_721, %dma_wait3A_974] : memref<2x25x16xi32, #tpu.memory_space<vmem>> -> memref<1x1x16xi32, #tpu.memory_space<vmem>>
        %dma_wait3A_976 = tpu.memref_squeeze %dma_wait3A_975 : memref<1x1x16xi32, #tpu.memory_space<vmem>> -> memref<16xi32, #tpu.memory_space<vmem>>
        %dma_wait3A_977 = arith.constant 0 : i32
        %dma_wait3A_978 = arith.constant 0 : i32
        %dma_wait3A_979 = tpu.memref_slice %arg14[%dma_wait3A_977, %dma_wait3A_978] : memref<10240x128xf32, #tpu.memory_space<vmem_shared>> -> memref<10240x128xf32, #tpu.memory_space<vmem_shared>>
        tpu.wait_indirect_dma semaphore(%run_scoped3A_967 : memref<!tpu.dma_semaphore, #tpu.memory_space<semaphore_mem>>) src(%arg11 : memref<16x128xf32, #tpu.memory_space<vmem>>) dst(%dma_wait3A_979 : memref<10240x128xf32, #tpu.memory_space<vmem_shared>>)
        tpu.yield
      }) : () -> ()
      %dma_start3A_722 = arith.constant 17 : i32
      %dma_start3A_723 = arith.constant 0 : i32
      %dma_start3A_724 = tpu.memref_slice %arg8[%rem3A_529, %dma_start3A_722, %dma_start3A_723] : memref<2x25x16xi32, #tpu.memory_space<vmem>> -> memref<1x1x16xi32, #tpu.memory_space<vmem>>
      %dma_start3A_725 = tpu.memref_squeeze %dma_start3A_724 : memref<1x1x16xi32, #tpu.memory_space<vmem>> -> memref<16xi32, #tpu.memory_space<vmem>>
      %dma_start3A_726 = arith.constant 0 : i32
      %dma_start3A_727 = arith.constant 0 : i32
      %dma_start3A_728 = tpu.memref_slice %arg2[%dma_start3A_726, %dma_start3A_727] : memref<10000x128xf32, #tpu.memory_space<hbm>> -> memref<10000x128xf32, #tpu.memory_space<hbm>>
      tpu.enqueue_indirect_dma source(%dma_start3A_728 : memref<10000x128xf32, #tpu.memory_space<hbm>>) target(%arg11 : memref<16x128xf32, #tpu.memory_space<vmem>>) offsets(%dma_start3A_725 : memref<16xi32, #tpu.memory_space<vmem>>) semaphore(%arg17 : memref<!tpu.dma_semaphore, #tpu.memory_space<semaphore_mem>>)
      %dma_wait3A_729 = arith.constant 13 : i32
      %dma_wait3A_730 = arith.constant 0 : i32
      %dma_wait3A_731 = tpu.memref_slice %arg8[%rem3A_529, %dma_wait3A_729, %dma_wait3A_730] : memref<2x25x16xi32, #tpu.memory_space<vmem>> -> memref<1x1x16xi32, #tpu.memory_space<vmem>>
      %dma_wait3A_732 = tpu.memref_squeeze %dma_wait3A_731 : memref<1x1x16xi32, #tpu.memory_space<vmem>> -> memref<16xi32, #tpu.memory_space<vmem>>
      %dma_wait3A_733 = arith.constant 0 : i32
      %dma_wait3A_734 = arith.constant 0 : i32
      %dma_wait3A_735 = tpu.memref_slice %arg2[%dma_wait3A_733, %dma_wait3A_734] : memref<10000x128xf32, #tpu.memory_space<hbm>> -> memref<10000x128xf32, #tpu.memory_space<hbm>>
      tpu.wait_indirect_dma semaphore(%arg18 : memref<!tpu.dma_semaphore, #tpu.memory_space<semaphore_mem>>) src(%dma_wait3A_735 : memref<10000x128xf32, #tpu.memory_space<hbm>>) dst(%arg12 : memref<16x128xf32, #tpu.memory_space<vmem>>)
      %run_scoped3A_736 = arith.constant 13 : i32
      "tpu.region"() ({
        %run_scoped3A_967 = tpu.sem_alloc : memref<!tpu.dma_semaphore, #tpu.memory_space<semaphore_mem>>
        %dma_start3A_968 = arith.constant 0 : i32
        %dma_start3A_969 = tpu.memref_slice %arg7[%rem3A_529, %run_scoped3A_736, %dma_start3A_968] : memref<2x25x16xi32, #tpu.memory_space<vmem>> -> memref<1x1x16xi32, #tpu.memory_space<vmem>>
        %dma_start3A_970 = tpu.memref_squeeze %dma_start3A_969 : memref<1x1x16xi32, #tpu.memory_space<vmem>> -> memref<16xi32, #tpu.memory_space<vmem>>
        %dma_start3A_971 = arith.constant 0 : i32
        %dma_start3A_972 = arith.constant 0 : i32
        %dma_start3A_973 = tpu.memref_slice %arg14[%dma_start3A_971, %dma_start3A_972] : memref<10240x128xf32, #tpu.memory_space<vmem_shared>> -> memref<10240x128xf32, #tpu.memory_space<vmem_shared>>
        tpu.enqueue_indirect_dma source(%arg12 : memref<16x128xf32, #tpu.memory_space<vmem>>) target(%dma_start3A_973 : memref<10240x128xf32, #tpu.memory_space<vmem_shared>>) offsets(%dma_start3A_970 : memref<16xi32, #tpu.memory_space<vmem>>) semaphore(%run_scoped3A_967 : memref<!tpu.dma_semaphore, #tpu.memory_space<semaphore_mem>>) {add = true}
        %dma_wait3A_974 = arith.constant 0 : i32
        %dma_wait3A_975 = tpu.memref_slice %arg7[%rem3A_529, %run_scoped3A_736, %dma_wait3A_974] : memref<2x25x16xi32, #tpu.memory_space<vmem>> -> memref<1x1x16xi32, #tpu.memory_space<vmem>>
        %dma_wait3A_976 = tpu.memref_squeeze %dma_wait3A_975 : memref<1x1x16xi32, #tpu.memory_space<vmem>> -> memref<16xi32, #tpu.memory_space<vmem>>
        %dma_wait3A_977 = arith.constant 0 : i32
        %dma_wait3A_978 = arith.constant 0 : i32
        %dma_wait3A_979 = tpu.memref_slice %arg14[%dma_wait3A_977, %dma_wait3A_978] : memref<10240x128xf32, #tpu.memory_space<vmem_shared>> -> memref<10240x128xf32, #tpu.memory_space<vmem_shared>>
        tpu.wait_indirect_dma semaphore(%run_scoped3A_967 : memref<!tpu.dma_semaphore, #tpu.memory_space<semaphore_mem>>) src(%arg12 : memref<16x128xf32, #tpu.memory_space<vmem>>) dst(%dma_wait3A_979 : memref<10240x128xf32, #tpu.memory_space<vmem_shared>>)
        tpu.yield
      }) : () -> ()
      %dma_start3A_737 = arith.constant 18 : i32
      %dma_start3A_738 = arith.constant 0 : i32
      %dma_start3A_739 = tpu.memref_slice %arg8[%rem3A_529, %dma_start3A_737, %dma_start3A_738] : memref<2x25x16xi32, #tpu.memory_space<vmem>> -> memref<1x1x16xi32, #tpu.memory_space<vmem>>
      %dma_start3A_740 = tpu.memref_squeeze %dma_start3A_739 : memref<1x1x16xi32, #tpu.memory_space<vmem>> -> memref<16xi32, #tpu.memory_space<vmem>>
      %dma_start3A_741 = arith.constant 0 : i32
      %dma_start3A_742 = arith.constant 0 : i32
      %dma_start3A_743 = tpu.memref_slice %arg2[%dma_start3A_741, %dma_start3A_742] : memref<10000x128xf32, #tpu.memory_space<hbm>> -> memref<10000x128xf32, #tpu.memory_space<hbm>>
      tpu.enqueue_indirect_dma source(%dma_start3A_743 : memref<10000x128xf32, #tpu.memory_space<hbm>>) target(%arg12 : memref<16x128xf32, #tpu.memory_space<vmem>>) offsets(%dma_start3A_740 : memref<16xi32, #tpu.memory_space<vmem>>) semaphore(%arg18 : memref<!tpu.dma_semaphore, #tpu.memory_space<semaphore_mem>>)
      %dma_wait3A_744 = arith.constant 14 : i32
      %dma_wait3A_745 = arith.constant 0 : i32
      %dma_wait3A_746 = tpu.memref_slice %arg8[%rem3A_529, %dma_wait3A_744, %dma_wait3A_745] : memref<2x25x16xi32, #tpu.memory_space<vmem>> -> memref<1x1x16xi32, #tpu.memory_space<vmem>>
      %dma_wait3A_747 = tpu.memref_squeeze %dma_wait3A_746 : memref<1x1x16xi32, #tpu.memory_space<vmem>> -> memref<16xi32, #tpu.memory_space<vmem>>
      %dma_wait3A_748 = arith.constant 0 : i32
      %dma_wait3A_749 = arith.constant 0 : i32
      %dma_wait3A_750 = tpu.memref_slice %arg2[%dma_wait3A_748, %dma_wait3A_749] : memref<10000x128xf32, #tpu.memory_space<hbm>> -> memref<10000x128xf32, #tpu.memory_space<hbm>>
      tpu.wait_indirect_dma semaphore(%arg19 : memref<!tpu.dma_semaphore, #tpu.memory_space<semaphore_mem>>) src(%dma_wait3A_750 : memref<10000x128xf32, #tpu.memory_space<hbm>>) dst(%arg13 : memref<16x128xf32, #tpu.memory_space<vmem>>)
      %run_scoped3A_751 = arith.constant 14 : i32
      "tpu.region"() ({
        %run_scoped3A_967 = tpu.sem_alloc : memref<!tpu.dma_semaphore, #tpu.memory_space<semaphore_mem>>
        %dma_start3A_968 = arith.constant 0 : i32
        %dma_start3A_969 = tpu.memref_slice %arg7[%rem3A_529, %run_scoped3A_751, %dma_start3A_968] : memref<2x25x16xi32, #tpu.memory_space<vmem>> -> memref<1x1x16xi32, #tpu.memory_space<vmem>>
        %dma_start3A_970 = tpu.memref_squeeze %dma_start3A_969 : memref<1x1x16xi32, #tpu.memory_space<vmem>> -> memref<16xi32, #tpu.memory_space<vmem>>
        %dma_start3A_971 = arith.constant 0 : i32
        %dma_start3A_972 = arith.constant 0 : i32
        %dma_start3A_973 = tpu.memref_slice %arg14[%dma_start3A_971, %dma_start3A_972] : memref<10240x128xf32, #tpu.memory_space<vmem_shared>> -> memref<10240x128xf32, #tpu.memory_space<vmem_shared>>
        tpu.enqueue_indirect_dma source(%arg13 : memref<16x128xf32, #tpu.memory_space<vmem>>) target(%dma_start3A_973 : memref<10240x128xf32, #tpu.memory_space<vmem_shared>>) offsets(%dma_start3A_970 : memref<16xi32, #tpu.memory_space<vmem>>) semaphore(%run_scoped3A_967 : memref<!tpu.dma_semaphore, #tpu.memory_space<semaphore_mem>>) {add = true}
        %dma_wait3A_974 = arith.constant 0 : i32
        %dma_wait3A_975 = tpu.memref_slice %arg7[%rem3A_529, %run_scoped3A_751, %dma_wait3A_974] : memref<2x25x16xi32, #tpu.memory_space<vmem>> -> memref<1x1x16xi32, #tpu.memory_space<vmem>>
        %dma_wait3A_976 = tpu.memref_squeeze %dma_wait3A_975 : memref<1x1x16xi32, #tpu.memory_space<vmem>> -> memref<16xi32, #tpu.memory_space<vmem>>
        %dma_wait3A_977 = arith.constant 0 : i32
        %dma_wait3A_978 = arith.constant 0 : i32
        %dma_wait3A_979 = tpu.memref_slice %arg14[%dma_wait3A_977, %dma_wait3A_978] : memref<10240x128xf32, #tpu.memory_space<vmem_shared>> -> memref<10240x128xf32, #tpu.memory_space<vmem_shared>>
        tpu.wait_indirect_dma semaphore(%run_scoped3A_967 : memref<!tpu.dma_semaphore, #tpu.memory_space<semaphore_mem>>) src(%arg13 : memref<16x128xf32, #tpu.memory_space<vmem>>) dst(%dma_wait3A_979 : memref<10240x128xf32, #tpu.memory_space<vmem_shared>>)
        tpu.yield
      }) : () -> ()
      %dma_start3A_752 = arith.constant 19 : i32
      %dma_start3A_753 = arith.constant 0 : i32
      %dma_start3A_754 = tpu.memref_slice %arg8[%rem3A_529, %dma_start3A_752, %dma_start3A_753] : memref<2x25x16xi32, #tpu.memory_space<vmem>> -> memref<1x1x16xi32, #tpu.memory_space<vmem>>
      %dma_start3A_755 = tpu.memref_squeeze %dma_start3A_754 : memref<1x1x16xi32, #tpu.memory_space<vmem>> -> memref<16xi32, #tpu.memory_space<vmem>>
      %dma_start3A_756 = arith.constant 0 : i32
      %dma_start3A_757 = arith.constant 0 : i32
      %dma_start3A_758 = tpu.memref_slice %arg2[%dma_start3A_756, %dma_start3A_757] : memref<10000x128xf32, #tpu.memory_space<hbm>> -> memref<10000x128xf32, #tpu.memory_space<hbm>>
      tpu.enqueue_indirect_dma source(%dma_start3A_758 : memref<10000x128xf32, #tpu.memory_space<hbm>>) target(%arg13 : memref<16x128xf32, #tpu.memory_space<vmem>>) offsets(%dma_start3A_755 : memref<16xi32, #tpu.memory_space<vmem>>) semaphore(%arg19 : memref<!tpu.dma_semaphore, #tpu.memory_space<semaphore_mem>>)
      %dma_wait3A_759 = arith.constant 15 : i32
      %dma_wait3A_760 = arith.constant 0 : i32
      %dma_wait3A_761 = tpu.memref_slice %arg8[%rem3A_529, %dma_wait3A_759, %dma_wait3A_760] : memref<2x25x16xi32, #tpu.memory_space<vmem>> -> memref<1x1x16xi32, #tpu.memory_space<vmem>>
      %dma_wait3A_762 = tpu.memref_squeeze %dma_wait3A_761 : memref<1x1x16xi32, #tpu.memory_space<vmem>> -> memref<16xi32, #tpu.memory_space<vmem>>
      %dma_wait3A_763 = arith.constant 0 : i32
      %dma_wait3A_764 = arith.constant 0 : i32
      %dma_wait3A_765 = tpu.memref_slice %arg2[%dma_wait3A_763, %dma_wait3A_764] : memref<10000x128xf32, #tpu.memory_space<hbm>> -> memref<10000x128xf32, #tpu.memory_space<hbm>>
      tpu.wait_indirect_dma semaphore(%arg15 : memref<!tpu.dma_semaphore, #tpu.memory_space<semaphore_mem>>) src(%dma_wait3A_765 : memref<10000x128xf32, #tpu.memory_space<hbm>>) dst(%arg9 : memref<16x128xf32, #tpu.memory_space<vmem>>)
      %run_scoped3A_766 = arith.constant 15 : i32
      "tpu.region"() ({
        %run_scoped3A_967 = tpu.sem_alloc : memref<!tpu.dma_semaphore, #tpu.memory_space<semaphore_mem>>
        %dma_start3A_968 = arith.constant 0 : i32
        %dma_start3A_969 = tpu.memref_slice %arg7[%rem3A_529, %run_scoped3A_766, %dma_start3A_968] : memref<2x25x16xi32, #tpu.memory_space<vmem>> -> memref<1x1x16xi32, #tpu.memory_space<vmem>>
        %dma_start3A_970 = tpu.memref_squeeze %dma_start3A_969 : memref<1x1x16xi32, #tpu.memory_space<vmem>> -> memref<16xi32, #tpu.memory_space<vmem>>
        %dma_start3A_971 = arith.constant 0 : i32
        %dma_start3A_972 = arith.constant 0 : i32
        %dma_start3A_973 = tpu.memref_slice %arg14[%dma_start3A_971, %dma_start3A_972] : memref<10240x128xf32, #tpu.memory_space<vmem_shared>> -> memref<10240x128xf32, #tpu.memory_space<vmem_shared>>
        tpu.enqueue_indirect_dma source(%arg9 : memref<16x128xf32, #tpu.memory_space<vmem>>) target(%dma_start3A_973 : memref<10240x128xf32, #tpu.memory_space<vmem_shared>>) offsets(%dma_start3A_970 : memref<16xi32, #tpu.memory_space<vmem>>) semaphore(%run_scoped3A_967 : memref<!tpu.dma_semaphore, #tpu.memory_space<semaphore_mem>>) {add = true}
        %dma_wait3A_974 = arith.constant 0 : i32
        %dma_wait3A_975 = tpu.memref_slice %arg7[%rem3A_529, %run_scoped3A_766, %dma_wait3A_974] : memref<2x25x16xi32, #tpu.memory_space<vmem>> -> memref<1x1x16xi32, #tpu.memory_space<vmem>>
        %dma_wait3A_976 = tpu.memref_squeeze %dma_wait3A_975 : memref<1x1x16xi32, #tpu.memory_space<vmem>> -> memref<16xi32, #tpu.memory_space<vmem>>
        %dma_wait3A_977 = arith.constant 0 : i32
        %dma_wait3A_978 = arith.constant 0 : i32
        %dma_wait3A_979 = tpu.memref_slice %arg14[%dma_wait3A_977, %dma_wait3A_978] : memref<10240x128xf32, #tpu.memory_space<vmem_shared>> -> memref<10240x128xf32, #tpu.memory_space<vmem_shared>>
        tpu.wait_indirect_dma semaphore(%run_scoped3A_967 : memref<!tpu.dma_semaphore, #tpu.memory_space<semaphore_mem>>) src(%arg9 : memref<16x128xf32, #tpu.memory_space<vmem>>) dst(%dma_wait3A_979 : memref<10240x128xf32, #tpu.memory_space<vmem_shared>>)
        tpu.yield
      }) : () -> ()
      %dma_start3A_767 = arith.constant 20 : i32
      %dma_start3A_768 = arith.constant 0 : i32
      %dma_start3A_769 = tpu.memref_slice %arg8[%rem3A_529, %dma_start3A_767, %dma_start3A_768] : memref<2x25x16xi32, #tpu.memory_space<vmem>> -> memref<1x1x16xi32, #tpu.memory_space<vmem>>
      %dma_start3A_770 = tpu.memref_squeeze %dma_start3A_769 : memref<1x1x16xi32, #tpu.memory_space<vmem>> -> memref<16xi32, #tpu.memory_space<vmem>>
      %dma_start3A_771 = arith.constant 0 : i32
      %dma_start3A_772 = arith.constant 0 : i32
      %dma_start3A_773 = tpu.memref_slice %arg2[%dma_start3A_771, %dma_start3A_772] : memref<10000x128xf32, #tpu.memory_space<hbm>> -> memref<10000x128xf32, #tpu.memory_space<hbm>>
      tpu.enqueue_indirect_dma source(%dma_start3A_773 : memref<10000x128xf32, #tpu.memory_space<hbm>>) target(%arg9 : memref<16x128xf32, #tpu.memory_space<vmem>>) offsets(%dma_start3A_770 : memref<16xi32, #tpu.memory_space<vmem>>) semaphore(%arg15 : memref<!tpu.dma_semaphore, #tpu.memory_space<semaphore_mem>>)
      %dma_wait3A_774 = arith.constant 16 : i32
      %dma_wait3A_775 = arith.constant 0 : i32
      %dma_wait3A_776 = tpu.memref_slice %arg8[%rem3A_529, %dma_wait3A_774, %dma_wait3A_775] : memref<2x25x16xi32, #tpu.memory_space<vmem>> -> memref<1x1x16xi32, #tpu.memory_space<vmem>>
      %dma_wait3A_777 = tpu.memref_squeeze %dma_wait3A_776 : memref<1x1x16xi32, #tpu.memory_space<vmem>> -> memref<16xi32, #tpu.memory_space<vmem>>
      %dma_wait3A_778 = arith.constant 0 : i32
      %dma_wait3A_779 = arith.constant 0 : i32
      %dma_wait3A_780 = tpu.memref_slice %arg2[%dma_wait3A_778, %dma_wait3A_779] : memref<10000x128xf32, #tpu.memory_space<hbm>> -> memref<10000x128xf32, #tpu.memory_space<hbm>>
      tpu.wait_indirect_dma semaphore(%arg16 : memref<!tpu.dma_semaphore, #tpu.memory_space<semaphore_mem>>) src(%dma_wait3A_780 : memref<10000x128xf32, #tpu.memory_space<hbm>>) dst(%arg10 : memref<16x128xf32, #tpu.memory_space<vmem>>)
      %run_scoped3A_781 = arith.constant 16 : i32
      "tpu.region"() ({
        %run_scoped3A_967 = tpu.sem_alloc : memref<!tpu.dma_semaphore, #tpu.memory_space<semaphore_mem>>
        %dma_start3A_968 = arith.constant 0 : i32
        %dma_start3A_969 = tpu.memref_slice %arg7[%rem3A_529, %run_scoped3A_781, %dma_start3A_968] : memref<2x25x16xi32, #tpu.memory_space<vmem>> -> memref<1x1x16xi32, #tpu.memory_space<vmem>>
        %dma_start3A_970 = tpu.memref_squeeze %dma_start3A_969 : memref<1x1x16xi32, #tpu.memory_space<vmem>> -> memref<16xi32, #tpu.memory_space<vmem>>
        %dma_start3A_971 = arith.constant 0 : i32
        %dma_start3A_972 = arith.constant 0 : i32
        %dma_start3A_973 = tpu.memref_slice %arg14[%dma_start3A_971, %dma_start3A_972] : memref<10240x128xf32, #tpu.memory_space<vmem_shared>> -> memref<10240x128xf32, #tpu.memory_space<vmem_shared>>
        tpu.enqueue_indirect_dma source(%arg10 : memref<16x128xf32, #tpu.memory_space<vmem>>) target(%dma_start3A_973 : memref<10240x128xf32, #tpu.memory_space<vmem_shared>>) offsets(%dma_start3A_970 : memref<16xi32, #tpu.memory_space<vmem>>) semaphore(%run_scoped3A_967 : memref<!tpu.dma_semaphore, #tpu.memory_space<semaphore_mem>>) {add = true}
        %dma_wait3A_974 = arith.constant 0 : i32
        %dma_wait3A_975 = tpu.memref_slice %arg7[%rem3A_529, %run_scoped3A_781, %dma_wait3A_974] : memref<2x25x16xi32, #tpu.memory_space<vmem>> -> memref<1x1x16xi32, #tpu.memory_space<vmem>>
        %dma_wait3A_976 = tpu.memref_squeeze %dma_wait3A_975 : memref<1x1x16xi32, #tpu.memory_space<vmem>> -> memref<16xi32, #tpu.memory_space<vmem>>
        %dma_wait3A_977 = arith.constant 0 : i32
        %dma_wait3A_978 = arith.constant 0 : i32
        %dma_wait3A_979 = tpu.memref_slice %arg14[%dma_wait3A_977, %dma_wait3A_978] : memref<10240x128xf32, #tpu.memory_space<vmem_shared>> -> memref<10240x128xf32, #tpu.memory_space<vmem_shared>>
        tpu.wait_indirect_dma semaphore(%run_scoped3A_967 : memref<!tpu.dma_semaphore, #tpu.memory_space<semaphore_mem>>) src(%arg10 : memref<16x128xf32, #tpu.memory_space<vmem>>) dst(%dma_wait3A_979 : memref<10240x128xf32, #tpu.memory_space<vmem_shared>>)
        tpu.yield
      }) : () -> ()
      %dma_start3A_782 = arith.constant 21 : i32
      %dma_start3A_783 = arith.constant 0 : i32
      %dma_start3A_784 = tpu.memref_slice %arg8[%rem3A_529, %dma_start3A_782, %dma_start3A_783] : memref<2x25x16xi32, #tpu.memory_space<vmem>> -> memref<1x1x16xi32, #tpu.memory_space<vmem>>
      %dma_start3A_785 = tpu.memref_squeeze %dma_start3A_784 : memref<1x1x16xi32, #tpu.memory_space<vmem>> -> memref<16xi32, #tpu.memory_space<vmem>>
      %dma_start3A_786 = arith.constant 0 : i32
      %dma_start3A_787 = arith.constant 0 : i32
      %dma_start3A_788 = tpu.memref_slice %arg2[%dma_start3A_786, %dma_start3A_787] : memref<10000x128xf32, #tpu.memory_space<hbm>> -> memref<10000x128xf32, #tpu.memory_space<hbm>>
      tpu.enqueue_indirect_dma source(%dma_start3A_788 : memref<10000x128xf32, #tpu.memory_space<hbm>>) target(%arg10 : memref<16x128xf32, #tpu.memory_space<vmem>>) offsets(%dma_start3A_785 : memref<16xi32, #tpu.memory_space<vmem>>) semaphore(%arg16 : memref<!tpu.dma_semaphore, #tpu.memory_space<semaphore_mem>>)
      %dma_wait3A_789 = arith.constant 17 : i32
      %dma_wait3A_790 = arith.constant 0 : i32
      %dma_wait3A_791 = tpu.memref_slice %arg8[%rem3A_529, %dma_wait3A_789, %dma_wait3A_790] : memref<2x25x16xi32, #tpu.memory_space<vmem>> -> memref<1x1x16xi32, #tpu.memory_space<vmem>>
      %dma_wait3A_792 = tpu.memref_squeeze %dma_wait3A_791 : memref<1x1x16xi32, #tpu.memory_space<vmem>> -> memref<16xi32, #tpu.memory_space<vmem>>
      %dma_wait3A_793 = arith.constant 0 : i32
      %dma_wait3A_794 = arith.constant 0 : i32
      %dma_wait3A_795 = tpu.memref_slice %arg2[%dma_wait3A_793, %dma_wait3A_794] : memref<10000x128xf32, #tpu.memory_space<hbm>> -> memref<10000x128xf32, #tpu.memory_space<hbm>>
      tpu.wait_indirect_dma semaphore(%arg17 : memref<!tpu.dma_semaphore, #tpu.memory_space<semaphore_mem>>) src(%dma_wait3A_795 : memref<10000x128xf32, #tpu.memory_space<hbm>>) dst(%arg11 : memref<16x128xf32, #tpu.memory_space<vmem>>)
      %run_scoped3A_796 = arith.constant 17 : i32
      "tpu.region"() ({
        %run_scoped3A_967 = tpu.sem_alloc : memref<!tpu.dma_semaphore, #tpu.memory_space<semaphore_mem>>
        %dma_start3A_968 = arith.constant 0 : i32
        %dma_start3A_969 = tpu.memref_slice %arg7[%rem3A_529, %run_scoped3A_796, %dma_start3A_968] : memref<2x25x16xi32, #tpu.memory_space<vmem>> -> memref<1x1x16xi32, #tpu.memory_space<vmem>>
        %dma_start3A_970 = tpu.memref_squeeze %dma_start3A_969 : memref<1x1x16xi32, #tpu.memory_space<vmem>> -> memref<16xi32, #tpu.memory_space<vmem>>
        %dma_start3A_971 = arith.constant 0 : i32
        %dma_start3A_972 = arith.constant 0 : i32
        %dma_start3A_973 = tpu.memref_slice %arg14[%dma_start3A_971, %dma_start3A_972] : memref<10240x128xf32, #tpu.memory_space<vmem_shared>> -> memref<10240x128xf32, #tpu.memory_space<vmem_shared>>
        tpu.enqueue_indirect_dma source(%arg11 : memref<16x128xf32, #tpu.memory_space<vmem>>) target(%dma_start3A_973 : memref<10240x128xf32, #tpu.memory_space<vmem_shared>>) offsets(%dma_start3A_970 : memref<16xi32, #tpu.memory_space<vmem>>) semaphore(%run_scoped3A_967 : memref<!tpu.dma_semaphore, #tpu.memory_space<semaphore_mem>>) {add = true}
        %dma_wait3A_974 = arith.constant 0 : i32
        %dma_wait3A_975 = tpu.memref_slice %arg7[%rem3A_529, %run_scoped3A_796, %dma_wait3A_974] : memref<2x25x16xi32, #tpu.memory_space<vmem>> -> memref<1x1x16xi32, #tpu.memory_space<vmem>>
        %dma_wait3A_976 = tpu.memref_squeeze %dma_wait3A_975 : memref<1x1x16xi32, #tpu.memory_space<vmem>> -> memref<16xi32, #tpu.memory_space<vmem>>
        %dma_wait3A_977 = arith.constant 0 : i32
        %dma_wait3A_978 = arith.constant 0 : i32
        %dma_wait3A_979 = tpu.memref_slice %arg14[%dma_wait3A_977, %dma_wait3A_978] : memref<10240x128xf32, #tpu.memory_space<vmem_shared>> -> memref<10240x128xf32, #tpu.memory_space<vmem_shared>>
        tpu.wait_indirect_dma semaphore(%run_scoped3A_967 : memref<!tpu.dma_semaphore, #tpu.memory_space<semaphore_mem>>) src(%arg11 : memref<16x128xf32, #tpu.memory_space<vmem>>) dst(%dma_wait3A_979 : memref<10240x128xf32, #tpu.memory_space<vmem_shared>>)
        tpu.yield
      }) : () -> ()
      %dma_start3A_797 = arith.constant 22 : i32
      %dma_start3A_798 = arith.constant 0 : i32
      %dma_start3A_799 = tpu.memref_slice %arg8[%rem3A_529, %dma_start3A_797, %dma_start3A_798] : memref<2x25x16xi32, #tpu.memory_space<vmem>> -> memref<1x1x16xi32, #tpu.memory_space<vmem>>
      %dma_start3A_800 = tpu.memref_squeeze %dma_start3A_799 : memref<1x1x16xi32, #tpu.memory_space<vmem>> -> memref<16xi32, #tpu.memory_space<vmem>>
      %dma_start3A_801 = arith.constant 0 : i32
      %dma_start3A_802 = arith.constant 0 : i32
      %dma_start3A_803 = tpu.memref_slice %arg2[%dma_start3A_801, %dma_start3A_802] : memref<10000x128xf32, #tpu.memory_space<hbm>> -> memref<10000x128xf32, #tpu.memory_space<hbm>>
      tpu.enqueue_indirect_dma source(%dma_start3A_803 : memref<10000x128xf32, #tpu.memory_space<hbm>>) target(%arg11 : memref<16x128xf32, #tpu.memory_space<vmem>>) offsets(%dma_start3A_800 : memref<16xi32, #tpu.memory_space<vmem>>) semaphore(%arg17 : memref<!tpu.dma_semaphore, #tpu.memory_space<semaphore_mem>>)
      %dma_wait3A_804 = arith.constant 18 : i32
      %dma_wait3A_805 = arith.constant 0 : i32
      %dma_wait3A_806 = tpu.memref_slice %arg8[%rem3A_529, %dma_wait3A_804, %dma_wait3A_805] : memref<2x25x16xi32, #tpu.memory_space<vmem>> -> memref<1x1x16xi32, #tpu.memory_space<vmem>>
      %dma_wait3A_807 = tpu.memref_squeeze %dma_wait3A_806 : memref<1x1x16xi32, #tpu.memory_space<vmem>> -> memref<16xi32, #tpu.memory_space<vmem>>
      %dma_wait3A_808 = arith.constant 0 : i32
      %dma_wait3A_809 = arith.constant 0 : i32
      %dma_wait3A_810 = tpu.memref_slice %arg2[%dma_wait3A_808, %dma_wait3A_809] : memref<10000x128xf32, #tpu.memory_space<hbm>> -> memref<10000x128xf32, #tpu.memory_space<hbm>>
      tpu.wait_indirect_dma semaphore(%arg18 : memref<!tpu.dma_semaphore, #tpu.memory_space<semaphore_mem>>) src(%dma_wait3A_810 : memref<10000x128xf32, #tpu.memory_space<hbm>>) dst(%arg12 : memref<16x128xf32, #tpu.memory_space<vmem>>)
      %run_scoped3A_811 = arith.constant 18 : i32
      "tpu.region"() ({
        %run_scoped3A_967 = tpu.sem_alloc : memref<!tpu.dma_semaphore, #tpu.memory_space<semaphore_mem>>
        %dma_start3A_968 = arith.constant 0 : i32
        %dma_start3A_969 = tpu.memref_slice %arg7[%rem3A_529, %run_scoped3A_811, %dma_start3A_968] : memref<2x25x16xi32, #tpu.memory_space<vmem>> -> memref<1x1x16xi32, #tpu.memory_space<vmem>>
        %dma_start3A_970 = tpu.memref_squeeze %dma_start3A_969 : memref<1x1x16xi32, #tpu.memory_space<vmem>> -> memref<16xi32, #tpu.memory_space<vmem>>
        %dma_start3A_971 = arith.constant 0 : i32
        %dma_start3A_972 = arith.constant 0 : i32
        %dma_start3A_973 = tpu.memref_slice %arg14[%dma_start3A_971, %dma_start3A_972] : memref<10240x128xf32, #tpu.memory_space<vmem_shared>> -> memref<10240x128xf32, #tpu.memory_space<vmem_shared>>
        tpu.enqueue_indirect_dma source(%arg12 : memref<16x128xf32, #tpu.memory_space<vmem>>) target(%dma_start3A_973 : memref<10240x128xf32, #tpu.memory_space<vmem_shared>>) offsets(%dma_start3A_970 : memref<16xi32, #tpu.memory_space<vmem>>) semaphore(%run_scoped3A_967 : memref<!tpu.dma_semaphore, #tpu.memory_space<semaphore_mem>>) {add = true}
        %dma_wait3A_974 = arith.constant 0 : i32
        %dma_wait3A_975 = tpu.memref_slice %arg7[%rem3A_529, %run_scoped3A_811, %dma_wait3A_974] : memref<2x25x16xi32, #tpu.memory_space<vmem>> -> memref<1x1x16xi32, #tpu.memory_space<vmem>>
        %dma_wait3A_976 = tpu.memref_squeeze %dma_wait3A_975 : memref<1x1x16xi32, #tpu.memory_space<vmem>> -> memref<16xi32, #tpu.memory_space<vmem>>
        %dma_wait3A_977 = arith.constant 0 : i32
        %dma_wait3A_978 = arith.constant 0 : i32
        %dma_wait3A_979 = tpu.memref_slice %arg14[%dma_wait3A_977, %dma_wait3A_978] : memref<10240x128xf32, #tpu.memory_space<vmem_shared>> -> memref<10240x128xf32, #tpu.memory_space<vmem_shared>>
        tpu.wait_indirect_dma semaphore(%run_scoped3A_967 : memref<!tpu.dma_semaphore, #tpu.memory_space<semaphore_mem>>) src(%arg12 : memref<16x128xf32, #tpu.memory_space<vmem>>) dst(%dma_wait3A_979 : memref<10240x128xf32, #tpu.memory_space<vmem_shared>>)
        tpu.yield
      }) : () -> ()
      %dma_start3A_812 = arith.constant 23 : i32
      %dma_start3A_813 = arith.constant 0 : i32
      %dma_start3A_814 = tpu.memref_slice %arg8[%rem3A_529, %dma_start3A_812, %dma_start3A_813] : memref<2x25x16xi32, #tpu.memory_space<vmem>> -> memref<1x1x16xi32, #tpu.memory_space<vmem>>
      %dma_start3A_815 = tpu.memref_squeeze %dma_start3A_814 : memref<1x1x16xi32, #tpu.memory_space<vmem>> -> memref<16xi32, #tpu.memory_space<vmem>>
      %dma_start3A_816 = arith.constant 0 : i32
      %dma_start3A_817 = arith.constant 0 : i32
      %dma_start3A_818 = tpu.memref_slice %arg2[%dma_start3A_816, %dma_start3A_817] : memref<10000x128xf32, #tpu.memory_space<hbm>> -> memref<10000x128xf32, #tpu.memory_space<hbm>>
      tpu.enqueue_indirect_dma source(%dma_start3A_818 : memref<10000x128xf32, #tpu.memory_space<hbm>>) target(%arg12 : memref<16x128xf32, #tpu.memory_space<vmem>>) offsets(%dma_start3A_815 : memref<16xi32, #tpu.memory_space<vmem>>) semaphore(%arg18 : memref<!tpu.dma_semaphore, #tpu.memory_space<semaphore_mem>>)
      %dma_wait3A_819 = arith.constant 19 : i32
      %dma_wait3A_820 = arith.constant 0 : i32
      %dma_wait3A_821 = tpu.memref_slice %arg8[%rem3A_529, %dma_wait3A_819, %dma_wait3A_820] : memref<2x25x16xi32, #tpu.memory_space<vmem>> -> memref<1x1x16xi32, #tpu.memory_space<vmem>>
      %dma_wait3A_822 = tpu.memref_squeeze %dma_wait3A_821 : memref<1x1x16xi32, #tpu.memory_space<vmem>> -> memref<16xi32, #tpu.memory_space<vmem>>
      %dma_wait3A_823 = arith.constant 0 : i32
      %dma_wait3A_824 = arith.constant 0 : i32
      %dma_wait3A_825 = tpu.memref_slice %arg2[%dma_wait3A_823, %dma_wait3A_824] : memref<10000x128xf32, #tpu.memory_space<hbm>> -> memref<10000x128xf32, #tpu.memory_space<hbm>>
      tpu.wait_indirect_dma semaphore(%arg19 : memref<!tpu.dma_semaphore, #tpu.memory_space<semaphore_mem>>) src(%dma_wait3A_825 : memref<10000x128xf32, #tpu.memory_space<hbm>>) dst(%arg13 : memref<16x128xf32, #tpu.memory_space<vmem>>)
      %run_scoped3A_826 = arith.constant 19 : i32
      "tpu.region"() ({
        %run_scoped3A_967 = tpu.sem_alloc : memref<!tpu.dma_semaphore, #tpu.memory_space<semaphore_mem>>
        %dma_start3A_968 = arith.constant 0 : i32
        %dma_start3A_969 = tpu.memref_slice %arg7[%rem3A_529, %run_scoped3A_826, %dma_start3A_968] : memref<2x25x16xi32, #tpu.memory_space<vmem>> -> memref<1x1x16xi32, #tpu.memory_space<vmem>>
        %dma_start3A_970 = tpu.memref_squeeze %dma_start3A_969 : memref<1x1x16xi32, #tpu.memory_space<vmem>> -> memref<16xi32, #tpu.memory_space<vmem>>
        %dma_start3A_971 = arith.constant 0 : i32
        %dma_start3A_972 = arith.constant 0 : i32
        %dma_start3A_973 = tpu.memref_slice %arg14[%dma_start3A_971, %dma_start3A_972] : memref<10240x128xf32, #tpu.memory_space<vmem_shared>> -> memref<10240x128xf32, #tpu.memory_space<vmem_shared>>
        tpu.enqueue_indirect_dma source(%arg13 : memref<16x128xf32, #tpu.memory_space<vmem>>) target(%dma_start3A_973 : memref<10240x128xf32, #tpu.memory_space<vmem_shared>>) offsets(%dma_start3A_970 : memref<16xi32, #tpu.memory_space<vmem>>) semaphore(%run_scoped3A_967 : memref<!tpu.dma_semaphore, #tpu.memory_space<semaphore_mem>>) {add = true}
        %dma_wait3A_974 = arith.constant 0 : i32
        %dma_wait3A_975 = tpu.memref_slice %arg7[%rem3A_529, %run_scoped3A_826, %dma_wait3A_974] : memref<2x25x16xi32, #tpu.memory_space<vmem>> -> memref<1x1x16xi32, #tpu.memory_space<vmem>>
        %dma_wait3A_976 = tpu.memref_squeeze %dma_wait3A_975 : memref<1x1x16xi32, #tpu.memory_space<vmem>> -> memref<16xi32, #tpu.memory_space<vmem>>
        %dma_wait3A_977 = arith.constant 0 : i32
        %dma_wait3A_978 = arith.constant 0 : i32
        %dma_wait3A_979 = tpu.memref_slice %arg14[%dma_wait3A_977, %dma_wait3A_978] : memref<10240x128xf32, #tpu.memory_space<vmem_shared>> -> memref<10240x128xf32, #tpu.memory_space<vmem_shared>>
        tpu.wait_indirect_dma semaphore(%run_scoped3A_967 : memref<!tpu.dma_semaphore, #tpu.memory_space<semaphore_mem>>) src(%arg13 : memref<16x128xf32, #tpu.memory_space<vmem>>) dst(%dma_wait3A_979 : memref<10240x128xf32, #tpu.memory_space<vmem_shared>>)
        tpu.yield
      }) : () -> ()
      %dma_start3A_827 = arith.constant 24 : i32
      %dma_start3A_828 = arith.constant 0 : i32
      %dma_start3A_829 = tpu.memref_slice %arg8[%rem3A_529, %dma_start3A_827, %dma_start3A_828] : memref<2x25x16xi32, #tpu.memory_space<vmem>> -> memref<1x1x16xi32, #tpu.memory_space<vmem>>
      %dma_start3A_830 = tpu.memref_squeeze %dma_start3A_829 : memref<1x1x16xi32, #tpu.memory_space<vmem>> -> memref<16xi32, #tpu.memory_space<vmem>>
      %dma_start3A_831 = arith.constant 0 : i32
      %dma_start3A_832 = arith.constant 0 : i32
      %dma_start3A_833 = tpu.memref_slice %arg2[%dma_start3A_831, %dma_start3A_832] : memref<10000x128xf32, #tpu.memory_space<hbm>> -> memref<10000x128xf32, #tpu.memory_space<hbm>>
      tpu.enqueue_indirect_dma source(%dma_start3A_833 : memref<10000x128xf32, #tpu.memory_space<hbm>>) target(%arg13 : memref<16x128xf32, #tpu.memory_space<vmem>>) offsets(%dma_start3A_830 : memref<16xi32, #tpu.memory_space<vmem>>) semaphore(%arg19 : memref<!tpu.dma_semaphore, #tpu.memory_space<semaphore_mem>>)
      %add3A_834 = arith.constant 1 : i32
      %add3A_835 = arith.addi %scan3A_528, %add3A_834 : i32
      %mul3A_836 = arith.constant 50 : i32
      %mul3A_837 = arith.muli %add3A, %mul3A_836 : i32
      %add3A_838 = arith.addi %mul3A_837, %add3A_835 : i32
      %dma_wait3A_839 = arith.constant 0 : i32
      %dma_wait3A_840 = arith.constant 0 : i32
      %dma_wait3A_841 = tpu.memref_slice %arg7[%rem3A_533, %dma_wait3A_839, %dma_wait3A_840] : memref<2x25x16xi32, #tpu.memory_space<vmem>> -> memref<1x25x16xi32, #tpu.memory_space<vmem>>
      %dma_wait3A_842 = arith.constant 0 : i32
      %dma_wait3A_843 = arith.constant 0 : i32
      %dma_wait3A_844 = tpu.memref_slice %arg3[%add3A_838, %dma_wait3A_842, %dma_wait3A_843] : memref<801x25x16xi32, #tpu.memory_space<hbm>> -> memref<1x25x16xi32, #tpu.memory_space<hbm>>
      %dma_wait3A_845 = arith.constant 0 : i32
      %dma_wait3A_846 = arith.constant 0 : i32
      %dma_wait3A_847 = tpu.memref_slice %arg7[%rem3A_533, %dma_wait3A_845, %dma_wait3A_846] : memref<2x25x16xi32, #tpu.memory_space<vmem>> -> memref<1x25x16xi32, #tpu.memory_space<vmem>>
      %dma_wait3A_848 = arith.constant 0 : i32
      %dma_wait3A_849 = arith.constant 0 : i32
      %dma_wait3A_850 = tpu.memref_slice %arg3[%add3A_838, %dma_wait3A_848, %dma_wait3A_849] : memref<801x25x16xi32, #tpu.memory_space<hbm>> -> memref<1x25x16xi32, #tpu.memory_space<hbm>>
      tpu.wait_dma2 semaphore(%arg20 : memref<!tpu.dma_semaphore, #tpu.memory_space<semaphore_mem>>) src(%dma_wait3A_850 : memref<1x25x16xi32, #tpu.memory_space<hbm>>) dst(%dma_wait3A_847 : memref<1x25x16xi32, #tpu.memory_space<vmem>>)
      %dma_wait3A_851 = arith.constant 0 : i32
      %dma_wait3A_852 = arith.constant 0 : i32
      %dma_wait3A_853 = tpu.memref_slice %arg8[%rem3A_533, %dma_wait3A_851, %dma_wait3A_852] : memref<2x25x16xi32, #tpu.memory_space<vmem>> -> memref<1x25x16xi32, #tpu.memory_space<vmem>>
      %dma_wait3A_854 = arith.constant 0 : i32
      %dma_wait3A_855 = arith.constant 0 : i32
      %dma_wait3A_856 = tpu.memref_slice %arg4[%add3A_838, %dma_wait3A_854, %dma_wait3A_855] : memref<801x25x16xi32, #tpu.memory_space<hbm>> -> memref<1x25x16xi32, #tpu.memory_space<hbm>>
      %dma_wait3A_857 = arith.constant 0 : i32
      %dma_wait3A_858 = arith.constant 0 : i32
      %dma_wait3A_859 = tpu.memref_slice %arg8[%rem3A_533, %dma_wait3A_857, %dma_wait3A_858] : memref<2x25x16xi32, #tpu.memory_space<vmem>> -> memref<1x25x16xi32, #tpu.memory_space<vmem>>
      %dma_wait3A_860 = arith.constant 0 : i32
      %dma_wait3A_861 = arith.constant 0 : i32
      %dma_wait3A_862 = tpu.memref_slice %arg4[%add3A_838, %dma_wait3A_860, %dma_wait3A_861] : memref<801x25x16xi32, #tpu.memory_space<hbm>> -> memref<1x25x16xi32, #tpu.memory_space<hbm>>
      tpu.wait_dma2 semaphore(%arg21 : memref<!tpu.dma_semaphore, #tpu.memory_space<semaphore_mem>>) src(%dma_wait3A_862 : memref<1x25x16xi32, #tpu.memory_space<hbm>>) dst(%dma_wait3A_859 : memref<1x25x16xi32, #tpu.memory_space<vmem>>)
      %dma_wait3A_863 = arith.constant 20 : i32
      %dma_wait3A_864 = arith.constant 0 : i32
      %dma_wait3A_865 = tpu.memref_slice %arg8[%rem3A_529, %dma_wait3A_863, %dma_wait3A_864] : memref<2x25x16xi32, #tpu.memory_space<vmem>> -> memref<1x1x16xi32, #tpu.memory_space<vmem>>
      %dma_wait3A_866 = tpu.memref_squeeze %dma_wait3A_865 : memref<1x1x16xi32, #tpu.memory_space<vmem>> -> memref<16xi32, #tpu.memory_space<vmem>>
      %dma_wait3A_867 = arith.constant 0 : i32
      %dma_wait3A_868 = arith.constant 0 : i32
      %dma_wait3A_869 = tpu.memref_slice %arg2[%dma_wait3A_867, %dma_wait3A_868] : memref<10000x128xf32, #tpu.memory_space<hbm>> -> memref<10000x128xf32, #tpu.memory_space<hbm>>
      tpu.wait_indirect_dma semaphore(%arg15 : memref<!tpu.dma_semaphore, #tpu.memory_space<semaphore_mem>>) src(%dma_wait3A_869 : memref<10000x128xf32, #tpu.memory_space<hbm>>) dst(%arg9 : memref<16x128xf32, #tpu.memory_space<vmem>>)
      %run_scoped3A_870 = arith.constant 20 : i32
      "tpu.region"() ({
        %run_scoped3A_967 = tpu.sem_alloc : memref<!tpu.dma_semaphore, #tpu.memory_space<semaphore_mem>>
        %dma_start3A_968 = arith.constant 0 : i32
        %dma_start3A_969 = tpu.memref_slice %arg7[%rem3A_529, %run_scoped3A_870, %dma_start3A_968] : memref<2x25x16xi32, #tpu.memory_space<vmem>> -> memref<1x1x16xi32, #tpu.memory_space<vmem>>
        %dma_start3A_970 = tpu.memref_squeeze %dma_start3A_969 : memref<1x1x16xi32, #tpu.memory_space<vmem>> -> memref<16xi32, #tpu.memory_space<vmem>>
        %dma_start3A_971 = arith.constant 0 : i32
        %dma_start3A_972 = arith.constant 0 : i32
        %dma_start3A_973 = tpu.memref_slice %arg14[%dma_start3A_971, %dma_start3A_972] : memref<10240x128xf32, #tpu.memory_space<vmem_shared>> -> memref<10240x128xf32, #tpu.memory_space<vmem_shared>>
        tpu.enqueue_indirect_dma source(%arg9 : memref<16x128xf32, #tpu.memory_space<vmem>>) target(%dma_start3A_973 : memref<10240x128xf32, #tpu.memory_space<vmem_shared>>) offsets(%dma_start3A_970 : memref<16xi32, #tpu.memory_space<vmem>>) semaphore(%run_scoped3A_967 : memref<!tpu.dma_semaphore, #tpu.memory_space<semaphore_mem>>) {add = true}
        %dma_wait3A_974 = arith.constant 0 : i32
        %dma_wait3A_975 = tpu.memref_slice %arg7[%rem3A_529, %run_scoped3A_870, %dma_wait3A_974] : memref<2x25x16xi32, #tpu.memory_space<vmem>> -> memref<1x1x16xi32, #tpu.memory_space<vmem>>
        %dma_wait3A_976 = tpu.memref_squeeze %dma_wait3A_975 : memref<1x1x16xi32, #tpu.memory_space<vmem>> -> memref<16xi32, #tpu.memory_space<vmem>>
        %dma_wait3A_977 = arith.constant 0 : i32
        %dma_wait3A_978 = arith.constant 0 : i32
        %dma_wait3A_979 = tpu.memref_slice %arg14[%dma_wait3A_977, %dma_wait3A_978] : memref<10240x128xf32, #tpu.memory_space<vmem_shared>> -> memref<10240x128xf32, #tpu.memory_space<vmem_shared>>
        tpu.wait_indirect_dma semaphore(%run_scoped3A_967 : memref<!tpu.dma_semaphore, #tpu.memory_space<semaphore_mem>>) src(%arg9 : memref<16x128xf32, #tpu.memory_space<vmem>>) dst(%dma_wait3A_979 : memref<10240x128xf32, #tpu.memory_space<vmem_shared>>)
        tpu.yield
      }) : () -> ()
      %dma_start3A_871 = arith.constant 0 : i32
      %dma_start3A_872 = arith.constant 0 : i32
      %dma_start3A_873 = tpu.memref_slice %arg8[%rem3A_533, %dma_start3A_871, %dma_start3A_872] : memref<2x25x16xi32, #tpu.memory_space<vmem>> -> memref<1x1x16xi32, #tpu.memory_space<vmem>>
      %dma_start3A_874 = tpu.memref_squeeze %dma_start3A_873 : memref<1x1x16xi32, #tpu.memory_space<vmem>> -> memref<16xi32, #tpu.memory_space<vmem>>
      %dma_start3A_875 = arith.constant 0 : i32
      %dma_start3A_876 = arith.constant 0 : i32
      %dma_start3A_877 = tpu.memref_slice %arg2[%dma_start3A_875, %dma_start3A_876] : memref<10000x128xf32, #tpu.memory_space<hbm>> -> memref<10000x128xf32, #tpu.memory_space<hbm>>
      tpu.enqueue_indirect_dma source(%dma_start3A_877 : memref<10000x128xf32, #tpu.memory_space<hbm>>) target(%arg9 : memref<16x128xf32, #tpu.memory_space<vmem>>) offsets(%dma_start3A_874 : memref<16xi32, #tpu.memory_space<vmem>>) semaphore(%arg15 : memref<!tpu.dma_semaphore, #tpu.memory_space<semaphore_mem>>)
      %dma_wait3A_878 = arith.constant 21 : i32
      %dma_wait3A_879 = arith.constant 0 : i32
      %dma_wait3A_880 = tpu.memref_slice %arg8[%rem3A_529, %dma_wait3A_878, %dma_wait3A_879] : memref<2x25x16xi32, #tpu.memory_space<vmem>> -> memref<1x1x16xi32, #tpu.memory_space<vmem>>
      %dma_wait3A_881 = tpu.memref_squeeze %dma_wait3A_880 : memref<1x1x16xi32, #tpu.memory_space<vmem>> -> memref<16xi32, #tpu.memory_space<vmem>>
      %dma_wait3A_882 = arith.constant 0 : i32
      %dma_wait3A_883 = arith.constant 0 : i32
      %dma_wait3A_884 = tpu.memref_slice %arg2[%dma_wait3A_882, %dma_wait3A_883] : memref<10000x128xf32, #tpu.memory_space<hbm>> -> memref<10000x128xf32, #tpu.memory_space<hbm>>
      tpu.wait_indirect_dma semaphore(%arg16 : memref<!tpu.dma_semaphore, #tpu.memory_space<semaphore_mem>>) src(%dma_wait3A_884 : memref<10000x128xf32, #tpu.memory_space<hbm>>) dst(%arg10 : memref<16x128xf32, #tpu.memory_space<vmem>>)
      %run_scoped3A_885 = arith.constant 21 : i32
      "tpu.region"() ({
        %run_scoped3A_967 = tpu.sem_alloc : memref<!tpu.dma_semaphore, #tpu.memory_space<semaphore_mem>>
        %dma_start3A_968 = arith.constant 0 : i32
        %dma_start3A_969 = tpu.memref_slice %arg7[%rem3A_529, %run_scoped3A_885, %dma_start3A_968] : memref<2x25x16xi32, #tpu.memory_space<vmem>> -> memref<1x1x16xi32, #tpu.memory_space<vmem>>
        %dma_start3A_970 = tpu.memref_squeeze %dma_start3A_969 : memref<1x1x16xi32, #tpu.memory_space<vmem>> -> memref<16xi32, #tpu.memory_space<vmem>>
        %dma_start3A_971 = arith.constant 0 : i32
        %dma_start3A_972 = arith.constant 0 : i32
        %dma_start3A_973 = tpu.memref_slice %arg14[%dma_start3A_971, %dma_start3A_972] : memref<10240x128xf32, #tpu.memory_space<vmem_shared>> -> memref<10240x128xf32, #tpu.memory_space<vmem_shared>>
        tpu.enqueue_indirect_dma source(%arg10 : memref<16x128xf32, #tpu.memory_space<vmem>>) target(%dma_start3A_973 : memref<10240x128xf32, #tpu.memory_space<vmem_shared>>) offsets(%dma_start3A_970 : memref<16xi32, #tpu.memory_space<vmem>>) semaphore(%run_scoped3A_967 : memref<!tpu.dma_semaphore, #tpu.memory_space<semaphore_mem>>) {add = true}
        %dma_wait3A_974 = arith.constant 0 : i32
        %dma_wait3A_975 = tpu.memref_slice %arg7[%rem3A_529, %run_scoped3A_885, %dma_wait3A_974] : memref<2x25x16xi32, #tpu.memory_space<vmem>> -> memref<1x1x16xi32, #tpu.memory_space<vmem>>
        %dma_wait3A_976 = tpu.memref_squeeze %dma_wait3A_975 : memref<1x1x16xi32, #tpu.memory_space<vmem>> -> memref<16xi32, #tpu.memory_space<vmem>>
        %dma_wait3A_977 = arith.constant 0 : i32
        %dma_wait3A_978 = arith.constant 0 : i32
        %dma_wait3A_979 = tpu.memref_slice %arg14[%dma_wait3A_977, %dma_wait3A_978] : memref<10240x128xf32, #tpu.memory_space<vmem_shared>> -> memref<10240x128xf32, #tpu.memory_space<vmem_shared>>
        tpu.wait_indirect_dma semaphore(%run_scoped3A_967 : memref<!tpu.dma_semaphore, #tpu.memory_space<semaphore_mem>>) src(%arg10 : memref<16x128xf32, #tpu.memory_space<vmem>>) dst(%dma_wait3A_979 : memref<10240x128xf32, #tpu.memory_space<vmem_shared>>)
        tpu.yield
      }) : () -> ()
      %dma_start3A_886 = arith.constant 1 : i32
      %dma_start3A_887 = arith.constant 0 : i32
      %dma_start3A_888 = tpu.memref_slice %arg8[%rem3A_533, %dma_start3A_886, %dma_start3A_887] : memref<2x25x16xi32, #tpu.memory_space<vmem>> -> memref<1x1x16xi32, #tpu.memory_space<vmem>>
      %dma_start3A_889 = tpu.memref_squeeze %dma_start3A_888 : memref<1x1x16xi32, #tpu.memory_space<vmem>> -> memref<16xi32, #tpu.memory_space<vmem>>
      %dma_start3A_890 = arith.constant 0 : i32
      %dma_start3A_891 = arith.constant 0 : i32
      %dma_start3A_892 = tpu.memref_slice %arg2[%dma_start3A_890, %dma_start3A_891] : memref<10000x128xf32, #tpu.memory_space<hbm>> -> memref<10000x128xf32, #tpu.memory_space<hbm>>
      tpu.enqueue_indirect_dma source(%dma_start3A_892 : memref<10000x128xf32, #tpu.memory_space<hbm>>) target(%arg10 : memref<16x128xf32, #tpu.memory_space<vmem>>) offsets(%dma_start3A_889 : memref<16xi32, #tpu.memory_space<vmem>>) semaphore(%arg16 : memref<!tpu.dma_semaphore, #tpu.memory_space<semaphore_mem>>)
      %dma_wait3A_893 = arith.constant 22 : i32
      %dma_wait3A_894 = arith.constant 0 : i32
      %dma_wait3A_895 = tpu.memref_slice %arg8[%rem3A_529, %dma_wait3A_893, %dma_wait3A_894] : memref<2x25x16xi32, #tpu.memory_space<vmem>> -> memref<1x1x16xi32, #tpu.memory_space<vmem>>
      %dma_wait3A_896 = tpu.memref_squeeze %dma_wait3A_895 : memref<1x1x16xi32, #tpu.memory_space<vmem>> -> memref<16xi32, #tpu.memory_space<vmem>>
      %dma_wait3A_897 = arith.constant 0 : i32
      %dma_wait3A_898 = arith.constant 0 : i32
      %dma_wait3A_899 = tpu.memref_slice %arg2[%dma_wait3A_897, %dma_wait3A_898] : memref<10000x128xf32, #tpu.memory_space<hbm>> -> memref<10000x128xf32, #tpu.memory_space<hbm>>
      tpu.wait_indirect_dma semaphore(%arg17 : memref<!tpu.dma_semaphore, #tpu.memory_space<semaphore_mem>>) src(%dma_wait3A_899 : memref<10000x128xf32, #tpu.memory_space<hbm>>) dst(%arg11 : memref<16x128xf32, #tpu.memory_space<vmem>>)
      %run_scoped3A_900 = arith.constant 22 : i32
      "tpu.region"() ({
        %run_scoped3A_967 = tpu.sem_alloc : memref<!tpu.dma_semaphore, #tpu.memory_space<semaphore_mem>>
        %dma_start3A_968 = arith.constant 0 : i32
        %dma_start3A_969 = tpu.memref_slice %arg7[%rem3A_529, %run_scoped3A_900, %dma_start3A_968] : memref<2x25x16xi32, #tpu.memory_space<vmem>> -> memref<1x1x16xi32, #tpu.memory_space<vmem>>
        %dma_start3A_970 = tpu.memref_squeeze %dma_start3A_969 : memref<1x1x16xi32, #tpu.memory_space<vmem>> -> memref<16xi32, #tpu.memory_space<vmem>>
        %dma_start3A_971 = arith.constant 0 : i32
        %dma_start3A_972 = arith.constant 0 : i32
        %dma_start3A_973 = tpu.memref_slice %arg14[%dma_start3A_971, %dma_start3A_972] : memref<10240x128xf32, #tpu.memory_space<vmem_shared>> -> memref<10240x128xf32, #tpu.memory_space<vmem_shared>>
        tpu.enqueue_indirect_dma source(%arg11 : memref<16x128xf32, #tpu.memory_space<vmem>>) target(%dma_start3A_973 : memref<10240x128xf32, #tpu.memory_space<vmem_shared>>) offsets(%dma_start3A_970 : memref<16xi32, #tpu.memory_space<vmem>>) semaphore(%run_scoped3A_967 : memref<!tpu.dma_semaphore, #tpu.memory_space<semaphore_mem>>) {add = true}
        %dma_wait3A_974 = arith.constant 0 : i32
        %dma_wait3A_975 = tpu.memref_slice %arg7[%rem3A_529, %run_scoped3A_900, %dma_wait3A_974] : memref<2x25x16xi32, #tpu.memory_space<vmem>> -> memref<1x1x16xi32, #tpu.memory_space<vmem>>
        %dma_wait3A_976 = tpu.memref_squeeze %dma_wait3A_975 : memref<1x1x16xi32, #tpu.memory_space<vmem>> -> memref<16xi32, #tpu.memory_space<vmem>>
        %dma_wait3A_977 = arith.constant 0 : i32
        %dma_wait3A_978 = arith.constant 0 : i32
        %dma_wait3A_979 = tpu.memref_slice %arg14[%dma_wait3A_977, %dma_wait3A_978] : memref<10240x128xf32, #tpu.memory_space<vmem_shared>> -> memref<10240x128xf32, #tpu.memory_space<vmem_shared>>
        tpu.wait_indirect_dma semaphore(%run_scoped3A_967 : memref<!tpu.dma_semaphore, #tpu.memory_space<semaphore_mem>>) src(%arg11 : memref<16x128xf32, #tpu.memory_space<vmem>>) dst(%dma_wait3A_979 : memref<10240x128xf32, #tpu.memory_space<vmem_shared>>)
        tpu.yield
      }) : () -> ()
      %dma_start3A_901 = arith.constant 2 : i32
      %dma_start3A_902 = arith.constant 0 : i32
      %dma_start3A_903 = tpu.memref_slice %arg8[%rem3A_533, %dma_start3A_901, %dma_start3A_902] : memref<2x25x16xi32, #tpu.memory_space<vmem>> -> memref<1x1x16xi32, #tpu.memory_space<vmem>>
      %dma_start3A_904 = tpu.memref_squeeze %dma_start3A_903 : memref<1x1x16xi32, #tpu.memory_space<vmem>> -> memref<16xi32, #tpu.memory_space<vmem>>
      %dma_start3A_905 = arith.constant 0 : i32
      %dma_start3A_906 = arith.constant 0 : i32
      %dma_start3A_907 = tpu.memref_slice %arg2[%dma_start3A_905, %dma_start3A_906] : memref<10000x128xf32, #tpu.memory_space<hbm>> -> memref<10000x128xf32, #tpu.memory_space<hbm>>
      tpu.enqueue_indirect_dma source(%dma_start3A_907 : memref<10000x128xf32, #tpu.memory_space<hbm>>) target(%arg11 : memref<16x128xf32, #tpu.memory_space<vmem>>) offsets(%dma_start3A_904 : memref<16xi32, #tpu.memory_space<vmem>>) semaphore(%arg17 : memref<!tpu.dma_semaphore, #tpu.memory_space<semaphore_mem>>)
      %dma_wait3A_908 = arith.constant 23 : i32
      %dma_wait3A_909 = arith.constant 0 : i32
      %dma_wait3A_910 = tpu.memref_slice %arg8[%rem3A_529, %dma_wait3A_908, %dma_wait3A_909] : memref<2x25x16xi32, #tpu.memory_space<vmem>> -> memref<1x1x16xi32, #tpu.memory_space<vmem>>
      %dma_wait3A_911 = tpu.memref_squeeze %dma_wait3A_910 : memref<1x1x16xi32, #tpu.memory_space<vmem>> -> memref<16xi32, #tpu.memory_space<vmem>>
      %dma_wait3A_912 = arith.constant 0 : i32
      %dma_wait3A_913 = arith.constant 0 : i32
      %dma_wait3A_914 = tpu.memref_slice %arg2[%dma_wait3A_912, %dma_wait3A_913] : memref<10000x128xf32, #tpu.memory_space<hbm>> -> memref<10000x128xf32, #tpu.memory_space<hbm>>
      tpu.wait_indirect_dma semaphore(%arg18 : memref<!tpu.dma_semaphore, #tpu.memory_space<semaphore_mem>>) src(%dma_wait3A_914 : memref<10000x128xf32, #tpu.memory_space<hbm>>) dst(%arg12 : memref<16x128xf32, #tpu.memory_space<vmem>>)
      %run_scoped3A_915 = arith.constant 23 : i32
      "tpu.region"() ({
        %run_scoped3A_967 = tpu.sem_alloc : memref<!tpu.dma_semaphore, #tpu.memory_space<semaphore_mem>>
        %dma_start3A_968 = arith.constant 0 : i32
        %dma_start3A_969 = tpu.memref_slice %arg7[%rem3A_529, %run_scoped3A_915, %dma_start3A_968] : memref<2x25x16xi32, #tpu.memory_space<vmem>> -> memref<1x1x16xi32, #tpu.memory_space<vmem>>
        %dma_start3A_970 = tpu.memref_squeeze %dma_start3A_969 : memref<1x1x16xi32, #tpu.memory_space<vmem>> -> memref<16xi32, #tpu.memory_space<vmem>>
        %dma_start3A_971 = arith.constant 0 : i32
        %dma_start3A_972 = arith.constant 0 : i32
        %dma_start3A_973 = tpu.memref_slice %arg14[%dma_start3A_971, %dma_start3A_972] : memref<10240x128xf32, #tpu.memory_space<vmem_shared>> -> memref<10240x128xf32, #tpu.memory_space<vmem_shared>>
        tpu.enqueue_indirect_dma source(%arg12 : memref<16x128xf32, #tpu.memory_space<vmem>>) target(%dma_start3A_973 : memref<10240x128xf32, #tpu.memory_space<vmem_shared>>) offsets(%dma_start3A_970 : memref<16xi32, #tpu.memory_space<vmem>>) semaphore(%run_scoped3A_967 : memref<!tpu.dma_semaphore, #tpu.memory_space<semaphore_mem>>) {add = true}
        %dma_wait3A_974 = arith.constant 0 : i32
        %dma_wait3A_975 = tpu.memref_slice %arg7[%rem3A_529, %run_scoped3A_915, %dma_wait3A_974] : memref<2x25x16xi32, #tpu.memory_space<vmem>> -> memref<1x1x16xi32, #tpu.memory_space<vmem>>
        %dma_wait3A_976 = tpu.memref_squeeze %dma_wait3A_975 : memref<1x1x16xi32, #tpu.memory_space<vmem>> -> memref<16xi32, #tpu.memory_space<vmem>>
        %dma_wait3A_977 = arith.constant 0 : i32
        %dma_wait3A_978 = arith.constant 0 : i32
        %dma_wait3A_979 = tpu.memref_slice %arg14[%dma_wait3A_977, %dma_wait3A_978] : memref<10240x128xf32, #tpu.memory_space<vmem_shared>> -> memref<10240x128xf32, #tpu.memory_space<vmem_shared>>
        tpu.wait_indirect_dma semaphore(%run_scoped3A_967 : memref<!tpu.dma_semaphore, #tpu.memory_space<semaphore_mem>>) src(%arg12 : memref<16x128xf32, #tpu.memory_space<vmem>>) dst(%dma_wait3A_979 : memref<10240x128xf32, #tpu.memory_space<vmem_shared>>)
        tpu.yield
      }) : () -> ()
      %dma_start3A_916 = arith.constant 3 : i32
      %dma_start3A_917 = arith.constant 0 : i32
      %dma_start3A_918 = tpu.memref_slice %arg8[%rem3A_533, %dma_start3A_916, %dma_start3A_917] : memref<2x25x16xi32, #tpu.memory_space<vmem>> -> memref<1x1x16xi32, #tpu.memory_space<vmem>>
      %dma_start3A_919 = tpu.memref_squeeze %dma_start3A_918 : memref<1x1x16xi32, #tpu.memory_space<vmem>> -> memref<16xi32, #tpu.memory_space<vmem>>
      %dma_start3A_920 = arith.constant 0 : i32
      %dma_start3A_921 = arith.constant 0 : i32
      %dma_start3A_922 = tpu.memref_slice %arg2[%dma_start3A_920, %dma_start3A_921] : memref<10000x128xf32, #tpu.memory_space<hbm>> -> memref<10000x128xf32, #tpu.memory_space<hbm>>
      tpu.enqueue_indirect_dma source(%dma_start3A_922 : memref<10000x128xf32, #tpu.memory_space<hbm>>) target(%arg12 : memref<16x128xf32, #tpu.memory_space<vmem>>) offsets(%dma_start3A_919 : memref<16xi32, #tpu.memory_space<vmem>>) semaphore(%arg18 : memref<!tpu.dma_semaphore, #tpu.memory_space<semaphore_mem>>)
      %dma_wait3A_923 = arith.constant 24 : i32
      %dma_wait3A_924 = arith.constant 0 : i32
      %dma_wait3A_925 = tpu.memref_slice %arg8[%rem3A_529, %dma_wait3A_923, %dma_wait3A_924] : memref<2x25x16xi32, #tpu.memory_space<vmem>> -> memref<1x1x16xi32, #tpu.memory_space<vmem>>
      %dma_wait3A_926 = tpu.memref_squeeze %dma_wait3A_925 : memref<1x1x16xi32, #tpu.memory_space<vmem>> -> memref<16xi32, #tpu.memory_space<vmem>>
      %dma_wait3A_927 = arith.constant 0 : i32
      %dma_wait3A_928 = arith.constant 0 : i32
      %dma_wait3A_929 = tpu.memref_slice %arg2[%dma_wait3A_927, %dma_wait3A_928] : memref<10000x128xf32, #tpu.memory_space<hbm>> -> memref<10000x128xf32, #tpu.memory_space<hbm>>
      tpu.wait_indirect_dma semaphore(%arg19 : memref<!tpu.dma_semaphore, #tpu.memory_space<semaphore_mem>>) src(%dma_wait3A_929 : memref<10000x128xf32, #tpu.memory_space<hbm>>) dst(%arg13 : memref<16x128xf32, #tpu.memory_space<vmem>>)
      %run_scoped3A_930 = arith.constant 24 : i32
      "tpu.region"() ({
        %run_scoped3A_967 = tpu.sem_alloc : memref<!tpu.dma_semaphore, #tpu.memory_space<semaphore_mem>>
        %dma_start3A_968 = arith.constant 0 : i32
        %dma_start3A_969 = tpu.memref_slice %arg7[%rem3A_529, %run_scoped3A_930, %dma_start3A_968] : memref<2x25x16xi32, #tpu.memory_space<vmem>> -> memref<1x1x16xi32, #tpu.memory_space<vmem>>
        %dma_start3A_970 = tpu.memref_squeeze %dma_start3A_969 : memref<1x1x16xi32, #tpu.memory_space<vmem>> -> memref<16xi32, #tpu.memory_space<vmem>>
        %dma_start3A_971 = arith.constant 0 : i32
        %dma_start3A_972 = arith.constant 0 : i32
        %dma_start3A_973 = tpu.memref_slice %arg14[%dma_start3A_971, %dma_start3A_972] : memref<10240x128xf32, #tpu.memory_space<vmem_shared>> -> memref<10240x128xf32, #tpu.memory_space<vmem_shared>>
        tpu.enqueue_indirect_dma source(%arg13 : memref<16x128xf32, #tpu.memory_space<vmem>>) target(%dma_start3A_973 : memref<10240x128xf32, #tpu.memory_space<vmem_shared>>) offsets(%dma_start3A_970 : memref<16xi32, #tpu.memory_space<vmem>>) semaphore(%run_scoped3A_967 : memref<!tpu.dma_semaphore, #tpu.memory_space<semaphore_mem>>) {add = true}
        %dma_wait3A_974 = arith.constant 0 : i32
        %dma_wait3A_975 = tpu.memref_slice %arg7[%rem3A_529, %run_scoped3A_930, %dma_wait3A_974] : memref<2x25x16xi32, #tpu.memory_space<vmem>> -> memref<1x1x16xi32, #tpu.memory_space<vmem>>
        %dma_wait3A_976 = tpu.memref_squeeze %dma_wait3A_975 : memref<1x1x16xi32, #tpu.memory_space<vmem>> -> memref<16xi32, #tpu.memory_space<vmem>>
        %dma_wait3A_977 = arith.constant 0 : i32
        %dma_wait3A_978 = arith.constant 0 : i32
        %dma_wait3A_979 = tpu.memref_slice %arg14[%dma_wait3A_977, %dma_wait3A_978] : memref<10240x128xf32, #tpu.memory_space<vmem_shared>> -> memref<10240x128xf32, #tpu.memory_space<vmem_shared>>
        tpu.wait_indirect_dma semaphore(%run_scoped3A_967 : memref<!tpu.dma_semaphore, #tpu.memory_space<semaphore_mem>>) src(%arg13 : memref<16x128xf32, #tpu.memory_space<vmem>>) dst(%dma_wait3A_979 : memref<10240x128xf32, #tpu.memory_space<vmem_shared>>)
        tpu.yield
      }) : () -> ()
      %dma_start3A_931 = arith.constant 4 : i32
      %dma_start3A_932 = arith.constant 0 : i32
      %dma_start3A_933 = tpu.memref_slice %arg8[%rem3A_533, %dma_start3A_931, %dma_start3A_932] : memref<2x25x16xi32, #tpu.memory_space<vmem>> -> memref<1x1x16xi32, #tpu.memory_space<vmem>>
      %dma_start3A_934 = tpu.memref_squeeze %dma_start3A_933 : memref<1x1x16xi32, #tpu.memory_space<vmem>> -> memref<16xi32, #tpu.memory_space<vmem>>
      %dma_start3A_935 = arith.constant 0 : i32
      %dma_start3A_936 = arith.constant 0 : i32
      %dma_start3A_937 = tpu.memref_slice %arg2[%dma_start3A_935, %dma_start3A_936] : memref<10000x128xf32, #tpu.memory_space<hbm>> -> memref<10000x128xf32, #tpu.memory_space<hbm>>
      tpu.enqueue_indirect_dma source(%dma_start3A_937 : memref<10000x128xf32, #tpu.memory_space<hbm>>) target(%arg13 : memref<16x128xf32, #tpu.memory_space<vmem>>) offsets(%dma_start3A_934 : memref<16xi32, #tpu.memory_space<vmem>>) semaphore(%arg19 : memref<!tpu.dma_semaphore, #tpu.memory_space<semaphore_mem>>)
      %add3A_938 = arith.constant 2 : i32
      %add3A_939 = arith.addi %scan3A_528, %add3A_938 : i32
      %mul3A_940 = arith.constant 50 : i32
      %mul3A_941 = arith.muli %add3A, %mul3A_940 : i32
      %add3A_942 = arith.addi %mul3A_941, %add3A_939 : i32
      %dma_start3A_943 = arith.constant 0 : i32
      %dma_start3A_944 = arith.constant 0 : i32
      %dma_start3A_945 = tpu.memref_slice %arg7[%rem3A_529, %dma_start3A_943, %dma_start3A_944] : memref<2x25x16xi32, #tpu.memory_space<vmem>> -> memref<1x25x16xi32, #tpu.memory_space<vmem>>
      %dma_start3A_946 = arith.constant 0 : i32
      %dma_start3A_947 = arith.constant 0 : i32
      %dma_start3A_948 = tpu.memref_slice %arg3[%add3A_942, %dma_start3A_946, %dma_start3A_947] : memref<801x25x16xi32, #tpu.memory_space<hbm>> -> memref<1x25x16xi32, #tpu.memory_space<hbm>>
      %dma_start3A_949 = arith.constant 0 : i32
      %dma_start3A_950 = arith.constant 0 : i32
      %dma_start3A_951 = tpu.memref_slice %arg7[%rem3A_529, %dma_start3A_949, %dma_start3A_950] : memref<2x25x16xi32, #tpu.memory_space<vmem>> -> memref<1x25x16xi32, #tpu.memory_space<vmem>>
      %dma_start3A_952 = arith.constant 0 : i32
      %dma_start3A_953 = arith.constant 0 : i32
      %dma_start3A_954 = tpu.memref_slice %arg3[%add3A_942, %dma_start3A_952, %dma_start3A_953] : memref<801x25x16xi32, #tpu.memory_space<hbm>> -> memref<1x25x16xi32, #tpu.memory_space<hbm>>
      tpu.enqueue_dma source(%dma_start3A_954 : memref<1x25x16xi32, #tpu.memory_space<hbm>>) target(%dma_start3A_951 : memref<1x25x16xi32, #tpu.memory_space<vmem>>) target_semaphore(%arg20 : memref<!tpu.dma_semaphore, #tpu.memory_space<semaphore_mem>>)
      %dma_start3A_955 = arith.constant 0 : i32
      %dma_start3A_956 = arith.constant 0 : i32
      %dma_start3A_957 = tpu.memref_slice %arg8[%rem3A_529, %dma_start3A_955, %dma_start3A_956] : memref<2x25x16xi32, #tpu.memory_space<vmem>> -> memref<1x25x16xi32, #tpu.memory_space<vmem>>
      %dma_start3A_958 = arith.constant 0 : i32
      %dma_start3A_959 = arith.constant 0 : i32
      %dma_start3A_960 = tpu.memref_slice %arg4[%add3A_942, %dma_start3A_958, %dma_start3A_959] : memref<801x25x16xi32, #tpu.memory_space<hbm>> -> memref<1x25x16xi32, #tpu.memory_space<hbm>>
      %dma_start3A_961 = arith.constant 0 : i32
      %dma_start3A_962 = arith.constant 0 : i32
      %dma_start3A_963 = tpu.memref_slice %arg8[%rem3A_529, %dma_start3A_961, %dma_start3A_962] : memref<2x25x16xi32, #tpu.memory_space<vmem>> -> memref<1x25x16xi32, #tpu.memory_space<vmem>>
      %dma_start3A_964 = arith.constant 0 : i32
      %dma_start3A_965 = arith.constant 0 : i32
      %dma_start3A_966 = tpu.memref_slice %arg4[%add3A_942, %dma_start3A_964, %dma_start3A_965] : memref<801x25x16xi32, #tpu.memory_space<hbm>> -> memref<1x25x16xi32, #tpu.memory_space<hbm>>
      tpu.enqueue_dma source(%dma_start3A_966 : memref<1x25x16xi32, #tpu.memory_space<hbm>>) target(%dma_start3A_963 : memref<1x25x16xi32, #tpu.memory_space<vmem>>) target_semaphore(%arg21 : memref<!tpu.dma_semaphore, #tpu.memory_space<semaphore_mem>>)
    }
    %scan3A_82 = arith.constant 49 : i32
    %dma_wait3A = arith.constant 1 : i32
    %dma_wait3A_83 = arith.constant 0 : i32
    %dma_wait3A_84 = arith.constant 0 : i32
    %dma_wait3A_85 = tpu.memref_slice %arg8[%dma_wait3A, %dma_wait3A_83, %dma_wait3A_84] : memref<2x25x16xi32, #tpu.memory_space<vmem>> -> memref<1x1x16xi32, #tpu.memory_space<vmem>>
    %dma_wait3A_86 = tpu.memref_squeeze %dma_wait3A_85 : memref<1x1x16xi32, #tpu.memory_space<vmem>> -> memref<16xi32, #tpu.memory_space<vmem>>
    %dma_wait3A_87 = arith.constant 0 : i32
    %dma_wait3A_88 = arith.constant 0 : i32
    %dma_wait3A_89 = tpu.memref_slice %arg2[%dma_wait3A_87, %dma_wait3A_88] : memref<10000x128xf32, #tpu.memory_space<hbm>> -> memref<10000x128xf32, #tpu.memory_space<hbm>>
    tpu.wait_indirect_dma semaphore(%arg15 : memref<!tpu.dma_semaphore, #tpu.memory_space<semaphore_mem>>) src(%dma_wait3A_89 : memref<10000x128xf32, #tpu.memory_space<hbm>>) dst(%arg9 : memref<16x128xf32, #tpu.memory_space<vmem>>)
    %run_scoped3A = arith.constant 1 : i32
    %run_scoped3A_90 = arith.constant 0 : i32
    "tpu.region"() ({
      %run_scoped3A_528 = tpu.sem_alloc : memref<!tpu.dma_semaphore, #tpu.memory_space<semaphore_mem>>
      %dma_start3A_529 = arith.constant 0 : i32
      %dma_start3A_530 = tpu.memref_slice %arg7[%run_scoped3A, %run_scoped3A_90, %dma_start3A_529] : memref<2x25x16xi32, #tpu.memory_space<vmem>> -> memref<1x1x16xi32, #tpu.memory_space<vmem>>
      %dma_start3A_531 = tpu.memref_squeeze %dma_start3A_530 : memref<1x1x16xi32, #tpu.memory_space<vmem>> -> memref<16xi32, #tpu.memory_space<vmem>>
      %dma_start3A_532 = arith.constant 0 : i32
      %dma_start3A_533 = arith.constant 0 : i32
      %dma_start3A_534 = tpu.memref_slice %arg14[%dma_start3A_532, %dma_start3A_533] : memref<10240x128xf32, #tpu.memory_space<vmem_shared>> -> memref<10240x128xf32, #tpu.memory_space<vmem_shared>>
      tpu.enqueue_indirect_dma source(%arg9 : memref<16x128xf32, #tpu.memory_space<vmem>>) target(%dma_start3A_534 : memref<10240x128xf32, #tpu.memory_space<vmem_shared>>) offsets(%dma_start3A_531 : memref<16xi32, #tpu.memory_space<vmem>>) semaphore(%run_scoped3A_528 : memref<!tpu.dma_semaphore, #tpu.memory_space<semaphore_mem>>) {add = true}
      %dma_wait3A_535 = arith.constant 0 : i32
      %dma_wait3A_536 = tpu.memref_slice %arg7[%run_scoped3A, %run_scoped3A_90, %dma_wait3A_535] : memref<2x25x16xi32, #tpu.memory_space<vmem>> -> memref<1x1x16xi32, #tpu.memory_space<vmem>>
      %dma_wait3A_537 = tpu.memref_squeeze %dma_wait3A_536 : memref<1x1x16xi32, #tpu.memory_space<vmem>> -> memref<16xi32, #tpu.memory_space<vmem>>
      %dma_wait3A_538 = arith.constant 0 : i32
      %dma_wait3A_539 = arith.constant 0 : i32
      %dma_wait3A_540 = tpu.memref_slice %arg14[%dma_wait3A_538, %dma_wait3A_539] : memref<10240x128xf32, #tpu.memory_space<vmem_shared>> -> memref<10240x128xf32, #tpu.memory_space<vmem_shared>>
      tpu.wait_indirect_dma semaphore(%run_scoped3A_528 : memref<!tpu.dma_semaphore, #tpu.memory_space<semaphore_mem>>) src(%arg9 : memref<16x128xf32, #tpu.memory_space<vmem>>) dst(%dma_wait3A_540 : memref<10240x128xf32, #tpu.memory_space<vmem_shared>>)
      tpu.yield
    }) : () -> ()
    %dma_start3A_91 = arith.constant 1 : i32
    %dma_start3A_92 = arith.constant 5 : i32
    %dma_start3A_93 = arith.constant 0 : i32
    %dma_start3A_94 = tpu.memref_slice %arg8[%dma_start3A_91, %dma_start3A_92, %dma_start3A_93] : memref<2x25x16xi32, #tpu.memory_space<vmem>> -> memref<1x1x16xi32, #tpu.memory_space<vmem>>
    %dma_start3A_95 = tpu.memref_squeeze %dma_start3A_94 : memref<1x1x16xi32, #tpu.memory_space<vmem>> -> memref<16xi32, #tpu.memory_space<vmem>>
    %dma_start3A_96 = arith.constant 0 : i32
    %dma_start3A_97 = arith.constant 0 : i32
    %dma_start3A_98 = tpu.memref_slice %arg2[%dma_start3A_96, %dma_start3A_97] : memref<10000x128xf32, #tpu.memory_space<hbm>> -> memref<10000x128xf32, #tpu.memory_space<hbm>>
    tpu.enqueue_indirect_dma source(%dma_start3A_98 : memref<10000x128xf32, #tpu.memory_space<hbm>>) target(%arg9 : memref<16x128xf32, #tpu.memory_space<vmem>>) offsets(%dma_start3A_95 : memref<16xi32, #tpu.memory_space<vmem>>) semaphore(%arg15 : memref<!tpu.dma_semaphore, #tpu.memory_space<semaphore_mem>>)
    %dma_wait3A_99 = arith.constant 1 : i32
    %dma_wait3A_100 = arith.constant 1 : i32
    %dma_wait3A_101 = arith.constant 0 : i32
    %dma_wait3A_102 = tpu.memref_slice %arg8[%dma_wait3A_99, %dma_wait3A_100, %dma_wait3A_101] : memref<2x25x16xi32, #tpu.memory_space<vmem>> -> memref<1x1x16xi32, #tpu.memory_space<vmem>>
    %dma_wait3A_103 = tpu.memref_squeeze %dma_wait3A_102 : memref<1x1x16xi32, #tpu.memory_space<vmem>> -> memref<16xi32, #tpu.memory_space<vmem>>
    %dma_wait3A_104 = arith.constant 0 : i32
    %dma_wait3A_105 = arith.constant 0 : i32
    %dma_wait3A_106 = tpu.memref_slice %arg2[%dma_wait3A_104, %dma_wait3A_105] : memref<10000x128xf32, #tpu.memory_space<hbm>> -> memref<10000x128xf32, #tpu.memory_space<hbm>>
    tpu.wait_indirect_dma semaphore(%arg16 : memref<!tpu.dma_semaphore, #tpu.memory_space<semaphore_mem>>) src(%dma_wait3A_106 : memref<10000x128xf32, #tpu.memory_space<hbm>>) dst(%arg10 : memref<16x128xf32, #tpu.memory_space<vmem>>)
    %run_scoped3A_107 = arith.constant 1 : i32
    %run_scoped3A_108 = arith.constant 1 : i32
    "tpu.region"() ({
      %run_scoped3A_528 = tpu.sem_alloc : memref<!tpu.dma_semaphore, #tpu.memory_space<semaphore_mem>>
      %dma_start3A_529 = arith.constant 0 : i32
      %dma_start3A_530 = tpu.memref_slice %arg7[%run_scoped3A_107, %run_scoped3A_108, %dma_start3A_529] : memref<2x25x16xi32, #tpu.memory_space<vmem>> -> memref<1x1x16xi32, #tpu.memory_space<vmem>>
      %dma_start3A_531 = tpu.memref_squeeze %dma_start3A_530 : memref<1x1x16xi32, #tpu.memory_space<vmem>> -> memref<16xi32, #tpu.memory_space<vmem>>
      %dma_start3A_532 = arith.constant 0 : i32
      %dma_start3A_533 = arith.constant 0 : i32
      %dma_start3A_534 = tpu.memref_slice %arg14[%dma_start3A_532, %dma_start3A_533] : memref<10240x128xf32, #tpu.memory_space<vmem_shared>> -> memref<10240x128xf32, #tpu.memory_space<vmem_shared>>
      tpu.enqueue_indirect_dma source(%arg10 : memref<16x128xf32, #tpu.memory_space<vmem>>) target(%dma_start3A_534 : memref<10240x128xf32, #tpu.memory_space<vmem_shared>>) offsets(%dma_start3A_531 : memref<16xi32, #tpu.memory_space<vmem>>) semaphore(%run_scoped3A_528 : memref<!tpu.dma_semaphore, #tpu.memory_space<semaphore_mem>>) {add = true}
      %dma_wait3A_535 = arith.constant 0 : i32
      %dma_wait3A_536 = tpu.memref_slice %arg7[%run_scoped3A_107, %run_scoped3A_108, %dma_wait3A_535] : memref<2x25x16xi32, #tpu.memory_space<vmem>> -> memref<1x1x16xi32, #tpu.memory_space<vmem>>
      %dma_wait3A_537 = tpu.memref_squeeze %dma_wait3A_536 : memref<1x1x16xi32, #tpu.memory_space<vmem>> -> memref<16xi32, #tpu.memory_space<vmem>>
      %dma_wait3A_538 = arith.constant 0 : i32
      %dma_wait3A_539 = arith.constant 0 : i32
      %dma_wait3A_540 = tpu.memref_slice %arg14[%dma_wait3A_538, %dma_wait3A_539] : memref<10240x128xf32, #tpu.memory_space<vmem_shared>> -> memref<10240x128xf32, #tpu.memory_space<vmem_shared>>
      tpu.wait_indirect_dma semaphore(%run_scoped3A_528 : memref<!tpu.dma_semaphore, #tpu.memory_space<semaphore_mem>>) src(%arg10 : memref<16x128xf32, #tpu.memory_space<vmem>>) dst(%dma_wait3A_540 : memref<10240x128xf32, #tpu.memory_space<vmem_shared>>)
      tpu.yield
    }) : () -> ()
    %dma_start3A_109 = arith.constant 1 : i32
    %dma_start3A_110 = arith.constant 6 : i32
    %dma_start3A_111 = arith.constant 0 : i32
    %dma_start3A_112 = tpu.memref_slice %arg8[%dma_start3A_109, %dma_start3A_110, %dma_start3A_111] : memref<2x25x16xi32, #tpu.memory_space<vmem>> -> memref<1x1x16xi32, #tpu.memory_space<vmem>>
    %dma_start3A_113 = tpu.memref_squeeze %dma_start3A_112 : memref<1x1x16xi32, #tpu.memory_space<vmem>> -> memref<16xi32, #tpu.memory_space<vmem>>
    %dma_start3A_114 = arith.constant 0 : i32
    %dma_start3A_115 = arith.constant 0 : i32
    %dma_start3A_116 = tpu.memref_slice %arg2[%dma_start3A_114, %dma_start3A_115] : memref<10000x128xf32, #tpu.memory_space<hbm>> -> memref<10000x128xf32, #tpu.memory_space<hbm>>
    tpu.enqueue_indirect_dma source(%dma_start3A_116 : memref<10000x128xf32, #tpu.memory_space<hbm>>) target(%arg10 : memref<16x128xf32, #tpu.memory_space<vmem>>) offsets(%dma_start3A_113 : memref<16xi32, #tpu.memory_space<vmem>>) semaphore(%arg16 : memref<!tpu.dma_semaphore, #tpu.memory_space<semaphore_mem>>)
    %dma_wait3A_117 = arith.constant 1 : i32
    %dma_wait3A_118 = arith.constant 2 : i32
    %dma_wait3A_119 = arith.constant 0 : i32
    %dma_wait3A_120 = tpu.memref_slice %arg8[%dma_wait3A_117, %dma_wait3A_118, %dma_wait3A_119] : memref<2x25x16xi32, #tpu.memory_space<vmem>> -> memref<1x1x16xi32, #tpu.memory_space<vmem>>
    %dma_wait3A_121 = tpu.memref_squeeze %dma_wait3A_120 : memref<1x1x16xi32, #tpu.memory_space<vmem>> -> memref<16xi32, #tpu.memory_space<vmem>>
    %dma_wait3A_122 = arith.constant 0 : i32
    %dma_wait3A_123 = arith.constant 0 : i32
    %dma_wait3A_124 = tpu.memref_slice %arg2[%dma_wait3A_122, %dma_wait3A_123] : memref<10000x128xf32, #tpu.memory_space<hbm>> -> memref<10000x128xf32, #tpu.memory_space<hbm>>
    tpu.wait_indirect_dma semaphore(%arg17 : memref<!tpu.dma_semaphore, #tpu.memory_space<semaphore_mem>>) src(%dma_wait3A_124 : memref<10000x128xf32, #tpu.memory_space<hbm>>) dst(%arg11 : memref<16x128xf32, #tpu.memory_space<vmem>>)
    %run_scoped3A_125 = arith.constant 1 : i32
    %run_scoped3A_126 = arith.constant 2 : i32
    "tpu.region"() ({
      %run_scoped3A_528 = tpu.sem_alloc : memref<!tpu.dma_semaphore, #tpu.memory_space<semaphore_mem>>
      %dma_start3A_529 = arith.constant 0 : i32
      %dma_start3A_530 = tpu.memref_slice %arg7[%run_scoped3A_125, %run_scoped3A_126, %dma_start3A_529] : memref<2x25x16xi32, #tpu.memory_space<vmem>> -> memref<1x1x16xi32, #tpu.memory_space<vmem>>
      %dma_start3A_531 = tpu.memref_squeeze %dma_start3A_530 : memref<1x1x16xi32, #tpu.memory_space<vmem>> -> memref<16xi32, #tpu.memory_space<vmem>>
      %dma_start3A_532 = arith.constant 0 : i32
      %dma_start3A_533 = arith.constant 0 : i32
      %dma_start3A_534 = tpu.memref_slice %arg14[%dma_start3A_532, %dma_start3A_533] : memref<10240x128xf32, #tpu.memory_space<vmem_shared>> -> memref<10240x128xf32, #tpu.memory_space<vmem_shared>>
      tpu.enqueue_indirect_dma source(%arg11 : memref<16x128xf32, #tpu.memory_space<vmem>>) target(%dma_start3A_534 : memref<10240x128xf32, #tpu.memory_space<vmem_shared>>) offsets(%dma_start3A_531 : memref<16xi32, #tpu.memory_space<vmem>>) semaphore(%run_scoped3A_528 : memref<!tpu.dma_semaphore, #tpu.memory_space<semaphore_mem>>) {add = true}
      %dma_wait3A_535 = arith.constant 0 : i32
      %dma_wait3A_536 = tpu.memref_slice %arg7[%run_scoped3A_125, %run_scoped3A_126, %dma_wait3A_535] : memref<2x25x16xi32, #tpu.memory_space<vmem>> -> memref<1x1x16xi32, #tpu.memory_space<vmem>>
      %dma_wait3A_537 = tpu.memref_squeeze %dma_wait3A_536 : memref<1x1x16xi32, #tpu.memory_space<vmem>> -> memref<16xi32, #tpu.memory_space<vmem>>
      %dma_wait3A_538 = arith.constant 0 : i32
      %dma_wait3A_539 = arith.constant 0 : i32
      %dma_wait3A_540 = tpu.memref_slice %arg14[%dma_wait3A_538, %dma_wait3A_539] : memref<10240x128xf32, #tpu.memory_space<vmem_shared>> -> memref<10240x128xf32, #tpu.memory_space<vmem_shared>>
      tpu.wait_indirect_dma semaphore(%run_scoped3A_528 : memref<!tpu.dma_semaphore, #tpu.memory_space<semaphore_mem>>) src(%arg11 : memref<16x128xf32, #tpu.memory_space<vmem>>) dst(%dma_wait3A_540 : memref<10240x128xf32, #tpu.memory_space<vmem_shared>>)
      tpu.yield
    }) : () -> ()
    %dma_start3A_127 = arith.constant 1 : i32
    %dma_start3A_128 = arith.constant 7 : i32
    %dma_start3A_129 = arith.constant 0 : i32
    %dma_start3A_130 = tpu.memref_slice %arg8[%dma_start3A_127, %dma_start3A_128, %dma_start3A_129] : memref<2x25x16xi32, #tpu.memory_space<vmem>> -> memref<1x1x16xi32, #tpu.memory_space<vmem>>
    %dma_start3A_131 = tpu.memref_squeeze %dma_start3A_130 : memref<1x1x16xi32, #tpu.memory_space<vmem>> -> memref<16xi32, #tpu.memory_space<vmem>>
    %dma_start3A_132 = arith.constant 0 : i32
    %dma_start3A_133 = arith.constant 0 : i32
    %dma_start3A_134 = tpu.memref_slice %arg2[%dma_start3A_132, %dma_start3A_133] : memref<10000x128xf32, #tpu.memory_space<hbm>> -> memref<10000x128xf32, #tpu.memory_space<hbm>>
    tpu.enqueue_indirect_dma source(%dma_start3A_134 : memref<10000x128xf32, #tpu.memory_space<hbm>>) target(%arg11 : memref<16x128xf32, #tpu.memory_space<vmem>>) offsets(%dma_start3A_131 : memref<16xi32, #tpu.memory_space<vmem>>) semaphore(%arg17 : memref<!tpu.dma_semaphore, #tpu.memory_space<semaphore_mem>>)
    %dma_wait3A_135 = arith.constant 1 : i32
    %dma_wait3A_136 = arith.constant 3 : i32
    %dma_wait3A_137 = arith.constant 0 : i32
    %dma_wait3A_138 = tpu.memref_slice %arg8[%dma_wait3A_135, %dma_wait3A_136, %dma_wait3A_137] : memref<2x25x16xi32, #tpu.memory_space<vmem>> -> memref<1x1x16xi32, #tpu.memory_space<vmem>>
    %dma_wait3A_139 = tpu.memref_squeeze %dma_wait3A_138 : memref<1x1x16xi32, #tpu.memory_space<vmem>> -> memref<16xi32, #tpu.memory_space<vmem>>
    %dma_wait3A_140 = arith.constant 0 : i32
    %dma_wait3A_141 = arith.constant 0 : i32
    %dma_wait3A_142 = tpu.memref_slice %arg2[%dma_wait3A_140, %dma_wait3A_141] : memref<10000x128xf32, #tpu.memory_space<hbm>> -> memref<10000x128xf32, #tpu.memory_space<hbm>>
    tpu.wait_indirect_dma semaphore(%arg18 : memref<!tpu.dma_semaphore, #tpu.memory_space<semaphore_mem>>) src(%dma_wait3A_142 : memref<10000x128xf32, #tpu.memory_space<hbm>>) dst(%arg12 : memref<16x128xf32, #tpu.memory_space<vmem>>)
    %run_scoped3A_143 = arith.constant 1 : i32
    %run_scoped3A_144 = arith.constant 3 : i32
    "tpu.region"() ({
      %run_scoped3A_528 = tpu.sem_alloc : memref<!tpu.dma_semaphore, #tpu.memory_space<semaphore_mem>>
      %dma_start3A_529 = arith.constant 0 : i32
      %dma_start3A_530 = tpu.memref_slice %arg7[%run_scoped3A_143, %run_scoped3A_144, %dma_start3A_529] : memref<2x25x16xi32, #tpu.memory_space<vmem>> -> memref<1x1x16xi32, #tpu.memory_space<vmem>>
      %dma_start3A_531 = tpu.memref_squeeze %dma_start3A_530 : memref<1x1x16xi32, #tpu.memory_space<vmem>> -> memref<16xi32, #tpu.memory_space<vmem>>
      %dma_start3A_532 = arith.constant 0 : i32
      %dma_start3A_533 = arith.constant 0 : i32
      %dma_start3A_534 = tpu.memref_slice %arg14[%dma_start3A_532, %dma_start3A_533] : memref<10240x128xf32, #tpu.memory_space<vmem_shared>> -> memref<10240x128xf32, #tpu.memory_space<vmem_shared>>
      tpu.enqueue_indirect_dma source(%arg12 : memref<16x128xf32, #tpu.memory_space<vmem>>) target(%dma_start3A_534 : memref<10240x128xf32, #tpu.memory_space<vmem_shared>>) offsets(%dma_start3A_531 : memref<16xi32, #tpu.memory_space<vmem>>) semaphore(%run_scoped3A_528 : memref<!tpu.dma_semaphore, #tpu.memory_space<semaphore_mem>>) {add = true}
      %dma_wait3A_535 = arith.constant 0 : i32
      %dma_wait3A_536 = tpu.memref_slice %arg7[%run_scoped3A_143, %run_scoped3A_144, %dma_wait3A_535] : memref<2x25x16xi32, #tpu.memory_space<vmem>> -> memref<1x1x16xi32, #tpu.memory_space<vmem>>
      %dma_wait3A_537 = tpu.memref_squeeze %dma_wait3A_536 : memref<1x1x16xi32, #tpu.memory_space<vmem>> -> memref<16xi32, #tpu.memory_space<vmem>>
      %dma_wait3A_538 = arith.constant 0 : i32
      %dma_wait3A_539 = arith.constant 0 : i32
      %dma_wait3A_540 = tpu.memref_slice %arg14[%dma_wait3A_538, %dma_wait3A_539] : memref<10240x128xf32, #tpu.memory_space<vmem_shared>> -> memref<10240x128xf32, #tpu.memory_space<vmem_shared>>
      tpu.wait_indirect_dma semaphore(%run_scoped3A_528 : memref<!tpu.dma_semaphore, #tpu.memory_space<semaphore_mem>>) src(%arg12 : memref<16x128xf32, #tpu.memory_space<vmem>>) dst(%dma_wait3A_540 : memref<10240x128xf32, #tpu.memory_space<vmem_shared>>)
      tpu.yield
    }) : () -> ()
    %dma_start3A_145 = arith.constant 1 : i32
    %dma_start3A_146 = arith.constant 8 : i32
    %dma_start3A_147 = arith.constant 0 : i32
    %dma_start3A_148 = tpu.memref_slice %arg8[%dma_start3A_145, %dma_start3A_146, %dma_start3A_147] : memref<2x25x16xi32, #tpu.memory_space<vmem>> -> memref<1x1x16xi32, #tpu.memory_space<vmem>>
    %dma_start3A_149 = tpu.memref_squeeze %dma_start3A_148 : memref<1x1x16xi32, #tpu.memory_space<vmem>> -> memref<16xi32, #tpu.memory_space<vmem>>
    %dma_start3A_150 = arith.constant 0 : i32
    %dma_start3A_151 = arith.constant 0 : i32
    %dma_start3A_152 = tpu.memref_slice %arg2[%dma_start3A_150, %dma_start3A_151] : memref<10000x128xf32, #tpu.memory_space<hbm>> -> memref<10000x128xf32, #tpu.memory_space<hbm>>
    tpu.enqueue_indirect_dma source(%dma_start3A_152 : memref<10000x128xf32, #tpu.memory_space<hbm>>) target(%arg12 : memref<16x128xf32, #tpu.memory_space<vmem>>) offsets(%dma_start3A_149 : memref<16xi32, #tpu.memory_space<vmem>>) semaphore(%arg18 : memref<!tpu.dma_semaphore, #tpu.memory_space<semaphore_mem>>)
    %dma_wait3A_153 = arith.constant 1 : i32
    %dma_wait3A_154 = arith.constant 4 : i32
    %dma_wait3A_155 = arith.constant 0 : i32
    %dma_wait3A_156 = tpu.memref_slice %arg8[%dma_wait3A_153, %dma_wait3A_154, %dma_wait3A_155] : memref<2x25x16xi32, #tpu.memory_space<vmem>> -> memref<1x1x16xi32, #tpu.memory_space<vmem>>
    %dma_wait3A_157 = tpu.memref_squeeze %dma_wait3A_156 : memref<1x1x16xi32, #tpu.memory_space<vmem>> -> memref<16xi32, #tpu.memory_space<vmem>>
    %dma_wait3A_158 = arith.constant 0 : i32
    %dma_wait3A_159 = arith.constant 0 : i32
    %dma_wait3A_160 = tpu.memref_slice %arg2[%dma_wait3A_158, %dma_wait3A_159] : memref<10000x128xf32, #tpu.memory_space<hbm>> -> memref<10000x128xf32, #tpu.memory_space<hbm>>
    tpu.wait_indirect_dma semaphore(%arg19 : memref<!tpu.dma_semaphore, #tpu.memory_space<semaphore_mem>>) src(%dma_wait3A_160 : memref<10000x128xf32, #tpu.memory_space<hbm>>) dst(%arg13 : memref<16x128xf32, #tpu.memory_space<vmem>>)
    %run_scoped3A_161 = arith.constant 1 : i32
    %run_scoped3A_162 = arith.constant 4 : i32
    "tpu.region"() ({
      %run_scoped3A_528 = tpu.sem_alloc : memref<!tpu.dma_semaphore, #tpu.memory_space<semaphore_mem>>
      %dma_start3A_529 = arith.constant 0 : i32
      %dma_start3A_530 = tpu.memref_slice %arg7[%run_scoped3A_161, %run_scoped3A_162, %dma_start3A_529] : memref<2x25x16xi32, #tpu.memory_space<vmem>> -> memref<1x1x16xi32, #tpu.memory_space<vmem>>
      %dma_start3A_531 = tpu.memref_squeeze %dma_start3A_530 : memref<1x1x16xi32, #tpu.memory_space<vmem>> -> memref<16xi32, #tpu.memory_space<vmem>>
      %dma_start3A_532 = arith.constant 0 : i32
      %dma_start3A_533 = arith.constant 0 : i32
      %dma_start3A_534 = tpu.memref_slice %arg14[%dma_start3A_532, %dma_start3A_533] : memref<10240x128xf32, #tpu.memory_space<vmem_shared>> -> memref<10240x128xf32, #tpu.memory_space<vmem_shared>>
      tpu.enqueue_indirect_dma source(%arg13 : memref<16x128xf32, #tpu.memory_space<vmem>>) target(%dma_start3A_534 : memref<10240x128xf32, #tpu.memory_space<vmem_shared>>) offsets(%dma_start3A_531 : memref<16xi32, #tpu.memory_space<vmem>>) semaphore(%run_scoped3A_528 : memref<!tpu.dma_semaphore, #tpu.memory_space<semaphore_mem>>) {add = true}
      %dma_wait3A_535 = arith.constant 0 : i32
      %dma_wait3A_536 = tpu.memref_slice %arg7[%run_scoped3A_161, %run_scoped3A_162, %dma_wait3A_535] : memref<2x25x16xi32, #tpu.memory_space<vmem>> -> memref<1x1x16xi32, #tpu.memory_space<vmem>>
      %dma_wait3A_537 = tpu.memref_squeeze %dma_wait3A_536 : memref<1x1x16xi32, #tpu.memory_space<vmem>> -> memref<16xi32, #tpu.memory_space<vmem>>
      %dma_wait3A_538 = arith.constant 0 : i32
      %dma_wait3A_539 = arith.constant 0 : i32
      %dma_wait3A_540 = tpu.memref_slice %arg14[%dma_wait3A_538, %dma_wait3A_539] : memref<10240x128xf32, #tpu.memory_space<vmem_shared>> -> memref<10240x128xf32, #tpu.memory_space<vmem_shared>>
      tpu.wait_indirect_dma semaphore(%run_scoped3A_528 : memref<!tpu.dma_semaphore, #tpu.memory_space<semaphore_mem>>) src(%arg13 : memref<16x128xf32, #tpu.memory_space<vmem>>) dst(%dma_wait3A_540 : memref<10240x128xf32, #tpu.memory_space<vmem_shared>>)
      tpu.yield
    }) : () -> ()
    %dma_start3A_163 = arith.constant 1 : i32
    %dma_start3A_164 = arith.constant 9 : i32
    %dma_start3A_165 = arith.constant 0 : i32
    %dma_start3A_166 = tpu.memref_slice %arg8[%dma_start3A_163, %dma_start3A_164, %dma_start3A_165] : memref<2x25x16xi32, #tpu.memory_space<vmem>> -> memref<1x1x16xi32, #tpu.memory_space<vmem>>
    %dma_start3A_167 = tpu.memref_squeeze %dma_start3A_166 : memref<1x1x16xi32, #tpu.memory_space<vmem>> -> memref<16xi32, #tpu.memory_space<vmem>>
    %dma_start3A_168 = arith.constant 0 : i32
    %dma_start3A_169 = arith.constant 0 : i32
    %dma_start3A_170 = tpu.memref_slice %arg2[%dma_start3A_168, %dma_start3A_169] : memref<10000x128xf32, #tpu.memory_space<hbm>> -> memref<10000x128xf32, #tpu.memory_space<hbm>>
    tpu.enqueue_indirect_dma source(%dma_start3A_170 : memref<10000x128xf32, #tpu.memory_space<hbm>>) target(%arg13 : memref<16x128xf32, #tpu.memory_space<vmem>>) offsets(%dma_start3A_167 : memref<16xi32, #tpu.memory_space<vmem>>) semaphore(%arg19 : memref<!tpu.dma_semaphore, #tpu.memory_space<semaphore_mem>>)
    %dma_wait3A_171 = arith.constant 1 : i32
    %dma_wait3A_172 = arith.constant 5 : i32
    %dma_wait3A_173 = arith.constant 0 : i32
    %dma_wait3A_174 = tpu.memref_slice %arg8[%dma_wait3A_171, %dma_wait3A_172, %dma_wait3A_173] : memref<2x25x16xi32, #tpu.memory_space<vmem>> -> memref<1x1x16xi32, #tpu.memory_space<vmem>>
    %dma_wait3A_175 = tpu.memref_squeeze %dma_wait3A_174 : memref<1x1x16xi32, #tpu.memory_space<vmem>> -> memref<16xi32, #tpu.memory_space<vmem>>
    %dma_wait3A_176 = arith.constant 0 : i32
    %dma_wait3A_177 = arith.constant 0 : i32
    %dma_wait3A_178 = tpu.memref_slice %arg2[%dma_wait3A_176, %dma_wait3A_177] : memref<10000x128xf32, #tpu.memory_space<hbm>> -> memref<10000x128xf32, #tpu.memory_space<hbm>>
    tpu.wait_indirect_dma semaphore(%arg15 : memref<!tpu.dma_semaphore, #tpu.memory_space<semaphore_mem>>) src(%dma_wait3A_178 : memref<10000x128xf32, #tpu.memory_space<hbm>>) dst(%arg9 : memref<16x128xf32, #tpu.memory_space<vmem>>)
    %run_scoped3A_179 = arith.constant 1 : i32
    %run_scoped3A_180 = arith.constant 5 : i32
    "tpu.region"() ({
      %run_scoped3A_528 = tpu.sem_alloc : memref<!tpu.dma_semaphore, #tpu.memory_space<semaphore_mem>>
      %dma_start3A_529 = arith.constant 0 : i32
      %dma_start3A_530 = tpu.memref_slice %arg7[%run_scoped3A_179, %run_scoped3A_180, %dma_start3A_529] : memref<2x25x16xi32, #tpu.memory_space<vmem>> -> memref<1x1x16xi32, #tpu.memory_space<vmem>>
      %dma_start3A_531 = tpu.memref_squeeze %dma_start3A_530 : memref<1x1x16xi32, #tpu.memory_space<vmem>> -> memref<16xi32, #tpu.memory_space<vmem>>
      %dma_start3A_532 = arith.constant 0 : i32
      %dma_start3A_533 = arith.constant 0 : i32
      %dma_start3A_534 = tpu.memref_slice %arg14[%dma_start3A_532, %dma_start3A_533] : memref<10240x128xf32, #tpu.memory_space<vmem_shared>> -> memref<10240x128xf32, #tpu.memory_space<vmem_shared>>
      tpu.enqueue_indirect_dma source(%arg9 : memref<16x128xf32, #tpu.memory_space<vmem>>) target(%dma_start3A_534 : memref<10240x128xf32, #tpu.memory_space<vmem_shared>>) offsets(%dma_start3A_531 : memref<16xi32, #tpu.memory_space<vmem>>) semaphore(%run_scoped3A_528 : memref<!tpu.dma_semaphore, #tpu.memory_space<semaphore_mem>>) {add = true}
      %dma_wait3A_535 = arith.constant 0 : i32
      %dma_wait3A_536 = tpu.memref_slice %arg7[%run_scoped3A_179, %run_scoped3A_180, %dma_wait3A_535] : memref<2x25x16xi32, #tpu.memory_space<vmem>> -> memref<1x1x16xi32, #tpu.memory_space<vmem>>
      %dma_wait3A_537 = tpu.memref_squeeze %dma_wait3A_536 : memref<1x1x16xi32, #tpu.memory_space<vmem>> -> memref<16xi32, #tpu.memory_space<vmem>>
      %dma_wait3A_538 = arith.constant 0 : i32
      %dma_wait3A_539 = arith.constant 0 : i32
      %dma_wait3A_540 = tpu.memref_slice %arg14[%dma_wait3A_538, %dma_wait3A_539] : memref<10240x128xf32, #tpu.memory_space<vmem_shared>> -> memref<10240x128xf32, #tpu.memory_space<vmem_shared>>
      tpu.wait_indirect_dma semaphore(%run_scoped3A_528 : memref<!tpu.dma_semaphore, #tpu.memory_space<semaphore_mem>>) src(%arg9 : memref<16x128xf32, #tpu.memory_space<vmem>>) dst(%dma_wait3A_540 : memref<10240x128xf32, #tpu.memory_space<vmem_shared>>)
      tpu.yield
    }) : () -> ()
    %dma_start3A_181 = arith.constant 1 : i32
    %dma_start3A_182 = arith.constant 10 : i32
    %dma_start3A_183 = arith.constant 0 : i32
    %dma_start3A_184 = tpu.memref_slice %arg8[%dma_start3A_181, %dma_start3A_182, %dma_start3A_183] : memref<2x25x16xi32, #tpu.memory_space<vmem>> -> memref<1x1x16xi32, #tpu.memory_space<vmem>>
    %dma_start3A_185 = tpu.memref_squeeze %dma_start3A_184 : memref<1x1x16xi32, #tpu.memory_space<vmem>> -> memref<16xi32, #tpu.memory_space<vmem>>
    %dma_start3A_186 = arith.constant 0 : i32
    %dma_start3A_187 = arith.constant 0 : i32
    %dma_start3A_188 = tpu.memref_slice %arg2[%dma_start3A_186, %dma_start3A_187] : memref<10000x128xf32, #tpu.memory_space<hbm>> -> memref<10000x128xf32, #tpu.memory_space<hbm>>
    tpu.enqueue_indirect_dma source(%dma_start3A_188 : memref<10000x128xf32, #tpu.memory_space<hbm>>) target(%arg9 : memref<16x128xf32, #tpu.memory_space<vmem>>) offsets(%dma_start3A_185 : memref<16xi32, #tpu.memory_space<vmem>>) semaphore(%arg15 : memref<!tpu.dma_semaphore, #tpu.memory_space<semaphore_mem>>)
    %dma_wait3A_189 = arith.constant 1 : i32
    %dma_wait3A_190 = arith.constant 6 : i32
    %dma_wait3A_191 = arith.constant 0 : i32
    %dma_wait3A_192 = tpu.memref_slice %arg8[%dma_wait3A_189, %dma_wait3A_190, %dma_wait3A_191] : memref<2x25x16xi32, #tpu.memory_space<vmem>> -> memref<1x1x16xi32, #tpu.memory_space<vmem>>
    %dma_wait3A_193 = tpu.memref_squeeze %dma_wait3A_192 : memref<1x1x16xi32, #tpu.memory_space<vmem>> -> memref<16xi32, #tpu.memory_space<vmem>>
    %dma_wait3A_194 = arith.constant 0 : i32
    %dma_wait3A_195 = arith.constant 0 : i32
    %dma_wait3A_196 = tpu.memref_slice %arg2[%dma_wait3A_194, %dma_wait3A_195] : memref<10000x128xf32, #tpu.memory_space<hbm>> -> memref<10000x128xf32, #tpu.memory_space<hbm>>
    tpu.wait_indirect_dma semaphore(%arg16 : memref<!tpu.dma_semaphore, #tpu.memory_space<semaphore_mem>>) src(%dma_wait3A_196 : memref<10000x128xf32, #tpu.memory_space<hbm>>) dst(%arg10 : memref<16x128xf32, #tpu.memory_space<vmem>>)
    %run_scoped3A_197 = arith.constant 1 : i32
    %run_scoped3A_198 = arith.constant 6 : i32
    "tpu.region"() ({
      %run_scoped3A_528 = tpu.sem_alloc : memref<!tpu.dma_semaphore, #tpu.memory_space<semaphore_mem>>
      %dma_start3A_529 = arith.constant 0 : i32
      %dma_start3A_530 = tpu.memref_slice %arg7[%run_scoped3A_197, %run_scoped3A_198, %dma_start3A_529] : memref<2x25x16xi32, #tpu.memory_space<vmem>> -> memref<1x1x16xi32, #tpu.memory_space<vmem>>
      %dma_start3A_531 = tpu.memref_squeeze %dma_start3A_530 : memref<1x1x16xi32, #tpu.memory_space<vmem>> -> memref<16xi32, #tpu.memory_space<vmem>>
      %dma_start3A_532 = arith.constant 0 : i32
      %dma_start3A_533 = arith.constant 0 : i32
      %dma_start3A_534 = tpu.memref_slice %arg14[%dma_start3A_532, %dma_start3A_533] : memref<10240x128xf32, #tpu.memory_space<vmem_shared>> -> memref<10240x128xf32, #tpu.memory_space<vmem_shared>>
      tpu.enqueue_indirect_dma source(%arg10 : memref<16x128xf32, #tpu.memory_space<vmem>>) target(%dma_start3A_534 : memref<10240x128xf32, #tpu.memory_space<vmem_shared>>) offsets(%dma_start3A_531 : memref<16xi32, #tpu.memory_space<vmem>>) semaphore(%run_scoped3A_528 : memref<!tpu.dma_semaphore, #tpu.memory_space<semaphore_mem>>) {add = true}
      %dma_wait3A_535 = arith.constant 0 : i32
      %dma_wait3A_536 = tpu.memref_slice %arg7[%run_scoped3A_197, %run_scoped3A_198, %dma_wait3A_535] : memref<2x25x16xi32, #tpu.memory_space<vmem>> -> memref<1x1x16xi32, #tpu.memory_space<vmem>>
      %dma_wait3A_537 = tpu.memref_squeeze %dma_wait3A_536 : memref<1x1x16xi32, #tpu.memory_space<vmem>> -> memref<16xi32, #tpu.memory_space<vmem>>
      %dma_wait3A_538 = arith.constant 0 : i32
      %dma_wait3A_539 = arith.constant 0 : i32
      %dma_wait3A_540 = tpu.memref_slice %arg14[%dma_wait3A_538, %dma_wait3A_539] : memref<10240x128xf32, #tpu.memory_space<vmem_shared>> -> memref<10240x128xf32, #tpu.memory_space<vmem_shared>>
      tpu.wait_indirect_dma semaphore(%run_scoped3A_528 : memref<!tpu.dma_semaphore, #tpu.memory_space<semaphore_mem>>) src(%arg10 : memref<16x128xf32, #tpu.memory_space<vmem>>) dst(%dma_wait3A_540 : memref<10240x128xf32, #tpu.memory_space<vmem_shared>>)
      tpu.yield
    }) : () -> ()
    %dma_start3A_199 = arith.constant 1 : i32
    %dma_start3A_200 = arith.constant 11 : i32
    %dma_start3A_201 = arith.constant 0 : i32
    %dma_start3A_202 = tpu.memref_slice %arg8[%dma_start3A_199, %dma_start3A_200, %dma_start3A_201] : memref<2x25x16xi32, #tpu.memory_space<vmem>> -> memref<1x1x16xi32, #tpu.memory_space<vmem>>
    %dma_start3A_203 = tpu.memref_squeeze %dma_start3A_202 : memref<1x1x16xi32, #tpu.memory_space<vmem>> -> memref<16xi32, #tpu.memory_space<vmem>>
    %dma_start3A_204 = arith.constant 0 : i32
    %dma_start3A_205 = arith.constant 0 : i32
    %dma_start3A_206 = tpu.memref_slice %arg2[%dma_start3A_204, %dma_start3A_205] : memref<10000x128xf32, #tpu.memory_space<hbm>> -> memref<10000x128xf32, #tpu.memory_space<hbm>>
    tpu.enqueue_indirect_dma source(%dma_start3A_206 : memref<10000x128xf32, #tpu.memory_space<hbm>>) target(%arg10 : memref<16x128xf32, #tpu.memory_space<vmem>>) offsets(%dma_start3A_203 : memref<16xi32, #tpu.memory_space<vmem>>) semaphore(%arg16 : memref<!tpu.dma_semaphore, #tpu.memory_space<semaphore_mem>>)
    %dma_wait3A_207 = arith.constant 1 : i32
    %dma_wait3A_208 = arith.constant 7 : i32
    %dma_wait3A_209 = arith.constant 0 : i32
    %dma_wait3A_210 = tpu.memref_slice %arg8[%dma_wait3A_207, %dma_wait3A_208, %dma_wait3A_209] : memref<2x25x16xi32, #tpu.memory_space<vmem>> -> memref<1x1x16xi32, #tpu.memory_space<vmem>>
    %dma_wait3A_211 = tpu.memref_squeeze %dma_wait3A_210 : memref<1x1x16xi32, #tpu.memory_space<vmem>> -> memref<16xi32, #tpu.memory_space<vmem>>
    %dma_wait3A_212 = arith.constant 0 : i32
    %dma_wait3A_213 = arith.constant 0 : i32
    %dma_wait3A_214 = tpu.memref_slice %arg2[%dma_wait3A_212, %dma_wait3A_213] : memref<10000x128xf32, #tpu.memory_space<hbm>> -> memref<10000x128xf32, #tpu.memory_space<hbm>>
    tpu.wait_indirect_dma semaphore(%arg17 : memref<!tpu.dma_semaphore, #tpu.memory_space<semaphore_mem>>) src(%dma_wait3A_214 : memref<10000x128xf32, #tpu.memory_space<hbm>>) dst(%arg11 : memref<16x128xf32, #tpu.memory_space<vmem>>)
    %run_scoped3A_215 = arith.constant 1 : i32
    %run_scoped3A_216 = arith.constant 7 : i32
    "tpu.region"() ({
      %run_scoped3A_528 = tpu.sem_alloc : memref<!tpu.dma_semaphore, #tpu.memory_space<semaphore_mem>>
      %dma_start3A_529 = arith.constant 0 : i32
      %dma_start3A_530 = tpu.memref_slice %arg7[%run_scoped3A_215, %run_scoped3A_216, %dma_start3A_529] : memref<2x25x16xi32, #tpu.memory_space<vmem>> -> memref<1x1x16xi32, #tpu.memory_space<vmem>>
      %dma_start3A_531 = tpu.memref_squeeze %dma_start3A_530 : memref<1x1x16xi32, #tpu.memory_space<vmem>> -> memref<16xi32, #tpu.memory_space<vmem>>
      %dma_start3A_532 = arith.constant 0 : i32
      %dma_start3A_533 = arith.constant 0 : i32
      %dma_start3A_534 = tpu.memref_slice %arg14[%dma_start3A_532, %dma_start3A_533] : memref<10240x128xf32, #tpu.memory_space<vmem_shared>> -> memref<10240x128xf32, #tpu.memory_space<vmem_shared>>
      tpu.enqueue_indirect_dma source(%arg11 : memref<16x128xf32, #tpu.memory_space<vmem>>) target(%dma_start3A_534 : memref<10240x128xf32, #tpu.memory_space<vmem_shared>>) offsets(%dma_start3A_531 : memref<16xi32, #tpu.memory_space<vmem>>) semaphore(%run_scoped3A_528 : memref<!tpu.dma_semaphore, #tpu.memory_space<semaphore_mem>>) {add = true}
      %dma_wait3A_535 = arith.constant 0 : i32
      %dma_wait3A_536 = tpu.memref_slice %arg7[%run_scoped3A_215, %run_scoped3A_216, %dma_wait3A_535] : memref<2x25x16xi32, #tpu.memory_space<vmem>> -> memref<1x1x16xi32, #tpu.memory_space<vmem>>
      %dma_wait3A_537 = tpu.memref_squeeze %dma_wait3A_536 : memref<1x1x16xi32, #tpu.memory_space<vmem>> -> memref<16xi32, #tpu.memory_space<vmem>>
      %dma_wait3A_538 = arith.constant 0 : i32
      %dma_wait3A_539 = arith.constant 0 : i32
      %dma_wait3A_540 = tpu.memref_slice %arg14[%dma_wait3A_538, %dma_wait3A_539] : memref<10240x128xf32, #tpu.memory_space<vmem_shared>> -> memref<10240x128xf32, #tpu.memory_space<vmem_shared>>
      tpu.wait_indirect_dma semaphore(%run_scoped3A_528 : memref<!tpu.dma_semaphore, #tpu.memory_space<semaphore_mem>>) src(%arg11 : memref<16x128xf32, #tpu.memory_space<vmem>>) dst(%dma_wait3A_540 : memref<10240x128xf32, #tpu.memory_space<vmem_shared>>)
      tpu.yield
    }) : () -> ()
    %dma_start3A_217 = arith.constant 1 : i32
    %dma_start3A_218 = arith.constant 12 : i32
    %dma_start3A_219 = arith.constant 0 : i32
    %dma_start3A_220 = tpu.memref_slice %arg8[%dma_start3A_217, %dma_start3A_218, %dma_start3A_219] : memref<2x25x16xi32, #tpu.memory_space<vmem>> -> memref<1x1x16xi32, #tpu.memory_space<vmem>>
    %dma_start3A_221 = tpu.memref_squeeze %dma_start3A_220 : memref<1x1x16xi32, #tpu.memory_space<vmem>> -> memref<16xi32, #tpu.memory_space<vmem>>
    %dma_start3A_222 = arith.constant 0 : i32
    %dma_start3A_223 = arith.constant 0 : i32
    %dma_start3A_224 = tpu.memref_slice %arg2[%dma_start3A_222, %dma_start3A_223] : memref<10000x128xf32, #tpu.memory_space<hbm>> -> memref<10000x128xf32, #tpu.memory_space<hbm>>
    tpu.enqueue_indirect_dma source(%dma_start3A_224 : memref<10000x128xf32, #tpu.memory_space<hbm>>) target(%arg11 : memref<16x128xf32, #tpu.memory_space<vmem>>) offsets(%dma_start3A_221 : memref<16xi32, #tpu.memory_space<vmem>>) semaphore(%arg17 : memref<!tpu.dma_semaphore, #tpu.memory_space<semaphore_mem>>)
    %dma_wait3A_225 = arith.constant 1 : i32
    %dma_wait3A_226 = arith.constant 8 : i32
    %dma_wait3A_227 = arith.constant 0 : i32
    %dma_wait3A_228 = tpu.memref_slice %arg8[%dma_wait3A_225, %dma_wait3A_226, %dma_wait3A_227] : memref<2x25x16xi32, #tpu.memory_space<vmem>> -> memref<1x1x16xi32, #tpu.memory_space<vmem>>
    %dma_wait3A_229 = tpu.memref_squeeze %dma_wait3A_228 : memref<1x1x16xi32, #tpu.memory_space<vmem>> -> memref<16xi32, #tpu.memory_space<vmem>>
    %dma_wait3A_230 = arith.constant 0 : i32
    %dma_wait3A_231 = arith.constant 0 : i32
    %dma_wait3A_232 = tpu.memref_slice %arg2[%dma_wait3A_230, %dma_wait3A_231] : memref<10000x128xf32, #tpu.memory_space<hbm>> -> memref<10000x128xf32, #tpu.memory_space<hbm>>
    tpu.wait_indirect_dma semaphore(%arg18 : memref<!tpu.dma_semaphore, #tpu.memory_space<semaphore_mem>>) src(%dma_wait3A_232 : memref<10000x128xf32, #tpu.memory_space<hbm>>) dst(%arg12 : memref<16x128xf32, #tpu.memory_space<vmem>>)
    %run_scoped3A_233 = arith.constant 1 : i32
    %run_scoped3A_234 = arith.constant 8 : i32
    "tpu.region"() ({
      %run_scoped3A_528 = tpu.sem_alloc : memref<!tpu.dma_semaphore, #tpu.memory_space<semaphore_mem>>
      %dma_start3A_529 = arith.constant 0 : i32
      %dma_start3A_530 = tpu.memref_slice %arg7[%run_scoped3A_233, %run_scoped3A_234, %dma_start3A_529] : memref<2x25x16xi32, #tpu.memory_space<vmem>> -> memref<1x1x16xi32, #tpu.memory_space<vmem>>
      %dma_start3A_531 = tpu.memref_squeeze %dma_start3A_530 : memref<1x1x16xi32, #tpu.memory_space<vmem>> -> memref<16xi32, #tpu.memory_space<vmem>>
      %dma_start3A_532 = arith.constant 0 : i32
      %dma_start3A_533 = arith.constant 0 : i32
      %dma_start3A_534 = tpu.memref_slice %arg14[%dma_start3A_532, %dma_start3A_533] : memref<10240x128xf32, #tpu.memory_space<vmem_shared>> -> memref<10240x128xf32, #tpu.memory_space<vmem_shared>>
      tpu.enqueue_indirect_dma source(%arg12 : memref<16x128xf32, #tpu.memory_space<vmem>>) target(%dma_start3A_534 : memref<10240x128xf32, #tpu.memory_space<vmem_shared>>) offsets(%dma_start3A_531 : memref<16xi32, #tpu.memory_space<vmem>>) semaphore(%run_scoped3A_528 : memref<!tpu.dma_semaphore, #tpu.memory_space<semaphore_mem>>) {add = true}
      %dma_wait3A_535 = arith.constant 0 : i32
      %dma_wait3A_536 = tpu.memref_slice %arg7[%run_scoped3A_233, %run_scoped3A_234, %dma_wait3A_535] : memref<2x25x16xi32, #tpu.memory_space<vmem>> -> memref<1x1x16xi32, #tpu.memory_space<vmem>>
      %dma_wait3A_537 = tpu.memref_squeeze %dma_wait3A_536 : memref<1x1x16xi32, #tpu.memory_space<vmem>> -> memref<16xi32, #tpu.memory_space<vmem>>
      %dma_wait3A_538 = arith.constant 0 : i32
      %dma_wait3A_539 = arith.constant 0 : i32
      %dma_wait3A_540 = tpu.memref_slice %arg14[%dma_wait3A_538, %dma_wait3A_539] : memref<10240x128xf32, #tpu.memory_space<vmem_shared>> -> memref<10240x128xf32, #tpu.memory_space<vmem_shared>>
      tpu.wait_indirect_dma semaphore(%run_scoped3A_528 : memref<!tpu.dma_semaphore, #tpu.memory_space<semaphore_mem>>) src(%arg12 : memref<16x128xf32, #tpu.memory_space<vmem>>) dst(%dma_wait3A_540 : memref<10240x128xf32, #tpu.memory_space<vmem_shared>>)
      tpu.yield
    }) : () -> ()
    %dma_start3A_235 = arith.constant 1 : i32
    %dma_start3A_236 = arith.constant 13 : i32
    %dma_start3A_237 = arith.constant 0 : i32
    %dma_start3A_238 = tpu.memref_slice %arg8[%dma_start3A_235, %dma_start3A_236, %dma_start3A_237] : memref<2x25x16xi32, #tpu.memory_space<vmem>> -> memref<1x1x16xi32, #tpu.memory_space<vmem>>
    %dma_start3A_239 = tpu.memref_squeeze %dma_start3A_238 : memref<1x1x16xi32, #tpu.memory_space<vmem>> -> memref<16xi32, #tpu.memory_space<vmem>>
    %dma_start3A_240 = arith.constant 0 : i32
    %dma_start3A_241 = arith.constant 0 : i32
    %dma_start3A_242 = tpu.memref_slice %arg2[%dma_start3A_240, %dma_start3A_241] : memref<10000x128xf32, #tpu.memory_space<hbm>> -> memref<10000x128xf32, #tpu.memory_space<hbm>>
    tpu.enqueue_indirect_dma source(%dma_start3A_242 : memref<10000x128xf32, #tpu.memory_space<hbm>>) target(%arg12 : memref<16x128xf32, #tpu.memory_space<vmem>>) offsets(%dma_start3A_239 : memref<16xi32, #tpu.memory_space<vmem>>) semaphore(%arg18 : memref<!tpu.dma_semaphore, #tpu.memory_space<semaphore_mem>>)
    %dma_wait3A_243 = arith.constant 1 : i32
    %dma_wait3A_244 = arith.constant 9 : i32
    %dma_wait3A_245 = arith.constant 0 : i32
    %dma_wait3A_246 = tpu.memref_slice %arg8[%dma_wait3A_243, %dma_wait3A_244, %dma_wait3A_245] : memref<2x25x16xi32, #tpu.memory_space<vmem>> -> memref<1x1x16xi32, #tpu.memory_space<vmem>>
    %dma_wait3A_247 = tpu.memref_squeeze %dma_wait3A_246 : memref<1x1x16xi32, #tpu.memory_space<vmem>> -> memref<16xi32, #tpu.memory_space<vmem>>
    %dma_wait3A_248 = arith.constant 0 : i32
    %dma_wait3A_249 = arith.constant 0 : i32
    %dma_wait3A_250 = tpu.memref_slice %arg2[%dma_wait3A_248, %dma_wait3A_249] : memref<10000x128xf32, #tpu.memory_space<hbm>> -> memref<10000x128xf32, #tpu.memory_space<hbm>>
    tpu.wait_indirect_dma semaphore(%arg19 : memref<!tpu.dma_semaphore, #tpu.memory_space<semaphore_mem>>) src(%dma_wait3A_250 : memref<10000x128xf32, #tpu.memory_space<hbm>>) dst(%arg13 : memref<16x128xf32, #tpu.memory_space<vmem>>)
    %run_scoped3A_251 = arith.constant 1 : i32
    %run_scoped3A_252 = arith.constant 9 : i32
    "tpu.region"() ({
      %run_scoped3A_528 = tpu.sem_alloc : memref<!tpu.dma_semaphore, #tpu.memory_space<semaphore_mem>>
      %dma_start3A_529 = arith.constant 0 : i32
      %dma_start3A_530 = tpu.memref_slice %arg7[%run_scoped3A_251, %run_scoped3A_252, %dma_start3A_529] : memref<2x25x16xi32, #tpu.memory_space<vmem>> -> memref<1x1x16xi32, #tpu.memory_space<vmem>>
      %dma_start3A_531 = tpu.memref_squeeze %dma_start3A_530 : memref<1x1x16xi32, #tpu.memory_space<vmem>> -> memref<16xi32, #tpu.memory_space<vmem>>
      %dma_start3A_532 = arith.constant 0 : i32
      %dma_start3A_533 = arith.constant 0 : i32
      %dma_start3A_534 = tpu.memref_slice %arg14[%dma_start3A_532, %dma_start3A_533] : memref<10240x128xf32, #tpu.memory_space<vmem_shared>> -> memref<10240x128xf32, #tpu.memory_space<vmem_shared>>
      tpu.enqueue_indirect_dma source(%arg13 : memref<16x128xf32, #tpu.memory_space<vmem>>) target(%dma_start3A_534 : memref<10240x128xf32, #tpu.memory_space<vmem_shared>>) offsets(%dma_start3A_531 : memref<16xi32, #tpu.memory_space<vmem>>) semaphore(%run_scoped3A_528 : memref<!tpu.dma_semaphore, #tpu.memory_space<semaphore_mem>>) {add = true}
      %dma_wait3A_535 = arith.constant 0 : i32
      %dma_wait3A_536 = tpu.memref_slice %arg7[%run_scoped3A_251, %run_scoped3A_252, %dma_wait3A_535] : memref<2x25x16xi32, #tpu.memory_space<vmem>> -> memref<1x1x16xi32, #tpu.memory_space<vmem>>
      %dma_wait3A_537 = tpu.memref_squeeze %dma_wait3A_536 : memref<1x1x16xi32, #tpu.memory_space<vmem>> -> memref<16xi32, #tpu.memory_space<vmem>>
      %dma_wait3A_538 = arith.constant 0 : i32
      %dma_wait3A_539 = arith.constant 0 : i32
      %dma_wait3A_540 = tpu.memref_slice %arg14[%dma_wait3A_538, %dma_wait3A_539] : memref<10240x128xf32, #tpu.memory_space<vmem_shared>> -> memref<10240x128xf32, #tpu.memory_space<vmem_shared>>
      tpu.wait_indirect_dma semaphore(%run_scoped3A_528 : memref<!tpu.dma_semaphore, #tpu.memory_space<semaphore_mem>>) src(%arg13 : memref<16x128xf32, #tpu.memory_space<vmem>>) dst(%dma_wait3A_540 : memref<10240x128xf32, #tpu.memory_space<vmem_shared>>)
      tpu.yield
    }) : () -> ()
    %dma_start3A_253 = arith.constant 1 : i32
    %dma_start3A_254 = arith.constant 14 : i32
    %dma_start3A_255 = arith.constant 0 : i32
    %dma_start3A_256 = tpu.memref_slice %arg8[%dma_start3A_253, %dma_start3A_254, %dma_start3A_255] : memref<2x25x16xi32, #tpu.memory_space<vmem>> -> memref<1x1x16xi32, #tpu.memory_space<vmem>>
    %dma_start3A_257 = tpu.memref_squeeze %dma_start3A_256 : memref<1x1x16xi32, #tpu.memory_space<vmem>> -> memref<16xi32, #tpu.memory_space<vmem>>
    %dma_start3A_258 = arith.constant 0 : i32
    %dma_start3A_259 = arith.constant 0 : i32
    %dma_start3A_260 = tpu.memref_slice %arg2[%dma_start3A_258, %dma_start3A_259] : memref<10000x128xf32, #tpu.memory_space<hbm>> -> memref<10000x128xf32, #tpu.memory_space<hbm>>
    tpu.enqueue_indirect_dma source(%dma_start3A_260 : memref<10000x128xf32, #tpu.memory_space<hbm>>) target(%arg13 : memref<16x128xf32, #tpu.memory_space<vmem>>) offsets(%dma_start3A_257 : memref<16xi32, #tpu.memory_space<vmem>>) semaphore(%arg19 : memref<!tpu.dma_semaphore, #tpu.memory_space<semaphore_mem>>)
    %dma_wait3A_261 = arith.constant 1 : i32
    %dma_wait3A_262 = arith.constant 10 : i32
    %dma_wait3A_263 = arith.constant 0 : i32
    %dma_wait3A_264 = tpu.memref_slice %arg8[%dma_wait3A_261, %dma_wait3A_262, %dma_wait3A_263] : memref<2x25x16xi32, #tpu.memory_space<vmem>> -> memref<1x1x16xi32, #tpu.memory_space<vmem>>
    %dma_wait3A_265 = tpu.memref_squeeze %dma_wait3A_264 : memref<1x1x16xi32, #tpu.memory_space<vmem>> -> memref<16xi32, #tpu.memory_space<vmem>>
    %dma_wait3A_266 = arith.constant 0 : i32
    %dma_wait3A_267 = arith.constant 0 : i32
    %dma_wait3A_268 = tpu.memref_slice %arg2[%dma_wait3A_266, %dma_wait3A_267] : memref<10000x128xf32, #tpu.memory_space<hbm>> -> memref<10000x128xf32, #tpu.memory_space<hbm>>
    tpu.wait_indirect_dma semaphore(%arg15 : memref<!tpu.dma_semaphore, #tpu.memory_space<semaphore_mem>>) src(%dma_wait3A_268 : memref<10000x128xf32, #tpu.memory_space<hbm>>) dst(%arg9 : memref<16x128xf32, #tpu.memory_space<vmem>>)
    %run_scoped3A_269 = arith.constant 1 : i32
    %run_scoped3A_270 = arith.constant 10 : i32
    "tpu.region"() ({
      %run_scoped3A_528 = tpu.sem_alloc : memref<!tpu.dma_semaphore, #tpu.memory_space<semaphore_mem>>
      %dma_start3A_529 = arith.constant 0 : i32
      %dma_start3A_530 = tpu.memref_slice %arg7[%run_scoped3A_269, %run_scoped3A_270, %dma_start3A_529] : memref<2x25x16xi32, #tpu.memory_space<vmem>> -> memref<1x1x16xi32, #tpu.memory_space<vmem>>
      %dma_start3A_531 = tpu.memref_squeeze %dma_start3A_530 : memref<1x1x16xi32, #tpu.memory_space<vmem>> -> memref<16xi32, #tpu.memory_space<vmem>>
      %dma_start3A_532 = arith.constant 0 : i32
      %dma_start3A_533 = arith.constant 0 : i32
      %dma_start3A_534 = tpu.memref_slice %arg14[%dma_start3A_532, %dma_start3A_533] : memref<10240x128xf32, #tpu.memory_space<vmem_shared>> -> memref<10240x128xf32, #tpu.memory_space<vmem_shared>>
      tpu.enqueue_indirect_dma source(%arg9 : memref<16x128xf32, #tpu.memory_space<vmem>>) target(%dma_start3A_534 : memref<10240x128xf32, #tpu.memory_space<vmem_shared>>) offsets(%dma_start3A_531 : memref<16xi32, #tpu.memory_space<vmem>>) semaphore(%run_scoped3A_528 : memref<!tpu.dma_semaphore, #tpu.memory_space<semaphore_mem>>) {add = true}
      %dma_wait3A_535 = arith.constant 0 : i32
      %dma_wait3A_536 = tpu.memref_slice %arg7[%run_scoped3A_269, %run_scoped3A_270, %dma_wait3A_535] : memref<2x25x16xi32, #tpu.memory_space<vmem>> -> memref<1x1x16xi32, #tpu.memory_space<vmem>>
      %dma_wait3A_537 = tpu.memref_squeeze %dma_wait3A_536 : memref<1x1x16xi32, #tpu.memory_space<vmem>> -> memref<16xi32, #tpu.memory_space<vmem>>
      %dma_wait3A_538 = arith.constant 0 : i32
      %dma_wait3A_539 = arith.constant 0 : i32
      %dma_wait3A_540 = tpu.memref_slice %arg14[%dma_wait3A_538, %dma_wait3A_539] : memref<10240x128xf32, #tpu.memory_space<vmem_shared>> -> memref<10240x128xf32, #tpu.memory_space<vmem_shared>>
      tpu.wait_indirect_dma semaphore(%run_scoped3A_528 : memref<!tpu.dma_semaphore, #tpu.memory_space<semaphore_mem>>) src(%arg9 : memref<16x128xf32, #tpu.memory_space<vmem>>) dst(%dma_wait3A_540 : memref<10240x128xf32, #tpu.memory_space<vmem_shared>>)
      tpu.yield
    }) : () -> ()
    %dma_start3A_271 = arith.constant 1 : i32
    %dma_start3A_272 = arith.constant 15 : i32
    %dma_start3A_273 = arith.constant 0 : i32
    %dma_start3A_274 = tpu.memref_slice %arg8[%dma_start3A_271, %dma_start3A_272, %dma_start3A_273] : memref<2x25x16xi32, #tpu.memory_space<vmem>> -> memref<1x1x16xi32, #tpu.memory_space<vmem>>
    %dma_start3A_275 = tpu.memref_squeeze %dma_start3A_274 : memref<1x1x16xi32, #tpu.memory_space<vmem>> -> memref<16xi32, #tpu.memory_space<vmem>>
    %dma_start3A_276 = arith.constant 0 : i32
    %dma_start3A_277 = arith.constant 0 : i32
    %dma_start3A_278 = tpu.memref_slice %arg2[%dma_start3A_276, %dma_start3A_277] : memref<10000x128xf32, #tpu.memory_space<hbm>> -> memref<10000x128xf32, #tpu.memory_space<hbm>>
    tpu.enqueue_indirect_dma source(%dma_start3A_278 : memref<10000x128xf32, #tpu.memory_space<hbm>>) target(%arg9 : memref<16x128xf32, #tpu.memory_space<vmem>>) offsets(%dma_start3A_275 : memref<16xi32, #tpu.memory_space<vmem>>) semaphore(%arg15 : memref<!tpu.dma_semaphore, #tpu.memory_space<semaphore_mem>>)
    %dma_wait3A_279 = arith.constant 1 : i32
    %dma_wait3A_280 = arith.constant 11 : i32
    %dma_wait3A_281 = arith.constant 0 : i32
    %dma_wait3A_282 = tpu.memref_slice %arg8[%dma_wait3A_279, %dma_wait3A_280, %dma_wait3A_281] : memref<2x25x16xi32, #tpu.memory_space<vmem>> -> memref<1x1x16xi32, #tpu.memory_space<vmem>>
    %dma_wait3A_283 = tpu.memref_squeeze %dma_wait3A_282 : memref<1x1x16xi32, #tpu.memory_space<vmem>> -> memref<16xi32, #tpu.memory_space<vmem>>
    %dma_wait3A_284 = arith.constant 0 : i32
    %dma_wait3A_285 = arith.constant 0 : i32
    %dma_wait3A_286 = tpu.memref_slice %arg2[%dma_wait3A_284, %dma_wait3A_285] : memref<10000x128xf32, #tpu.memory_space<hbm>> -> memref<10000x128xf32, #tpu.memory_space<hbm>>
    tpu.wait_indirect_dma semaphore(%arg16 : memref<!tpu.dma_semaphore, #tpu.memory_space<semaphore_mem>>) src(%dma_wait3A_286 : memref<10000x128xf32, #tpu.memory_space<hbm>>) dst(%arg10 : memref<16x128xf32, #tpu.memory_space<vmem>>)
    %run_scoped3A_287 = arith.constant 1 : i32
    %run_scoped3A_288 = arith.constant 11 : i32
    "tpu.region"() ({
      %run_scoped3A_528 = tpu.sem_alloc : memref<!tpu.dma_semaphore, #tpu.memory_space<semaphore_mem>>
      %dma_start3A_529 = arith.constant 0 : i32
      %dma_start3A_530 = tpu.memref_slice %arg7[%run_scoped3A_287, %run_scoped3A_288, %dma_start3A_529] : memref<2x25x16xi32, #tpu.memory_space<vmem>> -> memref<1x1x16xi32, #tpu.memory_space<vmem>>
      %dma_start3A_531 = tpu.memref_squeeze %dma_start3A_530 : memref<1x1x16xi32, #tpu.memory_space<vmem>> -> memref<16xi32, #tpu.memory_space<vmem>>
      %dma_start3A_532 = arith.constant 0 : i32
      %dma_start3A_533 = arith.constant 0 : i32
      %dma_start3A_534 = tpu.memref_slice %arg14[%dma_start3A_532, %dma_start3A_533] : memref<10240x128xf32, #tpu.memory_space<vmem_shared>> -> memref<10240x128xf32, #tpu.memory_space<vmem_shared>>
      tpu.enqueue_indirect_dma source(%arg10 : memref<16x128xf32, #tpu.memory_space<vmem>>) target(%dma_start3A_534 : memref<10240x128xf32, #tpu.memory_space<vmem_shared>>) offsets(%dma_start3A_531 : memref<16xi32, #tpu.memory_space<vmem>>) semaphore(%run_scoped3A_528 : memref<!tpu.dma_semaphore, #tpu.memory_space<semaphore_mem>>) {add = true}
      %dma_wait3A_535 = arith.constant 0 : i32
      %dma_wait3A_536 = tpu.memref_slice %arg7[%run_scoped3A_287, %run_scoped3A_288, %dma_wait3A_535] : memref<2x25x16xi32, #tpu.memory_space<vmem>> -> memref<1x1x16xi32, #tpu.memory_space<vmem>>
      %dma_wait3A_537 = tpu.memref_squeeze %dma_wait3A_536 : memref<1x1x16xi32, #tpu.memory_space<vmem>> -> memref<16xi32, #tpu.memory_space<vmem>>
      %dma_wait3A_538 = arith.constant 0 : i32
      %dma_wait3A_539 = arith.constant 0 : i32
      %dma_wait3A_540 = tpu.memref_slice %arg14[%dma_wait3A_538, %dma_wait3A_539] : memref<10240x128xf32, #tpu.memory_space<vmem_shared>> -> memref<10240x128xf32, #tpu.memory_space<vmem_shared>>
      tpu.wait_indirect_dma semaphore(%run_scoped3A_528 : memref<!tpu.dma_semaphore, #tpu.memory_space<semaphore_mem>>) src(%arg10 : memref<16x128xf32, #tpu.memory_space<vmem>>) dst(%dma_wait3A_540 : memref<10240x128xf32, #tpu.memory_space<vmem_shared>>)
      tpu.yield
    }) : () -> ()
    %dma_start3A_289 = arith.constant 1 : i32
    %dma_start3A_290 = arith.constant 16 : i32
    %dma_start3A_291 = arith.constant 0 : i32
    %dma_start3A_292 = tpu.memref_slice %arg8[%dma_start3A_289, %dma_start3A_290, %dma_start3A_291] : memref<2x25x16xi32, #tpu.memory_space<vmem>> -> memref<1x1x16xi32, #tpu.memory_space<vmem>>
    %dma_start3A_293 = tpu.memref_squeeze %dma_start3A_292 : memref<1x1x16xi32, #tpu.memory_space<vmem>> -> memref<16xi32, #tpu.memory_space<vmem>>
    %dma_start3A_294 = arith.constant 0 : i32
    %dma_start3A_295 = arith.constant 0 : i32
    %dma_start3A_296 = tpu.memref_slice %arg2[%dma_start3A_294, %dma_start3A_295] : memref<10000x128xf32, #tpu.memory_space<hbm>> -> memref<10000x128xf32, #tpu.memory_space<hbm>>
    tpu.enqueue_indirect_dma source(%dma_start3A_296 : memref<10000x128xf32, #tpu.memory_space<hbm>>) target(%arg10 : memref<16x128xf32, #tpu.memory_space<vmem>>) offsets(%dma_start3A_293 : memref<16xi32, #tpu.memory_space<vmem>>) semaphore(%arg16 : memref<!tpu.dma_semaphore, #tpu.memory_space<semaphore_mem>>)
    %dma_wait3A_297 = arith.constant 1 : i32
    %dma_wait3A_298 = arith.constant 12 : i32
    %dma_wait3A_299 = arith.constant 0 : i32
    %dma_wait3A_300 = tpu.memref_slice %arg8[%dma_wait3A_297, %dma_wait3A_298, %dma_wait3A_299] : memref<2x25x16xi32, #tpu.memory_space<vmem>> -> memref<1x1x16xi32, #tpu.memory_space<vmem>>
    %dma_wait3A_301 = tpu.memref_squeeze %dma_wait3A_300 : memref<1x1x16xi32, #tpu.memory_space<vmem>> -> memref<16xi32, #tpu.memory_space<vmem>>
    %dma_wait3A_302 = arith.constant 0 : i32
    %dma_wait3A_303 = arith.constant 0 : i32
    %dma_wait3A_304 = tpu.memref_slice %arg2[%dma_wait3A_302, %dma_wait3A_303] : memref<10000x128xf32, #tpu.memory_space<hbm>> -> memref<10000x128xf32, #tpu.memory_space<hbm>>
    tpu.wait_indirect_dma semaphore(%arg17 : memref<!tpu.dma_semaphore, #tpu.memory_space<semaphore_mem>>) src(%dma_wait3A_304 : memref<10000x128xf32, #tpu.memory_space<hbm>>) dst(%arg11 : memref<16x128xf32, #tpu.memory_space<vmem>>)
    %run_scoped3A_305 = arith.constant 1 : i32
    %run_scoped3A_306 = arith.constant 12 : i32
    "tpu.region"() ({
      %run_scoped3A_528 = tpu.sem_alloc : memref<!tpu.dma_semaphore, #tpu.memory_space<semaphore_mem>>
      %dma_start3A_529 = arith.constant 0 : i32
      %dma_start3A_530 = tpu.memref_slice %arg7[%run_scoped3A_305, %run_scoped3A_306, %dma_start3A_529] : memref<2x25x16xi32, #tpu.memory_space<vmem>> -> memref<1x1x16xi32, #tpu.memory_space<vmem>>
      %dma_start3A_531 = tpu.memref_squeeze %dma_start3A_530 : memref<1x1x16xi32, #tpu.memory_space<vmem>> -> memref<16xi32, #tpu.memory_space<vmem>>
      %dma_start3A_532 = arith.constant 0 : i32
      %dma_start3A_533 = arith.constant 0 : i32
      %dma_start3A_534 = tpu.memref_slice %arg14[%dma_start3A_532, %dma_start3A_533] : memref<10240x128xf32, #tpu.memory_space<vmem_shared>> -> memref<10240x128xf32, #tpu.memory_space<vmem_shared>>
      tpu.enqueue_indirect_dma source(%arg11 : memref<16x128xf32, #tpu.memory_space<vmem>>) target(%dma_start3A_534 : memref<10240x128xf32, #tpu.memory_space<vmem_shared>>) offsets(%dma_start3A_531 : memref<16xi32, #tpu.memory_space<vmem>>) semaphore(%run_scoped3A_528 : memref<!tpu.dma_semaphore, #tpu.memory_space<semaphore_mem>>) {add = true}
      %dma_wait3A_535 = arith.constant 0 : i32
      %dma_wait3A_536 = tpu.memref_slice %arg7[%run_scoped3A_305, %run_scoped3A_306, %dma_wait3A_535] : memref<2x25x16xi32, #tpu.memory_space<vmem>> -> memref<1x1x16xi32, #tpu.memory_space<vmem>>
      %dma_wait3A_537 = tpu.memref_squeeze %dma_wait3A_536 : memref<1x1x16xi32, #tpu.memory_space<vmem>> -> memref<16xi32, #tpu.memory_space<vmem>>
      %dma_wait3A_538 = arith.constant 0 : i32
      %dma_wait3A_539 = arith.constant 0 : i32
      %dma_wait3A_540 = tpu.memref_slice %arg14[%dma_wait3A_538, %dma_wait3A_539] : memref<10240x128xf32, #tpu.memory_space<vmem_shared>> -> memref<10240x128xf32, #tpu.memory_space<vmem_shared>>
      tpu.wait_indirect_dma semaphore(%run_scoped3A_528 : memref<!tpu.dma_semaphore, #tpu.memory_space<semaphore_mem>>) src(%arg11 : memref<16x128xf32, #tpu.memory_space<vmem>>) dst(%dma_wait3A_540 : memref<10240x128xf32, #tpu.memory_space<vmem_shared>>)
      tpu.yield
    }) : () -> ()
    %dma_start3A_307 = arith.constant 1 : i32
    %dma_start3A_308 = arith.constant 17 : i32
    %dma_start3A_309 = arith.constant 0 : i32
    %dma_start3A_310 = tpu.memref_slice %arg8[%dma_start3A_307, %dma_start3A_308, %dma_start3A_309] : memref<2x25x16xi32, #tpu.memory_space<vmem>> -> memref<1x1x16xi32, #tpu.memory_space<vmem>>
    %dma_start3A_311 = tpu.memref_squeeze %dma_start3A_310 : memref<1x1x16xi32, #tpu.memory_space<vmem>> -> memref<16xi32, #tpu.memory_space<vmem>>
    %dma_start3A_312 = arith.constant 0 : i32
    %dma_start3A_313 = arith.constant 0 : i32
    %dma_start3A_314 = tpu.memref_slice %arg2[%dma_start3A_312, %dma_start3A_313] : memref<10000x128xf32, #tpu.memory_space<hbm>> -> memref<10000x128xf32, #tpu.memory_space<hbm>>
    tpu.enqueue_indirect_dma source(%dma_start3A_314 : memref<10000x128xf32, #tpu.memory_space<hbm>>) target(%arg11 : memref<16x128xf32, #tpu.memory_space<vmem>>) offsets(%dma_start3A_311 : memref<16xi32, #tpu.memory_space<vmem>>) semaphore(%arg17 : memref<!tpu.dma_semaphore, #tpu.memory_space<semaphore_mem>>)
    %dma_wait3A_315 = arith.constant 1 : i32
    %dma_wait3A_316 = arith.constant 13 : i32
    %dma_wait3A_317 = arith.constant 0 : i32
    %dma_wait3A_318 = tpu.memref_slice %arg8[%dma_wait3A_315, %dma_wait3A_316, %dma_wait3A_317] : memref<2x25x16xi32, #tpu.memory_space<vmem>> -> memref<1x1x16xi32, #tpu.memory_space<vmem>>
    %dma_wait3A_319 = tpu.memref_squeeze %dma_wait3A_318 : memref<1x1x16xi32, #tpu.memory_space<vmem>> -> memref<16xi32, #tpu.memory_space<vmem>>
    %dma_wait3A_320 = arith.constant 0 : i32
    %dma_wait3A_321 = arith.constant 0 : i32
    %dma_wait3A_322 = tpu.memref_slice %arg2[%dma_wait3A_320, %dma_wait3A_321] : memref<10000x128xf32, #tpu.memory_space<hbm>> -> memref<10000x128xf32, #tpu.memory_space<hbm>>
    tpu.wait_indirect_dma semaphore(%arg18 : memref<!tpu.dma_semaphore, #tpu.memory_space<semaphore_mem>>) src(%dma_wait3A_322 : memref<10000x128xf32, #tpu.memory_space<hbm>>) dst(%arg12 : memref<16x128xf32, #tpu.memory_space<vmem>>)
    %run_scoped3A_323 = arith.constant 1 : i32
    %run_scoped3A_324 = arith.constant 13 : i32
    "tpu.region"() ({
      %run_scoped3A_528 = tpu.sem_alloc : memref<!tpu.dma_semaphore, #tpu.memory_space<semaphore_mem>>
      %dma_start3A_529 = arith.constant 0 : i32
      %dma_start3A_530 = tpu.memref_slice %arg7[%run_scoped3A_323, %run_scoped3A_324, %dma_start3A_529] : memref<2x25x16xi32, #tpu.memory_space<vmem>> -> memref<1x1x16xi32, #tpu.memory_space<vmem>>
      %dma_start3A_531 = tpu.memref_squeeze %dma_start3A_530 : memref<1x1x16xi32, #tpu.memory_space<vmem>> -> memref<16xi32, #tpu.memory_space<vmem>>
      %dma_start3A_532 = arith.constant 0 : i32
      %dma_start3A_533 = arith.constant 0 : i32
      %dma_start3A_534 = tpu.memref_slice %arg14[%dma_start3A_532, %dma_start3A_533] : memref<10240x128xf32, #tpu.memory_space<vmem_shared>> -> memref<10240x128xf32, #tpu.memory_space<vmem_shared>>
      tpu.enqueue_indirect_dma source(%arg12 : memref<16x128xf32, #tpu.memory_space<vmem>>) target(%dma_start3A_534 : memref<10240x128xf32, #tpu.memory_space<vmem_shared>>) offsets(%dma_start3A_531 : memref<16xi32, #tpu.memory_space<vmem>>) semaphore(%run_scoped3A_528 : memref<!tpu.dma_semaphore, #tpu.memory_space<semaphore_mem>>) {add = true}
      %dma_wait3A_535 = arith.constant 0 : i32
      %dma_wait3A_536 = tpu.memref_slice %arg7[%run_scoped3A_323, %run_scoped3A_324, %dma_wait3A_535] : memref<2x25x16xi32, #tpu.memory_space<vmem>> -> memref<1x1x16xi32, #tpu.memory_space<vmem>>
      %dma_wait3A_537 = tpu.memref_squeeze %dma_wait3A_536 : memref<1x1x16xi32, #tpu.memory_space<vmem>> -> memref<16xi32, #tpu.memory_space<vmem>>
      %dma_wait3A_538 = arith.constant 0 : i32
      %dma_wait3A_539 = arith.constant 0 : i32
      %dma_wait3A_540 = tpu.memref_slice %arg14[%dma_wait3A_538, %dma_wait3A_539] : memref<10240x128xf32, #tpu.memory_space<vmem_shared>> -> memref<10240x128xf32, #tpu.memory_space<vmem_shared>>
      tpu.wait_indirect_dma semaphore(%run_scoped3A_528 : memref<!tpu.dma_semaphore, #tpu.memory_space<semaphore_mem>>) src(%arg12 : memref<16x128xf32, #tpu.memory_space<vmem>>) dst(%dma_wait3A_540 : memref<10240x128xf32, #tpu.memory_space<vmem_shared>>)
      tpu.yield
    }) : () -> ()
    %dma_start3A_325 = arith.constant 1 : i32
    %dma_start3A_326 = arith.constant 18 : i32
    %dma_start3A_327 = arith.constant 0 : i32
    %dma_start3A_328 = tpu.memref_slice %arg8[%dma_start3A_325, %dma_start3A_326, %dma_start3A_327] : memref<2x25x16xi32, #tpu.memory_space<vmem>> -> memref<1x1x16xi32, #tpu.memory_space<vmem>>
    %dma_start3A_329 = tpu.memref_squeeze %dma_start3A_328 : memref<1x1x16xi32, #tpu.memory_space<vmem>> -> memref<16xi32, #tpu.memory_space<vmem>>
    %dma_start3A_330 = arith.constant 0 : i32
    %dma_start3A_331 = arith.constant 0 : i32
    %dma_start3A_332 = tpu.memref_slice %arg2[%dma_start3A_330, %dma_start3A_331] : memref<10000x128xf32, #tpu.memory_space<hbm>> -> memref<10000x128xf32, #tpu.memory_space<hbm>>
    tpu.enqueue_indirect_dma source(%dma_start3A_332 : memref<10000x128xf32, #tpu.memory_space<hbm>>) target(%arg12 : memref<16x128xf32, #tpu.memory_space<vmem>>) offsets(%dma_start3A_329 : memref<16xi32, #tpu.memory_space<vmem>>) semaphore(%arg18 : memref<!tpu.dma_semaphore, #tpu.memory_space<semaphore_mem>>)
    %dma_wait3A_333 = arith.constant 1 : i32
    %dma_wait3A_334 = arith.constant 14 : i32
    %dma_wait3A_335 = arith.constant 0 : i32
    %dma_wait3A_336 = tpu.memref_slice %arg8[%dma_wait3A_333, %dma_wait3A_334, %dma_wait3A_335] : memref<2x25x16xi32, #tpu.memory_space<vmem>> -> memref<1x1x16xi32, #tpu.memory_space<vmem>>
    %dma_wait3A_337 = tpu.memref_squeeze %dma_wait3A_336 : memref<1x1x16xi32, #tpu.memory_space<vmem>> -> memref<16xi32, #tpu.memory_space<vmem>>
    %dma_wait3A_338 = arith.constant 0 : i32
    %dma_wait3A_339 = arith.constant 0 : i32
    %dma_wait3A_340 = tpu.memref_slice %arg2[%dma_wait3A_338, %dma_wait3A_339] : memref<10000x128xf32, #tpu.memory_space<hbm>> -> memref<10000x128xf32, #tpu.memory_space<hbm>>
    tpu.wait_indirect_dma semaphore(%arg19 : memref<!tpu.dma_semaphore, #tpu.memory_space<semaphore_mem>>) src(%dma_wait3A_340 : memref<10000x128xf32, #tpu.memory_space<hbm>>) dst(%arg13 : memref<16x128xf32, #tpu.memory_space<vmem>>)
    %run_scoped3A_341 = arith.constant 1 : i32
    %run_scoped3A_342 = arith.constant 14 : i32
    "tpu.region"() ({
      %run_scoped3A_528 = tpu.sem_alloc : memref<!tpu.dma_semaphore, #tpu.memory_space<semaphore_mem>>
      %dma_start3A_529 = arith.constant 0 : i32
      %dma_start3A_530 = tpu.memref_slice %arg7[%run_scoped3A_341, %run_scoped3A_342, %dma_start3A_529] : memref<2x25x16xi32, #tpu.memory_space<vmem>> -> memref<1x1x16xi32, #tpu.memory_space<vmem>>
      %dma_start3A_531 = tpu.memref_squeeze %dma_start3A_530 : memref<1x1x16xi32, #tpu.memory_space<vmem>> -> memref<16xi32, #tpu.memory_space<vmem>>
      %dma_start3A_532 = arith.constant 0 : i32
      %dma_start3A_533 = arith.constant 0 : i32
      %dma_start3A_534 = tpu.memref_slice %arg14[%dma_start3A_532, %dma_start3A_533] : memref<10240x128xf32, #tpu.memory_space<vmem_shared>> -> memref<10240x128xf32, #tpu.memory_space<vmem_shared>>
      tpu.enqueue_indirect_dma source(%arg13 : memref<16x128xf32, #tpu.memory_space<vmem>>) target(%dma_start3A_534 : memref<10240x128xf32, #tpu.memory_space<vmem_shared>>) offsets(%dma_start3A_531 : memref<16xi32, #tpu.memory_space<vmem>>) semaphore(%run_scoped3A_528 : memref<!tpu.dma_semaphore, #tpu.memory_space<semaphore_mem>>) {add = true}
      %dma_wait3A_535 = arith.constant 0 : i32
      %dma_wait3A_536 = tpu.memref_slice %arg7[%run_scoped3A_341, %run_scoped3A_342, %dma_wait3A_535] : memref<2x25x16xi32, #tpu.memory_space<vmem>> -> memref<1x1x16xi32, #tpu.memory_space<vmem>>
      %dma_wait3A_537 = tpu.memref_squeeze %dma_wait3A_536 : memref<1x1x16xi32, #tpu.memory_space<vmem>> -> memref<16xi32, #tpu.memory_space<vmem>>
      %dma_wait3A_538 = arith.constant 0 : i32
      %dma_wait3A_539 = arith.constant 0 : i32
      %dma_wait3A_540 = tpu.memref_slice %arg14[%dma_wait3A_538, %dma_wait3A_539] : memref<10240x128xf32, #tpu.memory_space<vmem_shared>> -> memref<10240x128xf32, #tpu.memory_space<vmem_shared>>
      tpu.wait_indirect_dma semaphore(%run_scoped3A_528 : memref<!tpu.dma_semaphore, #tpu.memory_space<semaphore_mem>>) src(%arg13 : memref<16x128xf32, #tpu.memory_space<vmem>>) dst(%dma_wait3A_540 : memref<10240x128xf32, #tpu.memory_space<vmem_shared>>)
      tpu.yield
    }) : () -> ()
    %dma_start3A_343 = arith.constant 1 : i32
    %dma_start3A_344 = arith.constant 19 : i32
    %dma_start3A_345 = arith.constant 0 : i32
    %dma_start3A_346 = tpu.memref_slice %arg8[%dma_start3A_343, %dma_start3A_344, %dma_start3A_345] : memref<2x25x16xi32, #tpu.memory_space<vmem>> -> memref<1x1x16xi32, #tpu.memory_space<vmem>>
    %dma_start3A_347 = tpu.memref_squeeze %dma_start3A_346 : memref<1x1x16xi32, #tpu.memory_space<vmem>> -> memref<16xi32, #tpu.memory_space<vmem>>
    %dma_start3A_348 = arith.constant 0 : i32
    %dma_start3A_349 = arith.constant 0 : i32
    %dma_start3A_350 = tpu.memref_slice %arg2[%dma_start3A_348, %dma_start3A_349] : memref<10000x128xf32, #tpu.memory_space<hbm>> -> memref<10000x128xf32, #tpu.memory_space<hbm>>
    tpu.enqueue_indirect_dma source(%dma_start3A_350 : memref<10000x128xf32, #tpu.memory_space<hbm>>) target(%arg13 : memref<16x128xf32, #tpu.memory_space<vmem>>) offsets(%dma_start3A_347 : memref<16xi32, #tpu.memory_space<vmem>>) semaphore(%arg19 : memref<!tpu.dma_semaphore, #tpu.memory_space<semaphore_mem>>)
    %dma_wait3A_351 = arith.constant 1 : i32
    %dma_wait3A_352 = arith.constant 15 : i32
    %dma_wait3A_353 = arith.constant 0 : i32
    %dma_wait3A_354 = tpu.memref_slice %arg8[%dma_wait3A_351, %dma_wait3A_352, %dma_wait3A_353] : memref<2x25x16xi32, #tpu.memory_space<vmem>> -> memref<1x1x16xi32, #tpu.memory_space<vmem>>
    %dma_wait3A_355 = tpu.memref_squeeze %dma_wait3A_354 : memref<1x1x16xi32, #tpu.memory_space<vmem>> -> memref<16xi32, #tpu.memory_space<vmem>>
    %dma_wait3A_356 = arith.constant 0 : i32
    %dma_wait3A_357 = arith.constant 0 : i32
    %dma_wait3A_358 = tpu.memref_slice %arg2[%dma_wait3A_356, %dma_wait3A_357] : memref<10000x128xf32, #tpu.memory_space<hbm>> -> memref<10000x128xf32, #tpu.memory_space<hbm>>
    tpu.wait_indirect_dma semaphore(%arg15 : memref<!tpu.dma_semaphore, #tpu.memory_space<semaphore_mem>>) src(%dma_wait3A_358 : memref<10000x128xf32, #tpu.memory_space<hbm>>) dst(%arg9 : memref<16x128xf32, #tpu.memory_space<vmem>>)
    %run_scoped3A_359 = arith.constant 1 : i32
    %run_scoped3A_360 = arith.constant 15 : i32
    "tpu.region"() ({
      %run_scoped3A_528 = tpu.sem_alloc : memref<!tpu.dma_semaphore, #tpu.memory_space<semaphore_mem>>
      %dma_start3A_529 = arith.constant 0 : i32
      %dma_start3A_530 = tpu.memref_slice %arg7[%run_scoped3A_359, %run_scoped3A_360, %dma_start3A_529] : memref<2x25x16xi32, #tpu.memory_space<vmem>> -> memref<1x1x16xi32, #tpu.memory_space<vmem>>
      %dma_start3A_531 = tpu.memref_squeeze %dma_start3A_530 : memref<1x1x16xi32, #tpu.memory_space<vmem>> -> memref<16xi32, #tpu.memory_space<vmem>>
      %dma_start3A_532 = arith.constant 0 : i32
      %dma_start3A_533 = arith.constant 0 : i32
      %dma_start3A_534 = tpu.memref_slice %arg14[%dma_start3A_532, %dma_start3A_533] : memref<10240x128xf32, #tpu.memory_space<vmem_shared>> -> memref<10240x128xf32, #tpu.memory_space<vmem_shared>>
      tpu.enqueue_indirect_dma source(%arg9 : memref<16x128xf32, #tpu.memory_space<vmem>>) target(%dma_start3A_534 : memref<10240x128xf32, #tpu.memory_space<vmem_shared>>) offsets(%dma_start3A_531 : memref<16xi32, #tpu.memory_space<vmem>>) semaphore(%run_scoped3A_528 : memref<!tpu.dma_semaphore, #tpu.memory_space<semaphore_mem>>) {add = true}
      %dma_wait3A_535 = arith.constant 0 : i32
      %dma_wait3A_536 = tpu.memref_slice %arg7[%run_scoped3A_359, %run_scoped3A_360, %dma_wait3A_535] : memref<2x25x16xi32, #tpu.memory_space<vmem>> -> memref<1x1x16xi32, #tpu.memory_space<vmem>>
      %dma_wait3A_537 = tpu.memref_squeeze %dma_wait3A_536 : memref<1x1x16xi32, #tpu.memory_space<vmem>> -> memref<16xi32, #tpu.memory_space<vmem>>
      %dma_wait3A_538 = arith.constant 0 : i32
      %dma_wait3A_539 = arith.constant 0 : i32
      %dma_wait3A_540 = tpu.memref_slice %arg14[%dma_wait3A_538, %dma_wait3A_539] : memref<10240x128xf32, #tpu.memory_space<vmem_shared>> -> memref<10240x128xf32, #tpu.memory_space<vmem_shared>>
      tpu.wait_indirect_dma semaphore(%run_scoped3A_528 : memref<!tpu.dma_semaphore, #tpu.memory_space<semaphore_mem>>) src(%arg9 : memref<16x128xf32, #tpu.memory_space<vmem>>) dst(%dma_wait3A_540 : memref<10240x128xf32, #tpu.memory_space<vmem_shared>>)
      tpu.yield
    }) : () -> ()
    %dma_start3A_361 = arith.constant 1 : i32
    %dma_start3A_362 = arith.constant 20 : i32
    %dma_start3A_363 = arith.constant 0 : i32
    %dma_start3A_364 = tpu.memref_slice %arg8[%dma_start3A_361, %dma_start3A_362, %dma_start3A_363] : memref<2x25x16xi32, #tpu.memory_space<vmem>> -> memref<1x1x16xi32, #tpu.memory_space<vmem>>
    %dma_start3A_365 = tpu.memref_squeeze %dma_start3A_364 : memref<1x1x16xi32, #tpu.memory_space<vmem>> -> memref<16xi32, #tpu.memory_space<vmem>>
    %dma_start3A_366 = arith.constant 0 : i32
    %dma_start3A_367 = arith.constant 0 : i32
    %dma_start3A_368 = tpu.memref_slice %arg2[%dma_start3A_366, %dma_start3A_367] : memref<10000x128xf32, #tpu.memory_space<hbm>> -> memref<10000x128xf32, #tpu.memory_space<hbm>>
    tpu.enqueue_indirect_dma source(%dma_start3A_368 : memref<10000x128xf32, #tpu.memory_space<hbm>>) target(%arg9 : memref<16x128xf32, #tpu.memory_space<vmem>>) offsets(%dma_start3A_365 : memref<16xi32, #tpu.memory_space<vmem>>) semaphore(%arg15 : memref<!tpu.dma_semaphore, #tpu.memory_space<semaphore_mem>>)
    %dma_wait3A_369 = arith.constant 1 : i32
    %dma_wait3A_370 = arith.constant 16 : i32
    %dma_wait3A_371 = arith.constant 0 : i32
    %dma_wait3A_372 = tpu.memref_slice %arg8[%dma_wait3A_369, %dma_wait3A_370, %dma_wait3A_371] : memref<2x25x16xi32, #tpu.memory_space<vmem>> -> memref<1x1x16xi32, #tpu.memory_space<vmem>>
    %dma_wait3A_373 = tpu.memref_squeeze %dma_wait3A_372 : memref<1x1x16xi32, #tpu.memory_space<vmem>> -> memref<16xi32, #tpu.memory_space<vmem>>
    %dma_wait3A_374 = arith.constant 0 : i32
    %dma_wait3A_375 = arith.constant 0 : i32
    %dma_wait3A_376 = tpu.memref_slice %arg2[%dma_wait3A_374, %dma_wait3A_375] : memref<10000x128xf32, #tpu.memory_space<hbm>> -> memref<10000x128xf32, #tpu.memory_space<hbm>>
    tpu.wait_indirect_dma semaphore(%arg16 : memref<!tpu.dma_semaphore, #tpu.memory_space<semaphore_mem>>) src(%dma_wait3A_376 : memref<10000x128xf32, #tpu.memory_space<hbm>>) dst(%arg10 : memref<16x128xf32, #tpu.memory_space<vmem>>)
    %run_scoped3A_377 = arith.constant 1 : i32
    %run_scoped3A_378 = arith.constant 16 : i32
    "tpu.region"() ({
      %run_scoped3A_528 = tpu.sem_alloc : memref<!tpu.dma_semaphore, #tpu.memory_space<semaphore_mem>>
      %dma_start3A_529 = arith.constant 0 : i32
      %dma_start3A_530 = tpu.memref_slice %arg7[%run_scoped3A_377, %run_scoped3A_378, %dma_start3A_529] : memref<2x25x16xi32, #tpu.memory_space<vmem>> -> memref<1x1x16xi32, #tpu.memory_space<vmem>>
      %dma_start3A_531 = tpu.memref_squeeze %dma_start3A_530 : memref<1x1x16xi32, #tpu.memory_space<vmem>> -> memref<16xi32, #tpu.memory_space<vmem>>
      %dma_start3A_532 = arith.constant 0 : i32
      %dma_start3A_533 = arith.constant 0 : i32
      %dma_start3A_534 = tpu.memref_slice %arg14[%dma_start3A_532, %dma_start3A_533] : memref<10240x128xf32, #tpu.memory_space<vmem_shared>> -> memref<10240x128xf32, #tpu.memory_space<vmem_shared>>
      tpu.enqueue_indirect_dma source(%arg10 : memref<16x128xf32, #tpu.memory_space<vmem>>) target(%dma_start3A_534 : memref<10240x128xf32, #tpu.memory_space<vmem_shared>>) offsets(%dma_start3A_531 : memref<16xi32, #tpu.memory_space<vmem>>) semaphore(%run_scoped3A_528 : memref<!tpu.dma_semaphore, #tpu.memory_space<semaphore_mem>>) {add = true}
      %dma_wait3A_535 = arith.constant 0 : i32
      %dma_wait3A_536 = tpu.memref_slice %arg7[%run_scoped3A_377, %run_scoped3A_378, %dma_wait3A_535] : memref<2x25x16xi32, #tpu.memory_space<vmem>> -> memref<1x1x16xi32, #tpu.memory_space<vmem>>
      %dma_wait3A_537 = tpu.memref_squeeze %dma_wait3A_536 : memref<1x1x16xi32, #tpu.memory_space<vmem>> -> memref<16xi32, #tpu.memory_space<vmem>>
      %dma_wait3A_538 = arith.constant 0 : i32
      %dma_wait3A_539 = arith.constant 0 : i32
      %dma_wait3A_540 = tpu.memref_slice %arg14[%dma_wait3A_538, %dma_wait3A_539] : memref<10240x128xf32, #tpu.memory_space<vmem_shared>> -> memref<10240x128xf32, #tpu.memory_space<vmem_shared>>
      tpu.wait_indirect_dma semaphore(%run_scoped3A_528 : memref<!tpu.dma_semaphore, #tpu.memory_space<semaphore_mem>>) src(%arg10 : memref<16x128xf32, #tpu.memory_space<vmem>>) dst(%dma_wait3A_540 : memref<10240x128xf32, #tpu.memory_space<vmem_shared>>)
      tpu.yield
    }) : () -> ()
    %dma_start3A_379 = arith.constant 1 : i32
    %dma_start3A_380 = arith.constant 21 : i32
    %dma_start3A_381 = arith.constant 0 : i32
    %dma_start3A_382 = tpu.memref_slice %arg8[%dma_start3A_379, %dma_start3A_380, %dma_start3A_381] : memref<2x25x16xi32, #tpu.memory_space<vmem>> -> memref<1x1x16xi32, #tpu.memory_space<vmem>>
    %dma_start3A_383 = tpu.memref_squeeze %dma_start3A_382 : memref<1x1x16xi32, #tpu.memory_space<vmem>> -> memref<16xi32, #tpu.memory_space<vmem>>
    %dma_start3A_384 = arith.constant 0 : i32
    %dma_start3A_385 = arith.constant 0 : i32
    %dma_start3A_386 = tpu.memref_slice %arg2[%dma_start3A_384, %dma_start3A_385] : memref<10000x128xf32, #tpu.memory_space<hbm>> -> memref<10000x128xf32, #tpu.memory_space<hbm>>
    tpu.enqueue_indirect_dma source(%dma_start3A_386 : memref<10000x128xf32, #tpu.memory_space<hbm>>) target(%arg10 : memref<16x128xf32, #tpu.memory_space<vmem>>) offsets(%dma_start3A_383 : memref<16xi32, #tpu.memory_space<vmem>>) semaphore(%arg16 : memref<!tpu.dma_semaphore, #tpu.memory_space<semaphore_mem>>)
    %dma_wait3A_387 = arith.constant 1 : i32
    %dma_wait3A_388 = arith.constant 17 : i32
    %dma_wait3A_389 = arith.constant 0 : i32
    %dma_wait3A_390 = tpu.memref_slice %arg8[%dma_wait3A_387, %dma_wait3A_388, %dma_wait3A_389] : memref<2x25x16xi32, #tpu.memory_space<vmem>> -> memref<1x1x16xi32, #tpu.memory_space<vmem>>
    %dma_wait3A_391 = tpu.memref_squeeze %dma_wait3A_390 : memref<1x1x16xi32, #tpu.memory_space<vmem>> -> memref<16xi32, #tpu.memory_space<vmem>>
    %dma_wait3A_392 = arith.constant 0 : i32
    %dma_wait3A_393 = arith.constant 0 : i32
    %dma_wait3A_394 = tpu.memref_slice %arg2[%dma_wait3A_392, %dma_wait3A_393] : memref<10000x128xf32, #tpu.memory_space<hbm>> -> memref<10000x128xf32, #tpu.memory_space<hbm>>
    tpu.wait_indirect_dma semaphore(%arg17 : memref<!tpu.dma_semaphore, #tpu.memory_space<semaphore_mem>>) src(%dma_wait3A_394 : memref<10000x128xf32, #tpu.memory_space<hbm>>) dst(%arg11 : memref<16x128xf32, #tpu.memory_space<vmem>>)
    %run_scoped3A_395 = arith.constant 1 : i32
    %run_scoped3A_396 = arith.constant 17 : i32
    "tpu.region"() ({
      %run_scoped3A_528 = tpu.sem_alloc : memref<!tpu.dma_semaphore, #tpu.memory_space<semaphore_mem>>
      %dma_start3A_529 = arith.constant 0 : i32
      %dma_start3A_530 = tpu.memref_slice %arg7[%run_scoped3A_395, %run_scoped3A_396, %dma_start3A_529] : memref<2x25x16xi32, #tpu.memory_space<vmem>> -> memref<1x1x16xi32, #tpu.memory_space<vmem>>
      %dma_start3A_531 = tpu.memref_squeeze %dma_start3A_530 : memref<1x1x16xi32, #tpu.memory_space<vmem>> -> memref<16xi32, #tpu.memory_space<vmem>>
      %dma_start3A_532 = arith.constant 0 : i32
      %dma_start3A_533 = arith.constant 0 : i32
      %dma_start3A_534 = tpu.memref_slice %arg14[%dma_start3A_532, %dma_start3A_533] : memref<10240x128xf32, #tpu.memory_space<vmem_shared>> -> memref<10240x128xf32, #tpu.memory_space<vmem_shared>>
      tpu.enqueue_indirect_dma source(%arg11 : memref<16x128xf32, #tpu.memory_space<vmem>>) target(%dma_start3A_534 : memref<10240x128xf32, #tpu.memory_space<vmem_shared>>) offsets(%dma_start3A_531 : memref<16xi32, #tpu.memory_space<vmem>>) semaphore(%run_scoped3A_528 : memref<!tpu.dma_semaphore, #tpu.memory_space<semaphore_mem>>) {add = true}
      %dma_wait3A_535 = arith.constant 0 : i32
      %dma_wait3A_536 = tpu.memref_slice %arg7[%run_scoped3A_395, %run_scoped3A_396, %dma_wait3A_535] : memref<2x25x16xi32, #tpu.memory_space<vmem>> -> memref<1x1x16xi32, #tpu.memory_space<vmem>>
      %dma_wait3A_537 = tpu.memref_squeeze %dma_wait3A_536 : memref<1x1x16xi32, #tpu.memory_space<vmem>> -> memref<16xi32, #tpu.memory_space<vmem>>
      %dma_wait3A_538 = arith.constant 0 : i32
      %dma_wait3A_539 = arith.constant 0 : i32
      %dma_wait3A_540 = tpu.memref_slice %arg14[%dma_wait3A_538, %dma_wait3A_539] : memref<10240x128xf32, #tpu.memory_space<vmem_shared>> -> memref<10240x128xf32, #tpu.memory_space<vmem_shared>>
      tpu.wait_indirect_dma semaphore(%run_scoped3A_528 : memref<!tpu.dma_semaphore, #tpu.memory_space<semaphore_mem>>) src(%arg11 : memref<16x128xf32, #tpu.memory_space<vmem>>) dst(%dma_wait3A_540 : memref<10240x128xf32, #tpu.memory_space<vmem_shared>>)
      tpu.yield
    }) : () -> ()
    %dma_start3A_397 = arith.constant 1 : i32
    %dma_start3A_398 = arith.constant 22 : i32
    %dma_start3A_399 = arith.constant 0 : i32
    %dma_start3A_400 = tpu.memref_slice %arg8[%dma_start3A_397, %dma_start3A_398, %dma_start3A_399] : memref<2x25x16xi32, #tpu.memory_space<vmem>> -> memref<1x1x16xi32, #tpu.memory_space<vmem>>
    %dma_start3A_401 = tpu.memref_squeeze %dma_start3A_400 : memref<1x1x16xi32, #tpu.memory_space<vmem>> -> memref<16xi32, #tpu.memory_space<vmem>>
    %dma_start3A_402 = arith.constant 0 : i32
    %dma_start3A_403 = arith.constant 0 : i32
    %dma_start3A_404 = tpu.memref_slice %arg2[%dma_start3A_402, %dma_start3A_403] : memref<10000x128xf32, #tpu.memory_space<hbm>> -> memref<10000x128xf32, #tpu.memory_space<hbm>>
    tpu.enqueue_indirect_dma source(%dma_start3A_404 : memref<10000x128xf32, #tpu.memory_space<hbm>>) target(%arg11 : memref<16x128xf32, #tpu.memory_space<vmem>>) offsets(%dma_start3A_401 : memref<16xi32, #tpu.memory_space<vmem>>) semaphore(%arg17 : memref<!tpu.dma_semaphore, #tpu.memory_space<semaphore_mem>>)
    %dma_wait3A_405 = arith.constant 1 : i32
    %dma_wait3A_406 = arith.constant 18 : i32
    %dma_wait3A_407 = arith.constant 0 : i32
    %dma_wait3A_408 = tpu.memref_slice %arg8[%dma_wait3A_405, %dma_wait3A_406, %dma_wait3A_407] : memref<2x25x16xi32, #tpu.memory_space<vmem>> -> memref<1x1x16xi32, #tpu.memory_space<vmem>>
    %dma_wait3A_409 = tpu.memref_squeeze %dma_wait3A_408 : memref<1x1x16xi32, #tpu.memory_space<vmem>> -> memref<16xi32, #tpu.memory_space<vmem>>
    %dma_wait3A_410 = arith.constant 0 : i32
    %dma_wait3A_411 = arith.constant 0 : i32
    %dma_wait3A_412 = tpu.memref_slice %arg2[%dma_wait3A_410, %dma_wait3A_411] : memref<10000x128xf32, #tpu.memory_space<hbm>> -> memref<10000x128xf32, #tpu.memory_space<hbm>>
    tpu.wait_indirect_dma semaphore(%arg18 : memref<!tpu.dma_semaphore, #tpu.memory_space<semaphore_mem>>) src(%dma_wait3A_412 : memref<10000x128xf32, #tpu.memory_space<hbm>>) dst(%arg12 : memref<16x128xf32, #tpu.memory_space<vmem>>)
    %run_scoped3A_413 = arith.constant 1 : i32
    %run_scoped3A_414 = arith.constant 18 : i32
    "tpu.region"() ({
      %run_scoped3A_528 = tpu.sem_alloc : memref<!tpu.dma_semaphore, #tpu.memory_space<semaphore_mem>>
      %dma_start3A_529 = arith.constant 0 : i32
      %dma_start3A_530 = tpu.memref_slice %arg7[%run_scoped3A_413, %run_scoped3A_414, %dma_start3A_529] : memref<2x25x16xi32, #tpu.memory_space<vmem>> -> memref<1x1x16xi32, #tpu.memory_space<vmem>>
      %dma_start3A_531 = tpu.memref_squeeze %dma_start3A_530 : memref<1x1x16xi32, #tpu.memory_space<vmem>> -> memref<16xi32, #tpu.memory_space<vmem>>
      %dma_start3A_532 = arith.constant 0 : i32
      %dma_start3A_533 = arith.constant 0 : i32
      %dma_start3A_534 = tpu.memref_slice %arg14[%dma_start3A_532, %dma_start3A_533] : memref<10240x128xf32, #tpu.memory_space<vmem_shared>> -> memref<10240x128xf32, #tpu.memory_space<vmem_shared>>
      tpu.enqueue_indirect_dma source(%arg12 : memref<16x128xf32, #tpu.memory_space<vmem>>) target(%dma_start3A_534 : memref<10240x128xf32, #tpu.memory_space<vmem_shared>>) offsets(%dma_start3A_531 : memref<16xi32, #tpu.memory_space<vmem>>) semaphore(%run_scoped3A_528 : memref<!tpu.dma_semaphore, #tpu.memory_space<semaphore_mem>>) {add = true}
      %dma_wait3A_535 = arith.constant 0 : i32
      %dma_wait3A_536 = tpu.memref_slice %arg7[%run_scoped3A_413, %run_scoped3A_414, %dma_wait3A_535] : memref<2x25x16xi32, #tpu.memory_space<vmem>> -> memref<1x1x16xi32, #tpu.memory_space<vmem>>
      %dma_wait3A_537 = tpu.memref_squeeze %dma_wait3A_536 : memref<1x1x16xi32, #tpu.memory_space<vmem>> -> memref<16xi32, #tpu.memory_space<vmem>>
      %dma_wait3A_538 = arith.constant 0 : i32
      %dma_wait3A_539 = arith.constant 0 : i32
      %dma_wait3A_540 = tpu.memref_slice %arg14[%dma_wait3A_538, %dma_wait3A_539] : memref<10240x128xf32, #tpu.memory_space<vmem_shared>> -> memref<10240x128xf32, #tpu.memory_space<vmem_shared>>
      tpu.wait_indirect_dma semaphore(%run_scoped3A_528 : memref<!tpu.dma_semaphore, #tpu.memory_space<semaphore_mem>>) src(%arg12 : memref<16x128xf32, #tpu.memory_space<vmem>>) dst(%dma_wait3A_540 : memref<10240x128xf32, #tpu.memory_space<vmem_shared>>)
      tpu.yield
    }) : () -> ()
    %dma_start3A_415 = arith.constant 1 : i32
    %dma_start3A_416 = arith.constant 23 : i32
    %dma_start3A_417 = arith.constant 0 : i32
    %dma_start3A_418 = tpu.memref_slice %arg8[%dma_start3A_415, %dma_start3A_416, %dma_start3A_417] : memref<2x25x16xi32, #tpu.memory_space<vmem>> -> memref<1x1x16xi32, #tpu.memory_space<vmem>>
    %dma_start3A_419 = tpu.memref_squeeze %dma_start3A_418 : memref<1x1x16xi32, #tpu.memory_space<vmem>> -> memref<16xi32, #tpu.memory_space<vmem>>
    %dma_start3A_420 = arith.constant 0 : i32
    %dma_start3A_421 = arith.constant 0 : i32
    %dma_start3A_422 = tpu.memref_slice %arg2[%dma_start3A_420, %dma_start3A_421] : memref<10000x128xf32, #tpu.memory_space<hbm>> -> memref<10000x128xf32, #tpu.memory_space<hbm>>
    tpu.enqueue_indirect_dma source(%dma_start3A_422 : memref<10000x128xf32, #tpu.memory_space<hbm>>) target(%arg12 : memref<16x128xf32, #tpu.memory_space<vmem>>) offsets(%dma_start3A_419 : memref<16xi32, #tpu.memory_space<vmem>>) semaphore(%arg18 : memref<!tpu.dma_semaphore, #tpu.memory_space<semaphore_mem>>)
    %dma_wait3A_423 = arith.constant 1 : i32
    %dma_wait3A_424 = arith.constant 19 : i32
    %dma_wait3A_425 = arith.constant 0 : i32
    %dma_wait3A_426 = tpu.memref_slice %arg8[%dma_wait3A_423, %dma_wait3A_424, %dma_wait3A_425] : memref<2x25x16xi32, #tpu.memory_space<vmem>> -> memref<1x1x16xi32, #tpu.memory_space<vmem>>
    %dma_wait3A_427 = tpu.memref_squeeze %dma_wait3A_426 : memref<1x1x16xi32, #tpu.memory_space<vmem>> -> memref<16xi32, #tpu.memory_space<vmem>>
    %dma_wait3A_428 = arith.constant 0 : i32
    %dma_wait3A_429 = arith.constant 0 : i32
    %dma_wait3A_430 = tpu.memref_slice %arg2[%dma_wait3A_428, %dma_wait3A_429] : memref<10000x128xf32, #tpu.memory_space<hbm>> -> memref<10000x128xf32, #tpu.memory_space<hbm>>
    tpu.wait_indirect_dma semaphore(%arg19 : memref<!tpu.dma_semaphore, #tpu.memory_space<semaphore_mem>>) src(%dma_wait3A_430 : memref<10000x128xf32, #tpu.memory_space<hbm>>) dst(%arg13 : memref<16x128xf32, #tpu.memory_space<vmem>>)
    %run_scoped3A_431 = arith.constant 1 : i32
    %run_scoped3A_432 = arith.constant 19 : i32
    "tpu.region"() ({
      %run_scoped3A_528 = tpu.sem_alloc : memref<!tpu.dma_semaphore, #tpu.memory_space<semaphore_mem>>
      %dma_start3A_529 = arith.constant 0 : i32
      %dma_start3A_530 = tpu.memref_slice %arg7[%run_scoped3A_431, %run_scoped3A_432, %dma_start3A_529] : memref<2x25x16xi32, #tpu.memory_space<vmem>> -> memref<1x1x16xi32, #tpu.memory_space<vmem>>
      %dma_start3A_531 = tpu.memref_squeeze %dma_start3A_530 : memref<1x1x16xi32, #tpu.memory_space<vmem>> -> memref<16xi32, #tpu.memory_space<vmem>>
      %dma_start3A_532 = arith.constant 0 : i32
      %dma_start3A_533 = arith.constant 0 : i32
      %dma_start3A_534 = tpu.memref_slice %arg14[%dma_start3A_532, %dma_start3A_533] : memref<10240x128xf32, #tpu.memory_space<vmem_shared>> -> memref<10240x128xf32, #tpu.memory_space<vmem_shared>>
      tpu.enqueue_indirect_dma source(%arg13 : memref<16x128xf32, #tpu.memory_space<vmem>>) target(%dma_start3A_534 : memref<10240x128xf32, #tpu.memory_space<vmem_shared>>) offsets(%dma_start3A_531 : memref<16xi32, #tpu.memory_space<vmem>>) semaphore(%run_scoped3A_528 : memref<!tpu.dma_semaphore, #tpu.memory_space<semaphore_mem>>) {add = true}
      %dma_wait3A_535 = arith.constant 0 : i32
      %dma_wait3A_536 = tpu.memref_slice %arg7[%run_scoped3A_431, %run_scoped3A_432, %dma_wait3A_535] : memref<2x25x16xi32, #tpu.memory_space<vmem>> -> memref<1x1x16xi32, #tpu.memory_space<vmem>>
      %dma_wait3A_537 = tpu.memref_squeeze %dma_wait3A_536 : memref<1x1x16xi32, #tpu.memory_space<vmem>> -> memref<16xi32, #tpu.memory_space<vmem>>
      %dma_wait3A_538 = arith.constant 0 : i32
      %dma_wait3A_539 = arith.constant 0 : i32
      %dma_wait3A_540 = tpu.memref_slice %arg14[%dma_wait3A_538, %dma_wait3A_539] : memref<10240x128xf32, #tpu.memory_space<vmem_shared>> -> memref<10240x128xf32, #tpu.memory_space<vmem_shared>>
      tpu.wait_indirect_dma semaphore(%run_scoped3A_528 : memref<!tpu.dma_semaphore, #tpu.memory_space<semaphore_mem>>) src(%arg13 : memref<16x128xf32, #tpu.memory_space<vmem>>) dst(%dma_wait3A_540 : memref<10240x128xf32, #tpu.memory_space<vmem_shared>>)
      tpu.yield
    }) : () -> ()
    %dma_start3A_433 = arith.constant 1 : i32
    %dma_start3A_434 = arith.constant 24 : i32
    %dma_start3A_435 = arith.constant 0 : i32
    %dma_start3A_436 = tpu.memref_slice %arg8[%dma_start3A_433, %dma_start3A_434, %dma_start3A_435] : memref<2x25x16xi32, #tpu.memory_space<vmem>> -> memref<1x1x16xi32, #tpu.memory_space<vmem>>
    %dma_start3A_437 = tpu.memref_squeeze %dma_start3A_436 : memref<1x1x16xi32, #tpu.memory_space<vmem>> -> memref<16xi32, #tpu.memory_space<vmem>>
    %dma_start3A_438 = arith.constant 0 : i32
    %dma_start3A_439 = arith.constant 0 : i32
    %dma_start3A_440 = tpu.memref_slice %arg2[%dma_start3A_438, %dma_start3A_439] : memref<10000x128xf32, #tpu.memory_space<hbm>> -> memref<10000x128xf32, #tpu.memory_space<hbm>>
    tpu.enqueue_indirect_dma source(%dma_start3A_440 : memref<10000x128xf32, #tpu.memory_space<hbm>>) target(%arg13 : memref<16x128xf32, #tpu.memory_space<vmem>>) offsets(%dma_start3A_437 : memref<16xi32, #tpu.memory_space<vmem>>) semaphore(%arg19 : memref<!tpu.dma_semaphore, #tpu.memory_space<semaphore_mem>>)
    %dma_wait3A_441 = arith.constant 1 : i32
    %dma_wait3A_442 = arith.constant 20 : i32
    %dma_wait3A_443 = arith.constant 0 : i32
    %dma_wait3A_444 = tpu.memref_slice %arg8[%dma_wait3A_441, %dma_wait3A_442, %dma_wait3A_443] : memref<2x25x16xi32, #tpu.memory_space<vmem>> -> memref<1x1x16xi32, #tpu.memory_space<vmem>>
    %dma_wait3A_445 = tpu.memref_squeeze %dma_wait3A_444 : memref<1x1x16xi32, #tpu.memory_space<vmem>> -> memref<16xi32, #tpu.memory_space<vmem>>
    %dma_wait3A_446 = arith.constant 0 : i32
    %dma_wait3A_447 = arith.constant 0 : i32
    %dma_wait3A_448 = tpu.memref_slice %arg2[%dma_wait3A_446, %dma_wait3A_447] : memref<10000x128xf32, #tpu.memory_space<hbm>> -> memref<10000x128xf32, #tpu.memory_space<hbm>>
    tpu.wait_indirect_dma semaphore(%arg15 : memref<!tpu.dma_semaphore, #tpu.memory_space<semaphore_mem>>) src(%dma_wait3A_448 : memref<10000x128xf32, #tpu.memory_space<hbm>>) dst(%arg9 : memref<16x128xf32, #tpu.memory_space<vmem>>)
    %run_scoped3A_449 = arith.constant 1 : i32
    %run_scoped3A_450 = arith.constant 20 : i32
    "tpu.region"() ({
      %run_scoped3A_528 = tpu.sem_alloc : memref<!tpu.dma_semaphore, #tpu.memory_space<semaphore_mem>>
      %dma_start3A_529 = arith.constant 0 : i32
      %dma_start3A_530 = tpu.memref_slice %arg7[%run_scoped3A_449, %run_scoped3A_450, %dma_start3A_529] : memref<2x25x16xi32, #tpu.memory_space<vmem>> -> memref<1x1x16xi32, #tpu.memory_space<vmem>>
      %dma_start3A_531 = tpu.memref_squeeze %dma_start3A_530 : memref<1x1x16xi32, #tpu.memory_space<vmem>> -> memref<16xi32, #tpu.memory_space<vmem>>
      %dma_start3A_532 = arith.constant 0 : i32
      %dma_start3A_533 = arith.constant 0 : i32
      %dma_start3A_534 = tpu.memref_slice %arg14[%dma_start3A_532, %dma_start3A_533] : memref<10240x128xf32, #tpu.memory_space<vmem_shared>> -> memref<10240x128xf32, #tpu.memory_space<vmem_shared>>
      tpu.enqueue_indirect_dma source(%arg9 : memref<16x128xf32, #tpu.memory_space<vmem>>) target(%dma_start3A_534 : memref<10240x128xf32, #tpu.memory_space<vmem_shared>>) offsets(%dma_start3A_531 : memref<16xi32, #tpu.memory_space<vmem>>) semaphore(%run_scoped3A_528 : memref<!tpu.dma_semaphore, #tpu.memory_space<semaphore_mem>>) {add = true}
      %dma_wait3A_535 = arith.constant 0 : i32
      %dma_wait3A_536 = tpu.memref_slice %arg7[%run_scoped3A_449, %run_scoped3A_450, %dma_wait3A_535] : memref<2x25x16xi32, #tpu.memory_space<vmem>> -> memref<1x1x16xi32, #tpu.memory_space<vmem>>
      %dma_wait3A_537 = tpu.memref_squeeze %dma_wait3A_536 : memref<1x1x16xi32, #tpu.memory_space<vmem>> -> memref<16xi32, #tpu.memory_space<vmem>>
      %dma_wait3A_538 = arith.constant 0 : i32
      %dma_wait3A_539 = arith.constant 0 : i32
      %dma_wait3A_540 = tpu.memref_slice %arg14[%dma_wait3A_538, %dma_wait3A_539] : memref<10240x128xf32, #tpu.memory_space<vmem_shared>> -> memref<10240x128xf32, #tpu.memory_space<vmem_shared>>
      tpu.wait_indirect_dma semaphore(%run_scoped3A_528 : memref<!tpu.dma_semaphore, #tpu.memory_space<semaphore_mem>>) src(%arg9 : memref<16x128xf32, #tpu.memory_space<vmem>>) dst(%dma_wait3A_540 : memref<10240x128xf32, #tpu.memory_space<vmem_shared>>)
      tpu.yield
    }) : () -> ()
    %dma_wait3A_451 = arith.constant 1 : i32
    %dma_wait3A_452 = arith.constant 21 : i32
    %dma_wait3A_453 = arith.constant 0 : i32
    %dma_wait3A_454 = tpu.memref_slice %arg8[%dma_wait3A_451, %dma_wait3A_452, %dma_wait3A_453] : memref<2x25x16xi32, #tpu.memory_space<vmem>> -> memref<1x1x16xi32, #tpu.memory_space<vmem>>
    %dma_wait3A_455 = tpu.memref_squeeze %dma_wait3A_454 : memref<1x1x16xi32, #tpu.memory_space<vmem>> -> memref<16xi32, #tpu.memory_space<vmem>>
    %dma_wait3A_456 = arith.constant 0 : i32
    %dma_wait3A_457 = arith.constant 0 : i32
    %dma_wait3A_458 = tpu.memref_slice %arg2[%dma_wait3A_456, %dma_wait3A_457] : memref<10000x128xf32, #tpu.memory_space<hbm>> -> memref<10000x128xf32, #tpu.memory_space<hbm>>
    tpu.wait_indirect_dma semaphore(%arg16 : memref<!tpu.dma_semaphore, #tpu.memory_space<semaphore_mem>>) src(%dma_wait3A_458 : memref<10000x128xf32, #tpu.memory_space<hbm>>) dst(%arg10 : memref<16x128xf32, #tpu.memory_space<vmem>>)
    %run_scoped3A_459 = arith.constant 1 : i32
    %run_scoped3A_460 = arith.constant 21 : i32
    "tpu.region"() ({
      %run_scoped3A_528 = tpu.sem_alloc : memref<!tpu.dma_semaphore, #tpu.memory_space<semaphore_mem>>
      %dma_start3A_529 = arith.constant 0 : i32
      %dma_start3A_530 = tpu.memref_slice %arg7[%run_scoped3A_459, %run_scoped3A_460, %dma_start3A_529] : memref<2x25x16xi32, #tpu.memory_space<vmem>> -> memref<1x1x16xi32, #tpu.memory_space<vmem>>
      %dma_start3A_531 = tpu.memref_squeeze %dma_start3A_530 : memref<1x1x16xi32, #tpu.memory_space<vmem>> -> memref<16xi32, #tpu.memory_space<vmem>>
      %dma_start3A_532 = arith.constant 0 : i32
      %dma_start3A_533 = arith.constant 0 : i32
      %dma_start3A_534 = tpu.memref_slice %arg14[%dma_start3A_532, %dma_start3A_533] : memref<10240x128xf32, #tpu.memory_space<vmem_shared>> -> memref<10240x128xf32, #tpu.memory_space<vmem_shared>>
      tpu.enqueue_indirect_dma source(%arg10 : memref<16x128xf32, #tpu.memory_space<vmem>>) target(%dma_start3A_534 : memref<10240x128xf32, #tpu.memory_space<vmem_shared>>) offsets(%dma_start3A_531 : memref<16xi32, #tpu.memory_space<vmem>>) semaphore(%run_scoped3A_528 : memref<!tpu.dma_semaphore, #tpu.memory_space<semaphore_mem>>) {add = true}
      %dma_wait3A_535 = arith.constant 0 : i32
      %dma_wait3A_536 = tpu.memref_slice %arg7[%run_scoped3A_459, %run_scoped3A_460, %dma_wait3A_535] : memref<2x25x16xi32, #tpu.memory_space<vmem>> -> memref<1x1x16xi32, #tpu.memory_space<vmem>>
      %dma_wait3A_537 = tpu.memref_squeeze %dma_wait3A_536 : memref<1x1x16xi32, #tpu.memory_space<vmem>> -> memref<16xi32, #tpu.memory_space<vmem>>
      %dma_wait3A_538 = arith.constant 0 : i32
      %dma_wait3A_539 = arith.constant 0 : i32
      %dma_wait3A_540 = tpu.memref_slice %arg14[%dma_wait3A_538, %dma_wait3A_539] : memref<10240x128xf32, #tpu.memory_space<vmem_shared>> -> memref<10240x128xf32, #tpu.memory_space<vmem_shared>>
      tpu.wait_indirect_dma semaphore(%run_scoped3A_528 : memref<!tpu.dma_semaphore, #tpu.memory_space<semaphore_mem>>) src(%arg10 : memref<16x128xf32, #tpu.memory_space<vmem>>) dst(%dma_wait3A_540 : memref<10240x128xf32, #tpu.memory_space<vmem_shared>>)
      tpu.yield
    }) : () -> ()
    %dma_wait3A_461 = arith.constant 1 : i32
    %dma_wait3A_462 = arith.constant 22 : i32
    %dma_wait3A_463 = arith.constant 0 : i32
    %dma_wait3A_464 = tpu.memref_slice %arg8[%dma_wait3A_461, %dma_wait3A_462, %dma_wait3A_463] : memref<2x25x16xi32, #tpu.memory_space<vmem>> -> memref<1x1x16xi32, #tpu.memory_space<vmem>>
    %dma_wait3A_465 = tpu.memref_squeeze %dma_wait3A_464 : memref<1x1x16xi32, #tpu.memory_space<vmem>> -> memref<16xi32, #tpu.memory_space<vmem>>
    %dma_wait3A_466 = arith.constant 0 : i32
    %dma_wait3A_467 = arith.constant 0 : i32
    %dma_wait3A_468 = tpu.memref_slice %arg2[%dma_wait3A_466, %dma_wait3A_467] : memref<10000x128xf32, #tpu.memory_space<hbm>> -> memref<10000x128xf32, #tpu.memory_space<hbm>>
    tpu.wait_indirect_dma semaphore(%arg17 : memref<!tpu.dma_semaphore, #tpu.memory_space<semaphore_mem>>) src(%dma_wait3A_468 : memref<10000x128xf32, #tpu.memory_space<hbm>>) dst(%arg11 : memref<16x128xf32, #tpu.memory_space<vmem>>)
    %run_scoped3A_469 = arith.constant 1 : i32
    %run_scoped3A_470 = arith.constant 22 : i32
    "tpu.region"() ({
      %run_scoped3A_528 = tpu.sem_alloc : memref<!tpu.dma_semaphore, #tpu.memory_space<semaphore_mem>>
      %dma_start3A_529 = arith.constant 0 : i32
      %dma_start3A_530 = tpu.memref_slice %arg7[%run_scoped3A_469, %run_scoped3A_470, %dma_start3A_529] : memref<2x25x16xi32, #tpu.memory_space<vmem>> -> memref<1x1x16xi32, #tpu.memory_space<vmem>>
      %dma_start3A_531 = tpu.memref_squeeze %dma_start3A_530 : memref<1x1x16xi32, #tpu.memory_space<vmem>> -> memref<16xi32, #tpu.memory_space<vmem>>
      %dma_start3A_532 = arith.constant 0 : i32
      %dma_start3A_533 = arith.constant 0 : i32
      %dma_start3A_534 = tpu.memref_slice %arg14[%dma_start3A_532, %dma_start3A_533] : memref<10240x128xf32, #tpu.memory_space<vmem_shared>> -> memref<10240x128xf32, #tpu.memory_space<vmem_shared>>
      tpu.enqueue_indirect_dma source(%arg11 : memref<16x128xf32, #tpu.memory_space<vmem>>) target(%dma_start3A_534 : memref<10240x128xf32, #tpu.memory_space<vmem_shared>>) offsets(%dma_start3A_531 : memref<16xi32, #tpu.memory_space<vmem>>) semaphore(%run_scoped3A_528 : memref<!tpu.dma_semaphore, #tpu.memory_space<semaphore_mem>>) {add = true}
      %dma_wait3A_535 = arith.constant 0 : i32
      %dma_wait3A_536 = tpu.memref_slice %arg7[%run_scoped3A_469, %run_scoped3A_470, %dma_wait3A_535] : memref<2x25x16xi32, #tpu.memory_space<vmem>> -> memref<1x1x16xi32, #tpu.memory_space<vmem>>
      %dma_wait3A_537 = tpu.memref_squeeze %dma_wait3A_536 : memref<1x1x16xi32, #tpu.memory_space<vmem>> -> memref<16xi32, #tpu.memory_space<vmem>>
      %dma_wait3A_538 = arith.constant 0 : i32
      %dma_wait3A_539 = arith.constant 0 : i32
      %dma_wait3A_540 = tpu.memref_slice %arg14[%dma_wait3A_538, %dma_wait3A_539] : memref<10240x128xf32, #tpu.memory_space<vmem_shared>> -> memref<10240x128xf32, #tpu.memory_space<vmem_shared>>
      tpu.wait_indirect_dma semaphore(%run_scoped3A_528 : memref<!tpu.dma_semaphore, #tpu.memory_space<semaphore_mem>>) src(%arg11 : memref<16x128xf32, #tpu.memory_space<vmem>>) dst(%dma_wait3A_540 : memref<10240x128xf32, #tpu.memory_space<vmem_shared>>)
      tpu.yield
    }) : () -> ()
    %dma_wait3A_471 = arith.constant 1 : i32
    %dma_wait3A_472 = arith.constant 23 : i32
    %dma_wait3A_473 = arith.constant 0 : i32
    %dma_wait3A_474 = tpu.memref_slice %arg8[%dma_wait3A_471, %dma_wait3A_472, %dma_wait3A_473] : memref<2x25x16xi32, #tpu.memory_space<vmem>> -> memref<1x1x16xi32, #tpu.memory_space<vmem>>
    %dma_wait3A_475 = tpu.memref_squeeze %dma_wait3A_474 : memref<1x1x16xi32, #tpu.memory_space<vmem>> -> memref<16xi32, #tpu.memory_space<vmem>>
    %dma_wait3A_476 = arith.constant 0 : i32
    %dma_wait3A_477 = arith.constant 0 : i32
    %dma_wait3A_478 = tpu.memref_slice %arg2[%dma_wait3A_476, %dma_wait3A_477] : memref<10000x128xf32, #tpu.memory_space<hbm>> -> memref<10000x128xf32, #tpu.memory_space<hbm>>
    tpu.wait_indirect_dma semaphore(%arg18 : memref<!tpu.dma_semaphore, #tpu.memory_space<semaphore_mem>>) src(%dma_wait3A_478 : memref<10000x128xf32, #tpu.memory_space<hbm>>) dst(%arg12 : memref<16x128xf32, #tpu.memory_space<vmem>>)
    %run_scoped3A_479 = arith.constant 1 : i32
    %run_scoped3A_480 = arith.constant 23 : i32
    "tpu.region"() ({
      %run_scoped3A_528 = tpu.sem_alloc : memref<!tpu.dma_semaphore, #tpu.memory_space<semaphore_mem>>
      %dma_start3A_529 = arith.constant 0 : i32
      %dma_start3A_530 = tpu.memref_slice %arg7[%run_scoped3A_479, %run_scoped3A_480, %dma_start3A_529] : memref<2x25x16xi32, #tpu.memory_space<vmem>> -> memref<1x1x16xi32, #tpu.memory_space<vmem>>
      %dma_start3A_531 = tpu.memref_squeeze %dma_start3A_530 : memref<1x1x16xi32, #tpu.memory_space<vmem>> -> memref<16xi32, #tpu.memory_space<vmem>>
      %dma_start3A_532 = arith.constant 0 : i32
      %dma_start3A_533 = arith.constant 0 : i32
      %dma_start3A_534 = tpu.memref_slice %arg14[%dma_start3A_532, %dma_start3A_533] : memref<10240x128xf32, #tpu.memory_space<vmem_shared>> -> memref<10240x128xf32, #tpu.memory_space<vmem_shared>>
      tpu.enqueue_indirect_dma source(%arg12 : memref<16x128xf32, #tpu.memory_space<vmem>>) target(%dma_start3A_534 : memref<10240x128xf32, #tpu.memory_space<vmem_shared>>) offsets(%dma_start3A_531 : memref<16xi32, #tpu.memory_space<vmem>>) semaphore(%run_scoped3A_528 : memref<!tpu.dma_semaphore, #tpu.memory_space<semaphore_mem>>) {add = true}
      %dma_wait3A_535 = arith.constant 0 : i32
      %dma_wait3A_536 = tpu.memref_slice %arg7[%run_scoped3A_479, %run_scoped3A_480, %dma_wait3A_535] : memref<2x25x16xi32, #tpu.memory_space<vmem>> -> memref<1x1x16xi32, #tpu.memory_space<vmem>>
      %dma_wait3A_537 = tpu.memref_squeeze %dma_wait3A_536 : memref<1x1x16xi32, #tpu.memory_space<vmem>> -> memref<16xi32, #tpu.memory_space<vmem>>
      %dma_wait3A_538 = arith.constant 0 : i32
      %dma_wait3A_539 = arith.constant 0 : i32
      %dma_wait3A_540 = tpu.memref_slice %arg14[%dma_wait3A_538, %dma_wait3A_539] : memref<10240x128xf32, #tpu.memory_space<vmem_shared>> -> memref<10240x128xf32, #tpu.memory_space<vmem_shared>>
      tpu.wait_indirect_dma semaphore(%run_scoped3A_528 : memref<!tpu.dma_semaphore, #tpu.memory_space<semaphore_mem>>) src(%arg12 : memref<16x128xf32, #tpu.memory_space<vmem>>) dst(%dma_wait3A_540 : memref<10240x128xf32, #tpu.memory_space<vmem_shared>>)
      tpu.yield
    }) : () -> ()
    %dma_wait3A_481 = arith.constant 1 : i32
    %dma_wait3A_482 = arith.constant 24 : i32
    %dma_wait3A_483 = arith.constant 0 : i32
    %dma_wait3A_484 = tpu.memref_slice %arg8[%dma_wait3A_481, %dma_wait3A_482, %dma_wait3A_483] : memref<2x25x16xi32, #tpu.memory_space<vmem>> -> memref<1x1x16xi32, #tpu.memory_space<vmem>>
    %dma_wait3A_485 = tpu.memref_squeeze %dma_wait3A_484 : memref<1x1x16xi32, #tpu.memory_space<vmem>> -> memref<16xi32, #tpu.memory_space<vmem>>
    %dma_wait3A_486 = arith.constant 0 : i32
    %dma_wait3A_487 = arith.constant 0 : i32
    %dma_wait3A_488 = tpu.memref_slice %arg2[%dma_wait3A_486, %dma_wait3A_487] : memref<10000x128xf32, #tpu.memory_space<hbm>> -> memref<10000x128xf32, #tpu.memory_space<hbm>>
    tpu.wait_indirect_dma semaphore(%arg19 : memref<!tpu.dma_semaphore, #tpu.memory_space<semaphore_mem>>) src(%dma_wait3A_488 : memref<10000x128xf32, #tpu.memory_space<hbm>>) dst(%arg13 : memref<16x128xf32, #tpu.memory_space<vmem>>)
    %run_scoped3A_489 = arith.constant 1 : i32
    %run_scoped3A_490 = arith.constant 24 : i32
    "tpu.region"() ({
      %run_scoped3A_528 = tpu.sem_alloc : memref<!tpu.dma_semaphore, #tpu.memory_space<semaphore_mem>>
      %dma_start3A_529 = arith.constant 0 : i32
      %dma_start3A_530 = tpu.memref_slice %arg7[%run_scoped3A_489, %run_scoped3A_490, %dma_start3A_529] : memref<2x25x16xi32, #tpu.memory_space<vmem>> -> memref<1x1x16xi32, #tpu.memory_space<vmem>>
      %dma_start3A_531 = tpu.memref_squeeze %dma_start3A_530 : memref<1x1x16xi32, #tpu.memory_space<vmem>> -> memref<16xi32, #tpu.memory_space<vmem>>
      %dma_start3A_532 = arith.constant 0 : i32
      %dma_start3A_533 = arith.constant 0 : i32
      %dma_start3A_534 = tpu.memref_slice %arg14[%dma_start3A_532, %dma_start3A_533] : memref<10240x128xf32, #tpu.memory_space<vmem_shared>> -> memref<10240x128xf32, #tpu.memory_space<vmem_shared>>
      tpu.enqueue_indirect_dma source(%arg13 : memref<16x128xf32, #tpu.memory_space<vmem>>) target(%dma_start3A_534 : memref<10240x128xf32, #tpu.memory_space<vmem_shared>>) offsets(%dma_start3A_531 : memref<16xi32, #tpu.memory_space<vmem>>) semaphore(%run_scoped3A_528 : memref<!tpu.dma_semaphore, #tpu.memory_space<semaphore_mem>>) {add = true}
      %dma_wait3A_535 = arith.constant 0 : i32
      %dma_wait3A_536 = tpu.memref_slice %arg7[%run_scoped3A_489, %run_scoped3A_490, %dma_wait3A_535] : memref<2x25x16xi32, #tpu.memory_space<vmem>> -> memref<1x1x16xi32, #tpu.memory_space<vmem>>
      %dma_wait3A_537 = tpu.memref_squeeze %dma_wait3A_536 : memref<1x1x16xi32, #tpu.memory_space<vmem>> -> memref<16xi32, #tpu.memory_space<vmem>>
      %dma_wait3A_538 = arith.constant 0 : i32
      %dma_wait3A_539 = arith.constant 0 : i32
      %dma_wait3A_540 = tpu.memref_slice %arg14[%dma_wait3A_538, %dma_wait3A_539] : memref<10240x128xf32, #tpu.memory_space<vmem_shared>> -> memref<10240x128xf32, #tpu.memory_space<vmem_shared>>
      tpu.wait_indirect_dma semaphore(%run_scoped3A_528 : memref<!tpu.dma_semaphore, #tpu.memory_space<semaphore_mem>>) src(%arg13 : memref<16x128xf32, #tpu.memory_space<vmem>>) dst(%dma_wait3A_540 : memref<10240x128xf32, #tpu.memory_space<vmem_shared>>)
      tpu.yield
    }) : () -> ()
    %mul3A_491 = arith.constant 50 : i32
    %mul3A_492 = arith.muli %add3A, %mul3A_491 : i32
    %add3A_493 = arith.constant 50 : i32
    %add3A_494 = arith.addi %mul3A_492, %add3A_493 : i32
    %dma_wait3A_495 = arith.constant 0 : i32
    %dma_wait3A_496 = arith.constant 0 : i32
    %dma_wait3A_497 = arith.constant 0 : i32
    %dma_wait3A_498 = tpu.memref_slice %arg7[%dma_wait3A_495, %dma_wait3A_496, %dma_wait3A_497] : memref<2x25x16xi32, #tpu.memory_space<vmem>> -> memref<1x25x16xi32, #tpu.memory_space<vmem>>
    %dma_wait3A_499 = arith.constant 0 : i32
    %dma_wait3A_500 = arith.constant 0 : i32
    %dma_wait3A_501 = tpu.memref_slice %arg3[%add3A_494, %dma_wait3A_499, %dma_wait3A_500] : memref<801x25x16xi32, #tpu.memory_space<hbm>> -> memref<1x25x16xi32, #tpu.memory_space<hbm>>
    %dma_wait3A_502 = arith.constant 0 : i32
    %dma_wait3A_503 = arith.constant 0 : i32
    %dma_wait3A_504 = arith.constant 0 : i32
    %dma_wait3A_505 = tpu.memref_slice %arg7[%dma_wait3A_502, %dma_wait3A_503, %dma_wait3A_504] : memref<2x25x16xi32, #tpu.memory_space<vmem>> -> memref<1x25x16xi32, #tpu.memory_space<vmem>>
    %dma_wait3A_506 = arith.constant 0 : i32
    %dma_wait3A_507 = arith.constant 0 : i32
    %dma_wait3A_508 = tpu.memref_slice %arg3[%add3A_494, %dma_wait3A_506, %dma_wait3A_507] : memref<801x25x16xi32, #tpu.memory_space<hbm>> -> memref<1x25x16xi32, #tpu.memory_space<hbm>>
    tpu.wait_dma2 semaphore(%arg20 : memref<!tpu.dma_semaphore, #tpu.memory_space<semaphore_mem>>) src(%dma_wait3A_508 : memref<1x25x16xi32, #tpu.memory_space<hbm>>) dst(%dma_wait3A_505 : memref<1x25x16xi32, #tpu.memory_space<vmem>>)
    %dma_wait3A_509 = arith.constant 0 : i32
    %dma_wait3A_510 = arith.constant 0 : i32
    %dma_wait3A_511 = arith.constant 0 : i32
    %dma_wait3A_512 = tpu.memref_slice %arg8[%dma_wait3A_509, %dma_wait3A_510, %dma_wait3A_511] : memref<2x25x16xi32, #tpu.memory_space<vmem>> -> memref<1x25x16xi32, #tpu.memory_space<vmem>>
    %dma_wait3A_513 = arith.constant 0 : i32
    %dma_wait3A_514 = arith.constant 0 : i32
    %dma_wait3A_515 = tpu.memref_slice %arg4[%add3A_494, %dma_wait3A_513, %dma_wait3A_514] : memref<801x25x16xi32, #tpu.memory_space<hbm>> -> memref<1x25x16xi32, #tpu.memory_space<hbm>>
    %dma_wait3A_516 = arith.constant 0 : i32
    %dma_wait3A_517 = arith.constant 0 : i32
    %dma_wait3A_518 = arith.constant 0 : i32
    %dma_wait3A_519 = tpu.memref_slice %arg8[%dma_wait3A_516, %dma_wait3A_517, %dma_wait3A_518] : memref<2x25x16xi32, #tpu.memory_space<vmem>> -> memref<1x25x16xi32, #tpu.memory_space<vmem>>
    %dma_wait3A_520 = arith.constant 0 : i32
    %dma_wait3A_521 = arith.constant 0 : i32
    %dma_wait3A_522 = tpu.memref_slice %arg4[%add3A_494, %dma_wait3A_520, %dma_wait3A_521] : memref<801x25x16xi32, #tpu.memory_space<hbm>> -> memref<1x25x16xi32, #tpu.memory_space<hbm>>
    tpu.wait_dma2 semaphore(%arg21 : memref<!tpu.dma_semaphore, #tpu.memory_space<semaphore_mem>>) src(%dma_wait3A_522 : memref<1x25x16xi32, #tpu.memory_space<hbm>>) dst(%dma_wait3A_519 : memref<1x25x16xi32, #tpu.memory_space<vmem>>)
    %barrier3A_523 = arith.constant 0 : index
    tpu.barrier barrier_id(%barrier3A_523)
    %mul3A_524 = arith.constant 640 : i32
    %mul3A_525 = arith.muli %arg1, %mul3A_524 : i32
    %mul3A_526 = arith.constant 640 : i32
    %mul3A_527 = arith.muli %arg1, %mul3A_526 : i32
    "tpu.region"() ({
      %run_scoped3A_528 = tpu.sem_alloc : memref<!tpu.dma_semaphore, #tpu.memory_space<semaphore_mem>>
      %dma_start3A_529 = arith.constant 0 : i32
      %dma_start3A_530 = tpu.memref_slice %arg6[%arg0, %mul3A_527, %dma_start3A_529] : memref<1x10240x128xf32, #tpu.memory_space<hbm>> -> memref<1x640x128xf32, #tpu.memory_space<hbm>>
      %dma_start3A_531 = tpu.memref_squeeze %dma_start3A_530 : memref<1x640x128xf32, #tpu.memory_space<hbm>> -> memref<640x128xf32, #tpu.memory_space<hbm>>
      %dma_start3A_532 = arith.constant 0 : i32
      %dma_start3A_533 = tpu.memref_slice %arg14[%mul3A_525, %dma_start3A_532] : memref<10240x128xf32, #tpu.memory_space<vmem_shared>> -> memref<640x128xf32, #tpu.memory_space<vmem_shared>>
      tpu.enqueue_dma source(%dma_start3A_533 : memref<640x128xf32, #tpu.memory_space<vmem_shared>>) target(%dma_start3A_531 : memref<640x128xf32, #tpu.memory_space<hbm>>) target_semaphore(%run_scoped3A_528 : memref<!tpu.dma_semaphore, #tpu.memory_space<semaphore_mem>>)
      %dma_wait3A_534 = arith.constant 0 : i32
      %dma_wait3A_535 = tpu.memref_slice %arg6[%arg0, %mul3A_527, %dma_wait3A_534] : memref<1x10240x128xf32, #tpu.memory_space<hbm>> -> memref<1x640x128xf32, #tpu.memory_space<hbm>>
      %dma_wait3A_536 = tpu.memref_squeeze %dma_wait3A_535 : memref<1x640x128xf32, #tpu.memory_space<hbm>> -> memref<640x128xf32, #tpu.memory_space<hbm>>
      %dma_wait3A_537 = arith.constant 0 : i32
      %dma_wait3A_538 = tpu.memref_slice %arg14[%mul3A_525, %dma_wait3A_537] : memref<10240x128xf32, #tpu.memory_space<vmem_shared>> -> memref<640x128xf32, #tpu.memory_space<vmem_shared>>
      tpu.wait_dma2 semaphore(%run_scoped3A_528 : memref<!tpu.dma_semaphore, #tpu.memory_space<semaphore_mem>>) src(%dma_wait3A_538 : memref<640x128xf32, #tpu.memory_space<vmem_shared>>) dst(%dma_wait3A_536 : memref<640x128xf32, #tpu.memory_space<hbm>>)
      tpu.yield
    }) : () -> ()
    return
  }
}

module attributes {stable_mosaic.version = 14 : i64} {
  func.func @_dense_body(%arg0: memref<1x10240x128xf32, #tpu.memory_space<vmem>>, %arg1: memref<10000x1xf32, #tpu.memory_space<vmem>>, %arg2: memref<128x128xf32, #tpu.memory_space<vmem>>, %arg3: memref<128xf32, #tpu.memory_space<vmem>>, %arg4: memref<128xf32, #tpu.memory_space<vmem>>, %arg5: memref<128xf32, #tpu.memory_space<vmem>>, %arg6: memref<1x1xf32, #tpu.memory_space<vmem>>, %arg7: memref<10000x128xf32, #tpu.memory_space<vmem>>) attributes {dimension_semantics = [], scalar_prefetch = 0 : i64, scratch_operands = 0 : i64, tpu.core_type = #tpu.core_type<tc>} {
    %get3A = arith.constant 0 : index
    %get3A_0 = arith.constant 0 : index
    %get3A_1 = vector.load %arg1[%get3A, %get3A_0] : memref<10000x1xf32, #tpu.memory_space<vmem>>, vector<10000x1xf32>
    %get3A_2 = vector.shape_cast %get3A_1 : vector<10000x1xf32> to vector<10000xf32>
    %add3A = arith.constant 9.99999997E-7 : f32
    %add3A_3 = vector.broadcast %add3A : f32 to vector<10000xf32>
    %add3A_4 = arith.addf %get3A_2, %add3A_3 : vector<10000xf32>
    %get3A_5 = arith.constant 0 : index
    %get3A_6 = arith.constant 0 : index
    %get3A_7 = arith.constant 0 : index
    %get3A_8 = vector.load %arg0[%get3A_5, %get3A_6, %get3A_7] : memref<1x10240x128xf32, #tpu.memory_space<vmem>>, vector<1x10000x128xf32>
    %get3A_9 = vector.shape_cast %get3A_8 : vector<1x10000x128xf32> to vector<10000x128xf32>
    %add3A_10 = arith.constant 0.000000e+00 : f32
    %add3A_11 = vector.broadcast %add3A_10 : f32 to vector<10000x128xf32>
    %add3A_12 = arith.addf %add3A_11, %get3A_9 : vector<10000x128xf32>
    %div3A = arith.constant 1.000000e+00 : f32
    %div3A_13 = vector.broadcast %div3A : f32 to vector<10000xf32>
    %div3A_14 = arith.divf %div3A_13, %add3A_4 : vector<10000xf32>
    %broadcast_in_dim3A = vector.shape_cast %div3A_14 : vector<10000xf32> to vector<10000x1xf32>
    %mul3A = vector.broadcast %broadcast_in_dim3A : vector<10000x1xf32> to vector<10000x128xf32>
    %mul3A_15 = arith.mulf %add3A_12, %mul3A : vector<10000x128xf32>
    %get3A_16 = arith.constant 0 : index
    %get3A_17 = arith.constant 0 : index
    %get3A_18 = vector.load %arg2[%get3A_16, %get3A_17] : memref<128x128xf32, #tpu.memory_space<vmem>>, vector<128x128xf32>
    %dot_general3A = arith.constant dense<0.000000e+00> : vector<10000x128xf32>
    %dot_general3A_19 = tpu.matmul %mul3A_15, %get3A_18, %dot_general3A {dimension_numbers = #tpu.dot_dimension_numbers<[1], [1], [0], [0], [0, 0, 1, 0], [], []>, transpose_lhs_hint = false} : vector<10000x128xf32>, vector<128x128xf32>, vector<10000x128xf32> -> vector<10000x128xf32>
    %get3A_20 = arith.constant 0 : index
    %get3A_21 = vector.load %arg3[%get3A_20] : memref<128xf32, #tpu.memory_space<vmem>>, vector<128xf32>
    %broadcast_in_dim3A_22 = vector.shape_cast %get3A_21 : vector<128xf32> to vector<1x128xf32>
    %add3A_23 = vector.broadcast %broadcast_in_dim3A_22 : vector<1x128xf32> to vector<10000x128xf32>
    %add3A_24 = arith.addf %dot_general3A_19, %add3A_23 : vector<10000x128xf32>
    %reduce_sum3A = arith.constant dense<0.000000e+00> : vector<128xf32>
    %reduce_sum3A_25 = vector.multi_reduction <add>, %add3A_24, %reduce_sum3A [0] : vector<10000x128xf32> to vector<128xf32>
    %div3A_26 = arith.constant 1.000000e+04 : f32
    %div3A_27 = vector.broadcast %div3A_26 : f32 to vector<128xf32>
    %div3A_28 = arith.divf %reduce_sum3A_25, %div3A_27 : vector<128xf32>
    %mul3A_29 = arith.mulf %add3A_24, %add3A_24 : vector<10000x128xf32>
    %reduce_sum3A_30 = arith.constant dense<0.000000e+00> : vector<128xf32>
    %reduce_sum3A_31 = vector.multi_reduction <add>, %mul3A_29, %reduce_sum3A_30 [0] : vector<10000x128xf32> to vector<128xf32>
    %div3A_32 = arith.constant 1.000000e+04 : f32
    %div3A_33 = vector.broadcast %div3A_32 : f32 to vector<128xf32>
    %div3A_34 = arith.divf %reduce_sum3A_31, %div3A_33 : vector<128xf32>
    %mul3A_35 = arith.mulf %div3A_28, %div3A_28 : vector<128xf32>
    %sub3A = arith.subf %div3A_34, %mul3A_35 : vector<128xf32>
    %broadcast_in_dim3A_36 = vector.shape_cast %div3A_28 : vector<128xf32> to vector<1x128xf32>
    %sub3A_37 = vector.broadcast %broadcast_in_dim3A_36 : vector<1x128xf32> to vector<10000x128xf32>
    %sub3A_38 = arith.subf %add3A_24, %sub3A_37 : vector<10000x128xf32>
    %add3A_39 = arith.constant 9.99999974E-6 : f32
    %add3A_40 = vector.broadcast %add3A_39 : f32 to vector<128xf32>
    %add3A_41 = arith.addf %sub3A, %add3A_40 : vector<128xf32>
    %rsqrt3A = math.rsqrt %add3A_41 : vector<128xf32>
    %broadcast_in_dim3A_42 = vector.shape_cast %rsqrt3A : vector<128xf32> to vector<1x128xf32>
    %mul3A_43 = vector.broadcast %broadcast_in_dim3A_42 : vector<1x128xf32> to vector<10000x128xf32>
    %mul3A_44 = arith.mulf %sub3A_38, %mul3A_43 : vector<10000x128xf32>
    %get3A_45 = arith.constant 0 : index
    %get3A_46 = vector.load %arg4[%get3A_45] : memref<128xf32, #tpu.memory_space<vmem>>, vector<128xf32>
    %broadcast_in_dim3A_47 = vector.shape_cast %get3A_46 : vector<128xf32> to vector<1x128xf32>
    %mul3A_48 = vector.broadcast %broadcast_in_dim3A_47 : vector<1x128xf32> to vector<10000x128xf32>
    %mul3A_49 = arith.mulf %mul3A_44, %mul3A_48 : vector<10000x128xf32>
    %get3A_50 = arith.constant 0 : index
    %get3A_51 = vector.load %arg5[%get3A_50] : memref<128xf32, #tpu.memory_space<vmem>>, vector<128xf32>
    %broadcast_in_dim3A_52 = vector.shape_cast %get3A_51 : vector<128xf32> to vector<1x128xf32>
    %add3A_53 = vector.broadcast %broadcast_in_dim3A_52 : vector<1x128xf32> to vector<10000x128xf32>
    %add3A_54 = arith.addf %mul3A_49, %add3A_53 : vector<10000x128xf32>
    %max3A = arith.constant 0.000000e+00 : f32
    %max3A_55 = vector.broadcast %max3A : f32 to vector<10000x128xf32>
    %max3A_56 = arith.maximumf %add3A_54, %max3A_55 : vector<10000x128xf32>
    %get3A_57 = arith.constant 0 : index
    %get3A_58 = arith.constant 0 : index
    %get3A_59 = vector.load %arg6[%get3A_57, %get3A_58] : memref<1x1xf32, #tpu.memory_space<vmem>>, vector<1x1xf32>
    %get3A_60 = vector.extract %get3A_59[0, 0] : f32 from vector<1x1xf32>
    %mul3A_61 = vector.broadcast %get3A_60 : f32 to vector<10000x128xf32>
    %mul3A_62 = arith.mulf %mul3A_61, %max3A_56 : vector<10000x128xf32>
    %sub3A_63 = arith.constant 1.000000e+00 : f32
    %sub3A_64 = arith.subf %sub3A_63, %get3A_60 : f32
    %mul3A_65 = vector.broadcast %sub3A_64 : f32 to vector<10000x128xf32>
    %mul3A_66 = arith.mulf %mul3A_65, %add3A_24 : vector<10000x128xf32>
    %add3A_67 = arith.addf %mul3A_62, %mul3A_66 : vector<10000x128xf32>
    %swap3A = arith.constant 0 : index
    %swap3A_68 = arith.constant 0 : index
    %swap3A_69 = vector.load %arg7[%swap3A, %swap3A_68] : memref<10000x128xf32, #tpu.memory_space<vmem>>, vector<10000x128xf32>
    tpu.vector_store %arg7[%swap3A, %swap3A_68], %add3A_67 {strides = array<i32>} : memref<10000x128xf32, #tpu.memory_space<vmem>>, vector<10000x128xf32>,
    return
  }
}

</mosaic_0001>

<sc_bundles>
// kernel: closed_call.13.cloned.1.call-start
scs
__scs_entry_jumppad:
0x0: {  	(pc) =	sbr.rel $0x88, $3  }
0x1: {  	(tag) =	ssettag $0x0;
	lr =	simm.s32 $0x1  }
0x2: {  	[smem:$0x3F95] =	sst lr;
	_ =	strace $0xD0000000  }
0x3: {  	_ = 	snop  }
0x4: {  	_ = 	snop  }
0x5: {  	_ = 	snop  }
0x6: {  	_ = 	snop  }
0x7: {  	_ = 	snop  }
__scs_overlays_trampoline_lowered:
0x8: {  	[smem:$0x3FA4] =	sst s0  }
0x9: {  	[smem:$0x3FA5] =	sst s1  }
0xa: {  	[smem:$0x3FA6] =	sst s2  }
0xb: {  	[smem:$0x3FA7] =	sst s3  }
0xc: {  	[smem:$0x3FA8] =	sst s4  }
0xd: {  	[smem:$0x3FA9] =	sst s5  }
0xe: {  	[smem:$0x3FAA] =	sst s6  }
0xf: {  	[smem:$0x3FAB] =	sst s7  }
0x10: {  	[smem:$0x3FAC] =	sst s8  }
0x11: {  	[smem:$0x3FAD] =	sst s9;
	s0 =	simm.s32 @!p0 $0x0  }
0x12: {  	s1 =	sld [smem:$0x3F93];
	s0 =	simm.s32 @p0 $0x1  }
0x13: {  	[smem:$0x3FAE] =	sst s0;
	s0 =	simm.s32 @!p1 $0x0  }
0x14: {  	s2 =	sld [smem:$0x3F92];
	s0 =	simm.s32 @p1 $0x1  }
0x15: {  	[smem:$0x3FAF] =	sst s0;
	s0 =	simm.s32 @!p2 $0x0  }
0x16: {  	s3 =	sld [smem:$0x3FDB];
	s0 =	simm.s32 @p2 $0x1  }
0x17: {  	s4 =	simm.s32 $0x1BF5;
	[smem:$0x3FB1] =	sst s0  }
0x18: {  	s0 =	sld [smem:$0x3F94];
	_ =	swait.ge [sflag:s4], $0x0  }
0x19: {  	s7 =	sld [smem:$0x3F95]  }
0x1a: {  	s8 =	sadd.s32 $0xFFFFE003, lr  }
0x1b: {  	s9 =	sadd.s32 $0xFFFFFEF7, lr;
	s5 =	simm.s32 $0xFFFFFFFF;
	p2 =	slt.u32 s8, $0xFFFFF086  }
0x1c: {  	p1 =	slt.u32 s9, $0xF7A;
	s5 =	simm.s32 @!p2 $0x0  }
0x1d: {  	s5 =	simm.s32 @p1 $0x1;
	p0 =	seq.s32 s7, s2  }
0x1e: {  	s7 =	smul.u32 @!p0 $0xF7A, s2;
	p2 =	seq.s32 @!p0 s5, $0x0  }
0x1f: {  	s9 =	smul.u32 $0xF7A, s1;
	s8 =	simm.s32 @!p0 $0x1BF5;
	p2 =	por !p2, p0  }
0x20: {  	[sflag:s8] =	ssyncset.s32 @!p0 $0xFFFFF086;
	s6 =	sadd.s32 @!p0 s3, s7;
	s7 =	simm.s32 @!p0 $0x108  }
0x21: {  	s3 =	sadd.s32 s3, s9;
	s6 =	sadd.s32 @!p0 $0x88, s6;
	s7 =	simm.s32 @p2 $0x1082  }
0x22: {  	[simem:s7], [sflag:s8] =	dma.local @!p0 [hbm:s6], $0xF7A  }
0x23: {  	s9 =	sor.u32 $0xD0000000, s2;
	s6 =	simm.s32 $0x108;
	_ =	swait.ge @!p0 [sflag:s8], $0x0  }
0x24: {  	s3 =	sadd.s32 $0x88, s3;
	s6 =	simm.s32 @!p1 $0x1082;
	[sflag:s4] =	ssyncset.s32 $0xFFFFF086  }
0x25: {  	[simem:s6], [sflag:s4] =	dma.local [hbm:s3], $0xF7A  }
0x26: {  	[smem:$0x3F95] =	sst s1;
	(tag) =	ssettag s2;
	_ =	strace s9  }
0x27: {  	s1 =	sld [smem:$0x3FA5]  }
0x28: {  	s2 =	sld [smem:$0x3FA6]  }
0x29: {  	s4 =	sld [smem:$0x3FA8]  }
0x2a: {  	p0 =	seq.s32 s5, $0x0;
	s5 =	sld [smem:$0x3FA9]  }
0x2b: {  	s6 =	sld [smem:$0x3FAA]  }
0x2c: {  	s7 =	sld [smem:$0x3FAB]  }
0x2d: {  	s3 =	simm.s32 $0x108;
	s8 =	sld [smem:$0x3FAC]  }
0x2e: {  	s3 =	simm.s32 @!p0 $0x1082;
	s9 =	sld [smem:$0x3FAD]  }
0x2f: {  	lr =	sadd.s32 s0, s3;
	s0 =	sld [smem:$0x3FA4]  }
0x30: {  	s3 =	sld [smem:$0x3FA7]  }
0x31: {  	[smem:$0x3FB0] =	sst s10  }
0x32: {  	s10 =	sld [smem:$0x3FAE];
	_ =	sdelay $0x3  }
0x33: {  	p0 =	seq.s32 s10, $0x1;
	s10 =	sld [smem:$0x3FB0];
	_ =	sdelay $0x3  }
0x34: {  	[smem:$0x3FB0] =	sst s10  }
0x35: {  	s10 =	sld [smem:$0x3FAF];
	_ =	sdelay $0x3  }
0x36: {  	p1 =	seq.s32 s10, $0x1;
	s10 =	sld [smem:$0x3FB0];
	_ =	sdelay $0x3  }
0x37: {  	[smem:$0x3FB0] =	sst s10  }
0x38: {  	s10 =	sld [smem:$0x3FB1]  }
0x39: {  	_ = 	snop;
	(pc) =	sbr.ind lr, $3  }
0x3a: {  	_ = 	snop  }
0x3b: {  	_ = 	snop  }
0x3c: {  	p2 =	seq.s32 s10, $0x1;
	s10 =	sld [smem:$0x3FB0]  }
0x3d: {  	_ =	shalt  }
0x3e: {  	_ =	shalt  }
0x3f: {  	_ =	shalt  }
0x40: {  	_ =	shalt  }
0x41: {  	_ =	shalt  }
0x42: {  	_ =	shalt  }
0x43: {  	_ =	shalt  }
0x44: {  	_ =	shalt  }
0x45: {  	_ =	shalt  }
0x46: {  	_ =	shalt  }
0x47: {  	_ =	shalt  }
0x48: {  	_ =	shalt  }
0x49: {  	_ =	shalt  }
0x4a: {  	_ =	shalt  }
0x4b: {  	_ =	shalt  }
0x4c: {  	_ =	shalt  }
0x4d: {  	_ =	shalt  }
0x4e: {  	_ =	shalt  }
0x4f: {  	_ =	shalt  }
0x50: {  	_ =	shalt  }
0x51: {  	_ =	shalt  }
0x52: {  	_ =	shalt  }
0x53: {  	_ =	shalt  }
0x54: {  	_ =	shalt  }
0x55: {  	_ =	shalt  }
0x56: {  	_ =	shalt  }
0x57: {  	_ =	shalt  }
0x58: {  	_ =	shalt  }
0x59: {  	_ =	shalt  }
0x5a: {  	_ =	shalt  }
0x5b: {  	_ =	shalt  }
0x5c: {  	_ =	shalt  }
0x5d: {  	_ =	shalt  }
0x5e: {  	_ =	shalt  }
0x5f: {  	_ =	shalt  }
0x60: {  	_ =	shalt  }
0x61: {  	_ =	shalt  }
0x62: {  	_ =	shalt  }
0x63: {  	_ =	shalt  }
0x64: {  	_ =	shalt  }
0x65: {  	_ =	shalt  }
0x66: {  	_ =	shalt  }
0x67: {  	_ =	shalt  }
0x68: {  	_ =	shalt  }
0x69: {  	_ =	shalt  }
0x6a: {  	_ =	shalt  }
0x6b: {  	_ =	shalt  }
0x6c: {  	_ =	shalt  }
0x6d: {  	_ =	shalt  }
0x6e: {  	_ =	shalt  }
0x6f: {  	_ =	shalt  }
0x70: {  	_ =	shalt  }
0x71: {  	_ =	shalt  }
0x72: {  	_ =	shalt  }
0x73: {  	_ =	shalt  }
0x74: {  	_ =	shalt  }
0x75: {  	_ =	shalt  }
0x76: {  	_ =	shalt  }
0x77: {  	_ =	shalt  }
0x78: {  	_ =	shalt  }
0x79: {  	_ =	shalt  }
0x7a: {  	_ =	shalt  }
0x7b: {  	_ =	shalt  }
0x7c: {  	_ =	shalt  }
0x7d: {  	_ =	shalt  }
0x7e: {  	_ =	shalt  }
0x7f: {  	_ =	shalt  }
0x80: {  	_ =	shalt  }
0x81: {  	_ =	shalt  }
0x82: {  	_ =	shalt  }
0x83: {  	_ =	shalt  }
0x84: {  	_ =	shalt  }
0x85: {  	_ =	shalt  }
0x86: {  	_ =	shalt  }
0x87: {  	_ =	shalt  }
.Lfunc_end0:
.L_simem_size_0:
called_computation_lowered:
.L_overlay_start_0:
0x88: {  	s0 =	sld [smem:$0x3FD9]  }
0x89: {  	s1 =	sld [smem:$0x3FFE];
	_ =	sdelay $0x3  }
0x8a: {  	s0 =	sadd.s32 s1, s0  }
0x8b: {  	[smem:$0x3FBC] =	sst s0  }
0x8c: {  	_ = 	snop  }
0x8d: {  	s0 =	sld [smem:$0x3FD0];
	(tm) =	ssettm $0x1  }
0x8e: {  	s16 =	sld [smem:$0x3FFB];
	_ =	sdelay $0x3  }
0x8f: {  	_ =	strace s16  }
0x90: {  	s1 =	sld [smem:$0x3FFC];
	_ =	sdelay $0x3  }
0x91: {  	_ =	strace s1  }
0x92: {  	s1 =	sld [smem:$0x3FFD];
	_ =	sdelay $0x3  }
0x93: {  	_ =	strace s1  }
0x94: {  	_ =	strace $0x8FFFFFFF  }
0x95: {  	s17 =	sld [smem:$0x3FDB];
	_ =	sdelay $0x1  }
0x96: {  	s2 =	simm.s32 $_scs_section_size  }
0x97: {  	s3 =	simm.s32 $_size__tile_overlayer_lowered;
	s4 =	simm.s32 $_tile_overlayer_lowered  }
0x98: {  	s20 =	simm.s32 $0x1BFF;
	s19 =	sshll.u32 s4, $0x1;
	s1 =	sadd.s32 s2, s17  }
0x99: {  	s5 =	simm.s32 $0x0;
	s18 =	sshll.u32 s3, $0x1;
	s3 =	sadd.s32 s19, s1  }
0x9a: {  	[timem:s5], [sflag:s20] =	dma.local [hbm:s3], s18  }
0x9b: {  	_ =	swait.ge [sflag:s20], s18  }
0x9c: {  	s2 =	ssub.s32 $0x0, s18;
	[sflag:s20] =	ssyncset.done $0x0  }
0x9d: {  	[sflag:s20] =	ssyncadd.s32 s2;
	_ =	sdelay $0x1  }
0x9e: {  	s21 =	simm.s32 $0x1B8B  }
0x9f: {  	_ =	swait.ge [sflag:s21], $0x1  }
0xa0: {  	[sflag:s21] =	ssyncset.done $0x0  }
0xa1: {  	s23 =	simm.s32 $0x1B8E;
	s22 =	sld [smem:$0x3FFE];
	[sflag:s21] =	ssyncadd.s32 $0xFFFFFFFF  }
0xa2: {  	s24 =	simm.s32 $execute0_lowered;
	[smem:$0x3FD2] =	sst s23  }
0xa3: {  	s3 =	sshll.u32 s24, $0x1;
	_ =	strace $0x80000046;
	[dreg:$0x1] =	wrdreg $0xFFFFFFFF  }
0xa4: {  	s25 =	simm.s32 $_size_execute0_lowered;
	s1 =	sadd.s32 s1, s3;
	[dreg:$0x0] =	wrdreg $0x0  }
0xa5: {  	s3 =	sshll.u32 s25, $0x1;
	[dreg:$0x2] =	wrdreg s1  }
0xa6: {  	[dreg:$0x3] =	wrdreg s3  }
0xa7: {  	[dreg:$0x4] =	wrdreg $0xC0  }
0xa8: {  	_ =	task [dreg:s5], $0x5FFFF  }
0xa9: {  	[dreg:$0x1] =	wrdreg $0xFFFFFFFF  }
0xaa: {  	[dreg:$0x0] =	wrdreg $0x60  }
0xab: {  	[dreg:$0x2] =	wrdreg s0  }
0xac: {  	[dreg:$0x3] =	wrdreg s22  }
0xad: {  	[dreg:$0x4] =	wrdreg $0x68000  }
0xae: {  	[dreg:$0x5] =	wrdreg $0x9  }
0xaf: {  	_ =	task.clear_ibuf [dreg:s5], $0x6FFFF;
	_ =	strace $0x90000046  }
0xb0: {  	s26 =	simm.s32 $0x9;
	_ =	strace $0x80000048  }
0xb1: {  	_ =	swait.ge [sflag:s26], $0x1  }
0xb2: {  	[sflag:s26] =	ssyncadd.s32 $0xFFFFFFFF  }
0xb3: {  	_ =	strace $0x90000048  }
0xb4: {  	_ =	sfence  }
0xb5: {  	s28 =	sld [smem:$0x0];
	_ =	sdelay $0x1  }
0xb6: {  	s29 =	srdreg.scid  }
0xb7: {  	s30 =	sshll.u32 s29, $0xD;
	s31 =	sshrl.u32 s29, $0x2  }
0xb8: {  	s2 =	sand.u32 $0x4000, s30;
	s1 =	sand.u32 $0x1, s29;
	s0 =	sadd.s32 s31, s28  }
0xb9: {  	s1 =	sor.u32 s2, s1;
	s0 =	sshll.u32 s0, $0x11  }
0xba: {  	s0 =	sor.u32 s0, s1  }
0xbb: {  	s0 =	sadd.s32 $0x8F2B, s0  }
0xbc: {  	[sflag:s0] =	ssyncadd.remote.s32 $0x1  }
0xbd: {  	_ =	sfence.sel $0xFFFF  }
0xbe: {  	[dreg:$0x0] =	wrdreg $0xFFFFFFFF;
	(pc) =	sbr.abs _section_cstart, $3  }
0xbf: {  	[dreg:$0x1] =	wrdreg $0xFFFFFFFF  }
0xc0: {  	_ =	task.clear_ibuf [dreg:s5], $0x2FFFF;
	_ =	strace $0x9FFFFFFF  }
0xc1: {  	(tm) =	ssettm $0x7FFFFFFF  }
tec
execute0_lowered:
.L_overlay_start_1:
0x0: {  	(tag) =	ssettag $0x1  }
0x1: {  	s5 =	rddreg [dreg:$0x0]  }
0x2: {  	s15 =	rddreg [dreg:$0x1];
	s0 =	stileid.u32  }
0x3: {  	s4 =	rddreg [dreg:$0x2];
	s2 =	smul.u32 $0x50000, s0  }
0x4: {  	s1 =	rddreg [dreg:$0x3];
	s6 =	simm.s32 $0x0  }
0x5: {  	[smem:$0x7FF] =	sst s6;
	s2 =	sshrl.u32 s2, $0x2  }
0x6: {  	s20 =	sshll.u32 s0, $0x6;
	s7 =	sadd.s32 $0xF7000, s15;
	s3 =	sadd.s32 s2, s4  }
0x7: {  	_ =	strace $0x80000047;
	s2 =	sor.u32 $0x1C08, s20;
	s3 =	sshrl.u32 s3, $0x3  }
0x8: {  	[spmem:s3], [sflag:s2] =	dma.local [hbm:s7], $0x2800  }
0x9: {  	s7 =	simm.s32 $0x8  }
0xa: {  	_ =	swait.ge [sflag:s7], $0x2800  }
0xb: {  	s8 =	smul.u32 $0x6400, s0;
	[sflag:s7] =	ssyncset.done $0x0  }
0xc: {  	s9 =	sadd.s32 $0x2EC00, s15;
	[sflag:s7] =	ssyncadd.s32 $0xFFFFD800  }
0xd: {  	s22 =	sadd.s32 s9, s8;
	[bflag:$0x0] =	sbarrier.arrive $0xFFFF  }
0xe: {  	[tilespmem:s6], [sflag:$0x8] =	stream.linear.gather [hbm4b:s22+s6], $0xC80, $0x38;
	[tilespmem:$0x1A800] =	vst v63  }
0xf: {  	_ =	swait.ge [sflag:s7], $0xC80  }
0x10: {  	s10 =	sadd.s32 $0x92E00, s15;
	[sflag:s7] =	ssyncset.done $0x0  }
0x11: {  	s11 =	simm.s32 $0x2000;
	s23 =	sadd.s32 s10, s8;
	[sflag:s7] =	ssyncadd.s32 $0xFFFFF380  }
0x12: {  	[tilespmem:s11], [sflag:$0x8] =	stream.linear.gather [hbm4b:s23+s6], $0xC80, $0x38;
	[tilespmem:$0x1A800] =	vst v63  }
0x13: {  	_ =	swait.ge [sflag:s7], $0xC80  }
0x14: {  	s8 =	sor.u32 $0x200, s8;
	[sflag:s7] =	ssyncset.done $0x0  }
0x15: {  	s25 =	simm.s32 $0x1000;
	s9 =	sadd.s32 s9, s8;
	[sflag:s7] =	ssyncadd.s32 $0xFFFFF380  }
0x16: {  	[tilespmem:s25], [sflag:$0x6] =	stream.linear.gather [hbm4b:s9+s6], $0xC80, $0x38;
	[tilespmem:$0x1A800] =	vst v63  }
0x17: {  	s21 =	simm.s32 $0x3000;
	s8 =	sadd.s32 s10, s8  }
0x18: {  	[tilespmem:s21], [sflag:$0x7] =	stream.linear.gather [hbm4b:s8+s6], $0xC80, $0x38;
	[tilespmem:$0x1A800] =	vst v63  }
0x19: {  	s9 =	simm.s32 $0x4000;
	s8 =	simm.s32 $0x10  }
0x1a: {  	[tilespmem:s9], [sflag:$0x1] =	stream.indirect.gather [hbm4b:s5+s8], $0x80, s11, s8, $0xb8;
	[tilespmem:$0x1A800] =	vst v63  }
0x1b: {  	s24 =	simm.s32 $0x2080;
	s10 =	simm.s32 $0x4800  }
0x1c: {  	[tilespmem:s10], [sflag:$0x2] =	stream.indirect.gather [hbm4b:s5+s8], $0x80, s24, s8, $0xb8;
	[tilespmem:$0x1A800] =	vst v63  }
0x1d: {  	s12 =	simm.s32 $0x2100;
	s11 =	simm.s32 $0x5000  }
0x1e: {  	[tilespmem:s11], [sflag:$0x3] =	stream.indirect.gather [hbm4b:s5+s8], $0x80, s12, s8, $0xb8;
	[tilespmem:$0x1A800] =	vst v63  }
0x1f: {  	s13 =	simm.s32 $0x2180;
	s12 =	simm.s32 $0x5800  }
0x20: {  	[tilespmem:s12], [sflag:$0x4] =	stream.indirect.gather [hbm4b:s5+s8], $0x80, s13, s8, $0xb8;
	[tilespmem:$0x1A800] =	vst v63  }
0x21: {  	s14 =	simm.s32 $0x2200;
	s13 =	simm.s32 $0x6000  }
0x22: {  	[tilespmem:s13], [sflag:$0x5] =	stream.indirect.gather [hbm4b:s5+s8], $0x80, s14, s8, $0xb8;
	[tilespmem:$0x1A800] =	vst v63  }
0x23: {  	s14 =	simm.s32 $0x1  }
0x24: {  	_ =	swait.ge [sflag:s14], $0x800  }
0x25: {  	s16 =	simm.s32 $0x0;
	[sflag:s14] =	ssyncset.done $0x0  }
0x26: {  	s24 =	sand.u32 $0x1000, s16;
	[sflag:s14] =	ssyncadd.s32 $0xFFFFF800  }
0x27: {  	[spmem:s4] =	stream.indirect.scatter.add.f32 [tilespmem:s9], [sflag:$0x8], $0x80, s24, s8, $0xb8;
	[tilespmem:$0x1A800] =	vst v63  }
0x28: {  	_ =	swait.ge [sflag:s7], $0x800  }
0x29: {  	[sflag:s7] =	ssyncset.done $0x0  }
0x2a: {  	s16 =	simm.s32 $0x2;
	s17 =	sor.u32 $0x2280, s24;
	[sflag:s7] =	ssyncadd.s32 $0xFFFFF800  }
0x2b: {  	[tilespmem:s9], [sflag:$0x1] =	stream.indirect.gather [hbm4b:s5+s8], $0x80, s17, s8, $0xb8;
	[tilespmem:$0x1A800] =	vst v63  }
0x2c: {  	_ =	swait.ge [sflag:s16], $0x800  }
0x2d: {  	[sflag:s16] =	ssyncset.done $0x0  }
0x2e: {  	s26 =	sor.u32 $0x80, s24;
	[sflag:s16] =	ssyncadd.s32 $0xFFFFF800  }
0x2f: {  	[spmem:s4] =	stream.indirect.scatter.add.f32 [tilespmem:s10], [sflag:$0x8], $0x80, s26, s8, $0xb8;
	[tilespmem:$0x1A800] =	vst v63  }
0x30: {  	_ =	swait.ge [sflag:s7], $0x800  }
0x31: {  	[sflag:s7] =	ssyncset.done $0x0  }
0x32: {  	s18 =	sor.u32 $0x2300, s24;
	s17 =	simm.s32 $0x3;
	[sflag:s7] =	ssyncadd.s32 $0xFFFFF800  }
0x33: {  	[tilespmem:s10], [sflag:$0x2] =	stream.indirect.gather [hbm4b:s5+s8], $0x80, s18, s8, $0xb8;
	[tilespmem:$0x1A800] =	vst v63  }
0x34: {  	_ =	swait.ge [sflag:s17], $0x800  }
0x35: {  	[sflag:s17] =	ssyncset.done $0x0  }
0x36: {  	s28 =	sor.u32 $0x100, s24;
	[sflag:s17] =	ssyncadd.s32 $0xFFFFF800  }
0x37: {  	[spmem:s4] =	stream.indirect.scatter.add.f32 [tilespmem:s11], [sflag:$0x8], $0x80, s28, s8, $0xb8;
	[tilespmem:$0x1A800] =	vst v63  }
0x38: {  	_ =	swait.ge [sflag:s7], $0x800  }
0x39: {  	[sflag:s7] =	ssyncset.done $0x0  }
0x3a: {  	s19 =	sor.u32 $0x2380, s24;
	s18 =	simm.s32 $0x4;
	[sflag:s7] =	ssyncadd.s32 $0xFFFFF800  }
0x3b: {  	[tilespmem:s11], [sflag:$0x3] =	stream.indirect.gather [hbm4b:s5+s8], $0x80, s19, s8, $0xb8;
	[tilespmem:$0x1A800] =	vst v63  }
0x3c: {  	_ =	swait.ge [sflag:s18], $0x800  }
0x3d: {  	[sflag:s18] =	ssyncset.done $0x0  }
0x3e: {  	s29 =	sor.u32 $0x180, s24;
	[sflag:s18] =	ssyncadd.s32 $0xFFFFF800  }
0x3f: {  	[spmem:s4] =	stream.indirect.scatter.add.f32 [tilespmem:s12], [sflag:$0x8], $0x80, s29, s8, $0xb8;
	[tilespmem:$0x1A800] =	vst v63  }
0x40: {  	_ =	swait.ge [sflag:s7], $0x800  }
0x41: {  	[sflag:s7] =	ssyncset.done $0x0  }
0x42: {  	s20 =	sor.u32 $0x2400, s24;
	s19 =	simm.s32 $0x5;
	[sflag:s7] =	ssyncadd.s32 $0xFFFFF800  }
0x43: {  	[tilespmem:s12], [sflag:$0x4] =	stream.indirect.gather [hbm4b:s5+s8], $0x80, s20, s8, $0xb8;
	[tilespmem:$0x1A800] =	vst v63  }
0x44: {  	_ =	swait.ge [sflag:s19], $0x800  }
0x45: {  	[sflag:s19] =	ssyncset.done $0x0  }
0x46: {  	s30 =	sor.u32 $0x200, s24;
	[sflag:s19] =	ssyncadd.s32 $0xFFFFF800  }
0x47: {  	[spmem:s4] =	stream.indirect.scatter.add.f32 [tilespmem:s13], [sflag:$0x8], $0x80, s30, s8, $0xb8;
	[tilespmem:$0x1A800] =	vst v63  }
0x48: {  	_ =	swait.ge [sflag:s7], $0x800  }
0x49: {  	[sflag:s7] =	ssyncset.done $0x0  }
0x4a: {  	s31 =	sor.u32 $0x2480, s24;
	[sflag:s7] =	ssyncadd.s32 $0xFFFFF800  }
0x4b: {  	[tilespmem:s13], [sflag:$0x5] =	stream.indirect.gather [hbm4b:s5+s8], $0x80, s31, s8, $0xb8;
	[tilespmem:$0x1A800] =	vst v63  }
0x4c: {  	_ =	swait.ge [sflag:s14], $0x800  }
0x4d: {  	[sflag:s14] =	ssyncset.done $0x0  }
0x4e: {  	s21 =	sor.u32 $0x280, s24;
	[sflag:s14] =	ssyncadd.s32 $0xFFFFF800  }
0x4f: {  	[spmem:s4] =	stream.indirect.scatter.add.f32 [tilespmem:s9], [sflag:$0x8], $0x80, s21, s8, $0xb8;
	[tilespmem:$0x1A800] =	vst v63  }
0x50: {  	_ =	swait.ge [sflag:s7], $0x800  }
0x51: {  	[sflag:s7] =	ssyncset.done $0x0  }
0x52: {  	s26 =	sor.u32 $0x2500, s24;
	[sflag:s7] =	ssyncadd.s32 $0xFFFFF800  }
0x53: {  	[tilespmem:s9], [sflag:$0x1] =	stream.indirect.gather [hbm4b:s5+s8], $0x80, s26, s8, $0xb8;
	[tilespmem:$0x1A800] =	vst v63  }
0x54: {  	_ =	swait.ge [sflag:s16], $0x800  }
0x55: {  	[sflag:s16] =	ssyncset.done $0x0  }
0x56: {  	s28 =	sor.u32 $0x300, s24;
	[sflag:s16] =	ssyncadd.s32 $0xFFFFF800  }
0x57: {  	[spmem:s4] =	stream.indirect.scatter.add.f32 [tilespmem:s10], [sflag:$0x8], $0x80, s28, s8, $0xb8;
	[tilespmem:$0x1A800] =	vst v63  }
0x58: {  	_ =	swait.ge [sflag:s7], $0x800  }
0x59: {  	[sflag:s7] =	ssyncset.done $0x0  }
0x5a: {  	s29 =	sor.u32 $0x2580, s24;
	[sflag:s7] =	ssyncadd.s32 $0xFFFFF800  }
0x5b: {  	[tilespmem:s10], [sflag:$0x2] =	stream.indirect.gather [hbm4b:s5+s8], $0x80, s29, s8, $0xb8;
	[tilespmem:$0x1A800] =	vst v63  }
0x5c: {  	_ =	swait.ge [sflag:s17], $0x800  }
0x5d: {  	[sflag:s17] =	ssyncset.done $0x0  }
0x5e: {  	s30 =	sor.u32 $0x380, s24;
	[sflag:s17] =	ssyncadd.s32 $0xFFFFF800  }
0x5f: {  	[spmem:s4] =	stream.indirect.scatter.add.f32 [tilespmem:s11], [sflag:$0x8], $0x80, s30, s8, $0xb8;
	[tilespmem:$0x1A800] =	vst v63  }
0x60: {  	_ =	swait.ge [sflag:s7], $0x800  }
0x61: {  	[sflag:s7] =	ssyncset.done $0x0  }
0x62: {  	s31 =	sor.u32 $0x2600, s24;
	[sflag:s7] =	ssyncadd.s32 $0xFFFFF800  }
0x63: {  	[tilespmem:s11], [sflag:$0x3] =	stream.indirect.gather [hbm4b:s5+s8], $0x80, s31, s8, $0xb8;
	[tilespmem:$0x1A800] =	vst v63  }
0x64: {  	_ =	swait.ge [sflag:s18], $0x800  }
0x65: {  	[sflag:s18] =	ssyncset.done $0x0  }
0x66: {  	s21 =	sor.u32 $0x400, s24;
	[sflag:s18] =	ssyncadd.s32 $0xFFFFF800  }
0x67: {  	[spmem:s4] =	stream.indirect.scatter.add.f32 [tilespmem:s12], [sflag:$0x8], $0x80, s21, s8, $0xb8;
	[tilespmem:$0x1A800] =	vst v63  }
0x68: {  	_ =	swait.ge [sflag:s7], $0x800  }
0x69: {  	[sflag:s7] =	ssyncset.done $0x0  }
0x6a: {  	s26 =	sor.u32 $0x2680, s24;
	[sflag:s7] =	ssyncadd.s32 $0xFFFFF800  }
0x6b: {  	[tilespmem:s12], [sflag:$0x4] =	stream.indirect.gather [hbm4b:s5+s8], $0x80, s26, s8, $0xb8;
	[tilespmem:$0x1A800] =	vst v63  }
0x6c: {  	_ =	swait.ge [sflag:s19], $0x800  }
0x6d: {  	[sflag:s19] =	ssyncset.done $0x0  }
0x6e: {  	s28 =	sor.u32 $0x480, s24;
	[sflag:s19] =	ssyncadd.s32 $0xFFFFF800  }
0x6f: {  	[spmem:s4] =	stream.indirect.scatter.add.f32 [tilespmem:s13], [sflag:$0x8], $0x80, s28, s8, $0xb8;
	[tilespmem:$0x1A800] =	vst v63  }
0x70: {  	_ =	swait.ge [sflag:s7], $0x800  }
0x71: {  	[sflag:s7] =	ssyncset.done $0x0  }
0x72: {  	s29 =	sor.u32 $0x2700, s24;
	[sflag:s7] =	ssyncadd.s32 $0xFFFFF800  }
0x73: {  	[tilespmem:s13], [sflag:$0x5] =	stream.indirect.gather [hbm4b:s5+s8], $0x80, s29, s8, $0xb8;
	[tilespmem:$0x1A800] =	vst v63  }
0x74: {  	_ =	swait.ge [sflag:s14], $0x800  }
0x75: {  	[sflag:s14] =	ssyncset.done $0x0  }
0x76: {  	s30 =	sor.u32 $0x500, s24;
	[sflag:s14] =	ssyncadd.s32 $0xFFFFF800  }
0x77: {  	[spmem:s4] =	stream.indirect.scatter.add.f32 [tilespmem:s9], [sflag:$0x8], $0x80, s30, s8, $0xb8;
	[tilespmem:$0x1A800] =	vst v63  }
0x78: {  	_ =	swait.ge [sflag:s7], $0x800  }
0x79: {  	[sflag:s7] =	ssyncset.done $0x0  }
0x7a: {  	s31 =	sor.u32 $0x2780, s24;
	[sflag:s7] =	ssyncadd.s32 $0xFFFFF800  }
0x7b: {  	[tilespmem:s9], [sflag:$0x1] =	stream.indirect.gather [hbm4b:s5+s8], $0x80, s31, s8, $0xb8;
	[tilespmem:$0x1A800] =	vst v63  }
0x7c: {  	_ =	swait.ge [sflag:s16], $0x800  }
0x7d: {  	[sflag:s16] =	ssyncset.done $0x0  }
0x7e: {  	s21 =	sor.u32 $0x580, s24;
	[sflag:s16] =	ssyncadd.s32 $0xFFFFF800  }
0x7f: {  	[spmem:s4] =	stream.indirect.scatter.add.f32 [tilespmem:s10], [sflag:$0x8], $0x80, s21, s8, $0xb8;
	[tilespmem:$0x1A800] =	vst v63  }
0x80: {  	_ =	swait.ge [sflag:s7], $0x800  }
0x81: {  	[sflag:s7] =	ssyncset.done $0x0  }
0x82: {  	s26 =	sor.u32 $0x2800, s24;
	[sflag:s7] =	ssyncadd.s32 $0xFFFFF800  }
0x83: {  	[tilespmem:s10], [sflag:$0x2] =	stream.indirect.gather [hbm4b:s5+s8], $0x80, s26, s8, $0xb8;
	[tilespmem:$0x1A800] =	vst v63  }
0x84: {  	_ =	swait.ge [sflag:s17], $0x800  }
0x85: {  	[sflag:s17] =	ssyncset.done $0x0  }
0x86: {  	s28 =	sor.u32 $0x600, s24;
	[sflag:s17] =	ssyncadd.s32 $0xFFFFF800  }
0x87: {  	[spmem:s4] =	stream.indirect.scatter.add.f32 [tilespmem:s11], [sflag:$0x8], $0x80, s28, s8, $0xb8;
	[tilespmem:$0x1A800] =	vst v63  }
0x88: {  	_ =	swait.ge [sflag:s7], $0x800  }
0x89: {  	[sflag:s7] =	ssyncset.done $0x0  }
0x8a: {  	s29 =	sor.u32 $0x2880, s24;
	[sflag:s7] =	ssyncadd.s32 $0xFFFFF800  }
0x8b: {  	[tilespmem:s11], [sflag:$0x3] =	stream.indirect.gather [hbm4b:s5+s8], $0x80, s29, s8, $0xb8;
	[tilespmem:$0x1A800] =	vst v63  }
0x8c: {  	_ =	swait.ge [sflag:s18], $0x800  }
0x8d: {  	[sflag:s18] =	ssyncset.done $0x0  }
0x8e: {  	s30 =	sor.u32 $0x680, s24;
	[sflag:s18] =	ssyncadd.s32 $0xFFFFF800  }
0x8f: {  	[spmem:s4] =	stream.indirect.scatter.add.f32 [tilespmem:s12], [sflag:$0x8], $0x80, s30, s8, $0xb8;
	[tilespmem:$0x1A800] =	vst v63  }
0x90: {  	_ =	swait.ge [sflag:s7], $0x800  }
0x91: {  	[sflag:s7] =	ssyncset.done $0x0  }
0x92: {  	s31 =	sor.u32 $0x2900, s24;
	[sflag:s7] =	ssyncadd.s32 $0xFFFFF800  }
0x93: {  	[tilespmem:s12], [sflag:$0x4] =	stream.indirect.gather [hbm4b:s5+s8], $0x80, s31, s8, $0xb8;
	[tilespmem:$0x1A800] =	vst v63  }
0x94: {  	_ =	swait.ge [sflag:s19], $0x800  }
0x95: {  	[sflag:s19] =	ssyncset.done $0x0  }
0x96: {  	s21 =	sor.u32 $0x700, s24;
	[sflag:s19] =	ssyncadd.s32 $0xFFFFF800  }
0x97: {  	[spmem:s4] =	stream.indirect.scatter.add.f32 [tilespmem:s13], [sflag:$0x8], $0x80, s21, s8, $0xb8;
	[tilespmem:$0x1A800] =	vst v63  }
0x98: {  	_ =	swait.ge [sflag:s7], $0x800  }
0x99: {  	[sflag:s7] =	ssyncset.done $0x0  }
0x9a: {  	s26 =	sor.u32 $0x2980, s24;
	[sflag:s7] =	ssyncadd.s32 $0xFFFFF800  }
0x9b: {  	[tilespmem:s13], [sflag:$0x5] =	stream.indirect.gather [hbm4b:s5+s8], $0x80, s26, s8, $0xb8;
	[tilespmem:$0x1A800] =	vst v63  }
0x9c: {  	_ =	swait.ge [sflag:s14], $0x800  }
0x9d: {  	[sflag:s14] =	ssyncset.done $0x0  }
0x9e: {  	s28 =	sor.u32 $0x780, s24;
	[sflag:s14] =	ssyncadd.s32 $0xFFFFF800  }
0x9f: {  	[spmem:s4] =	stream.indirect.scatter.add.f32 [tilespmem:s9], [sflag:$0x8], $0x80, s28, s8, $0xb8;
	[tilespmem:$0x1A800] =	vst v63  }
0xa0: {  	_ =	swait.ge [sflag:s7], $0x800  }
0xa1: {  	[sflag:s7] =	ssyncset.done $0x0  }
0xa2: {  	s29 =	sor.u32 $0x2A00, s24;
	[sflag:s7] =	ssyncadd.s32 $0xFFFFF800  }
0xa3: {  	[tilespmem:s9], [sflag:$0x1] =	stream.indirect.gather [hbm4b:s5+s8], $0x80, s29, s8, $0xb8;
	[tilespmem:$0x1A800] =	vst v63  }
0xa4: {  	_ =	swait.ge [sflag:s16], $0x800  }
0xa5: {  	[sflag:s16] =	ssyncset.done $0x0  }
0xa6: {  	s30 =	sor.u32 $0x800, s24;
	[sflag:s16] =	ssyncadd.s32 $0xFFFFF800  }
0xa7: {  	[spmem:s4] =	stream.indirect.scatter.add.f32 [tilespmem:s10], [sflag:$0x8], $0x80, s30, s8, $0xb8;
	[tilespmem:$0x1A800] =	vst v63  }
0xa8: {  	_ =	swait.ge [sflag:s7], $0x800  }
0xa9: {  	[sflag:s7] =	ssyncset.done $0x0  }
0xaa: {  	s31 =	sor.u32 $0x2A80, s24;
	[sflag:s7] =	ssyncadd.s32 $0xFFFFF800  }
0xab: {  	[tilespmem:s10], [sflag:$0x2] =	stream.indirect.gather [hbm4b:s5+s8], $0x80, s31, s8, $0xb8;
	[tilespmem:$0x1A800] =	vst v63  }
0xac: {  	_ =	swait.ge [sflag:s17], $0x800  }
0xad: {  	[sflag:s17] =	ssyncset.done $0x0  }
0xae: {  	s21 =	sor.u32 $0x880, s24;
	[sflag:s17] =	ssyncadd.s32 $0xFFFFF800  }
0xaf: {  	[spmem:s4] =	stream.indirect.scatter.add.f32 [tilespmem:s11], [sflag:$0x8], $0x80, s21, s8, $0xb8;
	[tilespmem:$0x1A800] =	vst v63  }
0xb0: {  	_ =	swait.ge [sflag:s7], $0x800  }
0xb1: {  	[sflag:s7] =	ssyncset.done $0x0  }
0xb2: {  	s26 =	sor.u32 $0x2B00, s24;
	[sflag:s7] =	ssyncadd.s32 $0xFFFFF800  }
0xb3: {  	[tilespmem:s11], [sflag:$0x3] =	stream.indirect.gather [hbm4b:s5+s8], $0x80, s26, s8, $0xb8;
	[tilespmem:$0x1A800] =	vst v63  }
0xb4: {  	_ =	swait.ge [sflag:s18], $0x800  }
0xb5: {  	[sflag:s18] =	ssyncset.done $0x0  }
0xb6: {  	s28 =	sor.u32 $0x900, s24;
	[sflag:s18] =	ssyncadd.s32 $0xFFFFF800  }
0xb7: {  	[spmem:s4] =	stream.indirect.scatter.add.f32 [tilespmem:s12], [sflag:$0x8], $0x80, s28, s8, $0xb8;
	[tilespmem:$0x1A800] =	vst v63  }
0xb8: {  	_ =	swait.ge [sflag:s7], $0x800  }
0xb9: {  	[sflag:s7] =	ssyncset.done $0x0  }
0xba: {  	s29 =	sor.u32 $0x2B80, s24;
	[sflag:s7] =	ssyncadd.s32 $0xFFFFF800  }
0xbb: {  	[tilespmem:s12], [sflag:$0x4] =	stream.indirect.gather [hbm4b:s5+s8], $0x80, s29, s8, $0xb8;
	[tilespmem:$0x1A800] =	vst v63  }
0xbc: {  	_ =	swait.ge [sflag:s19], $0x800  }
0xbd: {  	[sflag:s19] =	ssyncset.done $0x0  }
0xbe: {  	s30 =	sor.u32 $0x980, s24;
	[sflag:s19] =	ssyncadd.s32 $0xFFFFF800  }
0xbf: {  	[spmem:s4] =	stream.indirect.scatter.add.f32 [tilespmem:s13], [sflag:$0x8], $0x80, s30, s8, $0xb8;
	[tilespmem:$0x1A800] =	vst v63  }
0xc0: {  	_ =	swait.ge [sflag:s7], $0x800  }
0xc1: {  	[sflag:s7] =	ssyncset.done $0x0  }
0xc2: {  	s20 =	simm.s32 $0x6;
	s21 =	sor.u32 $0x2C00, s24;
	[sflag:s7] =	ssyncadd.s32 $0xFFFFF800  }
0xc3: {  	[tilespmem:s13], [sflag:$0x5] =	stream.indirect.gather [hbm4b:s5+s8], $0x80, s21, s8, $0xb8;
	[tilespmem:$0x1A800] =	vst v63  }
0xc4: {  	_ =	swait.ge [sflag:s20], $0xC80  }
0xc5: {  	[sflag:s20] =	ssyncset.done $0x0  }
0xc6: {  	s21 =	simm.s32 $0x7;
	[sflag:s20] =	ssyncadd.s32 $0xFFFFF380  }
0xc7: {  	_ =	swait.ge [sflag:s21], $0xC80  }
0xc8: {  	[sflag:s21] =	ssyncset.done $0x0  }
0xc9: {  	[sflag:s21] =	ssyncadd.s32 $0xFFFFF380  }
0xca: {  	_ =	swait.ge [sflag:s14], $0x800  }
0xcb: {  	[sflag:s14] =	ssyncset.done $0x0  }
0xcc: {  	s26 =	sor.u32 $0xA00, s24;
	[sflag:s14] =	ssyncadd.s32 $0xFFFFF800  }
0xcd: {  	[spmem:s4] =	stream.indirect.scatter.add.f32 [tilespmem:s9], [sflag:$0x8], $0x80, s26, s8, $0xb8;
	[tilespmem:$0x1A800] =	vst v63  }
0xce: {  	_ =	swait.ge [sflag:s7], $0x800  }
0xcf: {  	s25 =	sand.u32 $0x1000, s25;
	[sflag:s7] =	ssyncset.done $0x0  }
0xd0: {  	s31 =	sor.u32 $0x2000, s25;
	[sflag:s7] =	ssyncadd.s32 $0xFFFFF800  }
0xd1: {  	[tilespmem:s9], [sflag:$0x1] =	stream.indirect.gather [hbm4b:s5+s8], $0x80, s31, s8, $0xb8;
	[tilespmem:$0x1A800] =	vst v63  }
0xd2: {  	_ =	swait.ge [sflag:s16], $0x800  }
0xd3: {  	[sflag:s16] =	ssyncset.done $0x0  }
0xd4: {  	s28 =	sor.u32 $0xA80, s24;
	[sflag:s16] =	ssyncadd.s32 $0xFFFFF800  }
0xd5: {  	[spmem:s4] =	stream.indirect.scatter.add.f32 [tilespmem:s10], [sflag:$0x8], $0x80, s28, s8, $0xb8;
	[tilespmem:$0x1A800] =	vst v63  }
0xd6: {  	_ =	swait.ge [sflag:s7], $0x800  }
0xd7: {  	[sflag:s7] =	ssyncset.done $0x0  }
0xd8: {  	s29 =	sor.u32 $0x2080, s25;
	[sflag:s7] =	ssyncadd.s32 $0xFFFFF800  }
0xd9: {  	[tilespmem:s10], [sflag:$0x2] =	stream.indirect.gather [hbm4b:s5+s8], $0x80, s29, s8, $0xb8;
	[tilespmem:$0x1A800] =	vst v63  }
0xda: {  	_ =	swait.ge [sflag:s17], $0x800  }
0xdb: {  	[sflag:s17] =	ssyncset.done $0x0  }
0xdc: {  	s30 =	sor.u32 $0xB00, s24;
	[sflag:s17] =	ssyncadd.s32 $0xFFFFF800  }
0xdd: {  	[spmem:s4] =	stream.indirect.scatter.add.f32 [tilespmem:s11], [sflag:$0x8], $0x80, s30, s8, $0xb8;
	[tilespmem:$0x1A800] =	vst v63  }
0xde: {  	_ =	swait.ge [sflag:s7], $0x800  }
0xdf: {  	[sflag:s7] =	ssyncset.done $0x0  }
0xe0: {  	s31 =	sor.u32 $0x2100, s25;
	[sflag:s7] =	ssyncadd.s32 $0xFFFFF800  }
0xe1: {  	[tilespmem:s11], [sflag:$0x3] =	stream.indirect.gather [hbm4b:s5+s8], $0x80, s31, s8, $0xb8;
	[tilespmem:$0x1A800] =	vst v63  }
0xe2: {  	_ =	swait.ge [sflag:s18], $0x800  }
0xe3: {  	[sflag:s18] =	ssyncset.done $0x0  }
0xe4: {  	s28 =	sor.u32 $0xB80, s24;
	[sflag:s18] =	ssyncadd.s32 $0xFFFFF800  }
0xe5: {  	[spmem:s4] =	stream.indirect.scatter.add.f32 [tilespmem:s12], [sflag:$0x8], $0x80, s28, s8, $0xb8;
	[tilespmem:$0x1A800] =	vst v63  }
0xe6: {  	_ =	swait.ge [sflag:s7], $0x800  }
0xe7: {  	[sflag:s7] =	ssyncset.done $0x0  }
0xe8: {  	s29 =	sor.u32 $0x2180, s25;
	[sflag:s7] =	ssyncadd.s32 $0xFFFFF800  }
0xe9: {  	[tilespmem:s12], [sflag:$0x4] =	stream.indirect.gather [hbm4b:s5+s8], $0x80, s29, s8, $0xb8;
	[tilespmem:$0x1A800] =	vst v63  }
0xea: {  	_ =	swait.ge [sflag:s19], $0x800  }
0xeb: {  	[sflag:s19] =	ssyncset.done $0x0  }
0xec: {  	s30 =	sor.u32 $0xC00, s24;
	[sflag:s19] =	ssyncadd.s32 $0xFFFFF800  }
0xed: {  	[spmem:s4] =	stream.indirect.scatter.add.f32 [tilespmem:s13], [sflag:$0x8], $0x80, s30, s8, $0xb8;
	[tilespmem:$0x1A800] =	vst v63  }
0xee: {  	_ =	swait.ge [sflag:s7], $0x800  }
0xef: {  	[sflag:s7] =	ssyncset.done $0x0  }
0xf0: {  	s15 =	sadd.s32 $0xF9800, s15;
	s25 =	sor.u32 $0x2200, s25;
	[sflag:s7] =	ssyncadd.s32 $0xFFFFF800  }
0xf1: {  	[tilespmem:s13], [sflag:$0x5] =	stream.indirect.gather [hbm4b:s5+s8], $0x80, s25, s8, $0xb8;
	[tilespmem:$0x1A800] =	vst v63  }
0xf2: {  	s26 =	sor.u32 $0x2000, s24;
	s31 =	sadd.s32 $0x400, s22;
	s22 =	sadd.s32 $0x400, s23  }
0xf3: {  	[tilespmem:s24], [sflag:$0x6] =	stream.linear.gather [hbm4b:s31+s6], $0xC80, $0x38;
	[tilespmem:$0x1A800] =	vst v63  }
0xf4: {  	s23 =	simm.s32 $0x2000;
	s25 =	sadd.s32 $0x200, s22;
	s24 =	sadd.s32 $0x200, s31  }
.LBB2_1:
0xf5: {  	[tilespmem:s26], [sflag:$0x7] =	stream.linear.gather [hbm4b:s22+s6], $0xC80, $0x38;
	[tilespmem:$0x1A800] =	vst v63  }
0xf6: {  	s28 =	smov.u32 s23;
	s22 =	smov.u32 s25  }
0xf7: {  	p0 =	sne.s32 s23, $0x31000;
	s23 =	sadd.s32 $0x1000, s23;
	_ =	swait.ge [sflag:s14], $0x800  }
0xf8: {  	s26 =	sadd.s32 $0xFFFFF000, s28;
	[sflag:s14] =	ssyncset.done $0x0  }
0xf9: {  	s26 =	sand.u32 $0x1000, s26;
	[sflag:s14] =	ssyncadd.s32 $0xFFFFF800  }
0xfa: {  	[spmem:s4] =	stream.indirect.scatter.add.f32 [tilespmem:s9], [sflag:$0x8], $0x80, s26, s8, $0xb8;
	[tilespmem:$0x1A800] =	vst v63  }
0xfb: {  	_ =	swait.ge [sflag:s7], $0x800  }
0xfc: {  	[sflag:s7] =	ssyncset.done $0x0  }
0xfd: {  	s29 =	sor.u32 $0x2280, s26;
	[sflag:s7] =	ssyncadd.s32 $0xFFFFF800  }
0xfe: {  	[tilespmem:s9], [sflag:$0x1] =	stream.indirect.gather [hbm4b:s5+s8], $0x80, s29, s8, $0xb8;
	[tilespmem:$0x1A800] =	vst v63  }
0xff: {  	_ =	swait.ge [sflag:s16], $0x800  }
0x100: {  	[sflag:s16] =	ssyncset.done $0x0  }
0x101: {  	s29 =	sor.u32 $0x80, s26;
	[sflag:s16] =	ssyncadd.s32 $0xFFFFF800  }
0x102: {  	[spmem:s4] =	stream.indirect.scatter.add.f32 [tilespmem:s10], [sflag:$0x8], $0x80, s29, s8, $0xb8;
	[tilespmem:$0x1A800] =	vst v63  }
0x103: {  	_ =	swait.ge [sflag:s7], $0x800  }
0x104: {  	[sflag:s7] =	ssyncset.done $0x0  }
0x105: {  	s29 =	sor.u32 $0x2300, s26;
	[sflag:s7] =	ssyncadd.s32 $0xFFFFF800  }
0x106: {  	[tilespmem:s10], [sflag:$0x2] =	stream.indirect.gather [hbm4b:s5+s8], $0x80, s29, s8, $0xb8;
	[tilespmem:$0x1A800] =	vst v63  }
0x107: {  	_ =	swait.ge [sflag:s17], $0x800  }
0x108: {  	[sflag:s17] =	ssyncset.done $0x0  }
0x109: {  	s29 =	sor.u32 $0x100, s26;
	[sflag:s17] =	ssyncadd.s32 $0xFFFFF800  }
0x10a: {  	[spmem:s4] =	stream.indirect.scatter.add.f32 [tilespmem:s11], [sflag:$0x8], $0x80, s29, s8, $0xb8;
	[tilespmem:$0x1A800] =	vst v63  }
0x10b: {  	_ =	swait.ge [sflag:s7], $0x800  }
0x10c: {  	[sflag:s7] =	ssyncset.done $0x0  }
0x10d: {  	s29 =	sor.u32 $0x2380, s26;
	[sflag:s7] =	ssyncadd.s32 $0xFFFFF800  }
0x10e: {  	[tilespmem:s11], [sflag:$0x3] =	stream.indirect.gather [hbm4b:s5+s8], $0x80, s29, s8, $0xb8;
	[tilespmem:$0x1A800] =	vst v63  }
0x10f: {  	_ =	swait.ge [sflag:s18], $0x800  }
0x110: {  	[sflag:s18] =	ssyncset.done $0x0  }
0x111: {  	s29 =	sor.u32 $0x180, s26;
	[sflag:s18] =	ssyncadd.s32 $0xFFFFF800  }
0x112: {  	[spmem:s4] =	stream.indirect.scatter.add.f32 [tilespmem:s12], [sflag:$0x8], $0x80, s29, s8, $0xb8;
	[tilespmem:$0x1A800] =	vst v63  }
0x113: {  	_ =	swait.ge [sflag:s7], $0x800  }
0x114: {  	[sflag:s7] =	ssyncset.done $0x0  }
0x115: {  	s29 =	sor.u32 $0x2400, s26;
	[sflag:s7] =	ssyncadd.s32 $0xFFFFF800  }
0x116: {  	[tilespmem:s12], [sflag:$0x4] =	stream.indirect.gather [hbm4b:s5+s8], $0x80, s29, s8, $0xb8;
	[tilespmem:$0x1A800] =	vst v63  }
0x117: {  	_ =	swait.ge [sflag:s19], $0x800  }
0x118: {  	[sflag:s19] =	ssyncset.done $0x0  }
0x119: {  	s29 =	sor.u32 $0x200, s26;
	[sflag:s19] =	ssyncadd.s32 $0xFFFFF800  }
0x11a: {  	[spmem:s4] =	stream.indirect.scatter.add.f32 [tilespmem:s13], [sflag:$0x8], $0x80, s29, s8, $0xb8;
	[tilespmem:$0x1A800] =	vst v63  }
0x11b: {  	_ =	swait.ge [sflag:s7], $0x800  }
0x11c: {  	[sflag:s7] =	ssyncset.done $0x0  }
0x11d: {  	s29 =	sor.u32 $0x2480, s26;
	[sflag:s7] =	ssyncadd.s32 $0xFFFFF800  }
0x11e: {  	[tilespmem:s13], [sflag:$0x5] =	stream.indirect.gather [hbm4b:s5+s8], $0x80, s29, s8, $0xb8;
	[tilespmem:$0x1A800] =	vst v63  }
0x11f: {  	_ =	swait.ge [sflag:s14], $0x800  }
0x120: {  	[sflag:s14] =	ssyncset.done $0x0  }
0x121: {  	s29 =	sor.u32 $0x280, s26;
	[sflag:s14] =	ssyncadd.s32 $0xFFFFF800  }
0x122: {  	[spmem:s4] =	stream.indirect.scatter.add.f32 [tilespmem:s9], [sflag:$0x8], $0x80, s29, s8, $0xb8;
	[tilespmem:$0x1A800] =	vst v63  }
0x123: {  	_ =	swait.ge [sflag:s7], $0x800  }
0x124: {  	[sflag:s7] =	ssyncset.done $0x0  }
0x125: {  	s29 =	sor.u32 $0x2500, s26;
	[sflag:s7] =	ssyncadd.s32 $0xFFFFF800  }
0x126: {  	[tilespmem:s9], [sflag:$0x1] =	stream.indirect.gather [hbm4b:s5+s8], $0x80, s29, s8, $0xb8;
	[tilespmem:$0x1A800] =	vst v63  }
0x127: {  	_ =	swait.ge [sflag:s16], $0x800  }
0x128: {  	[sflag:s16] =	ssyncset.done $0x0  }
0x129: {  	s29 =	sor.u32 $0x300, s26;
	[sflag:s16] =	ssyncadd.s32 $0xFFFFF800  }
0x12a: {  	[spmem:s4] =	stream.indirect.scatter.add.f32 [tilespmem:s10], [sflag:$0x8], $0x80, s29, s8, $0xb8;
	[tilespmem:$0x1A800] =	vst v63  }
0x12b: {  	_ =	swait.ge [sflag:s7], $0x800  }
0x12c: {  	[sflag:s7] =	ssyncset.done $0x0  }
0x12d: {  	s29 =	sor.u32 $0x2580, s26;
	[sflag:s7] =	ssyncadd.s32 $0xFFFFF800  }
0x12e: {  	[tilespmem:s10], [sflag:$0x2] =	stream.indirect.gather [hbm4b:s5+s8], $0x80, s29, s8, $0xb8;
	[tilespmem:$0x1A800] =	vst v63  }
0x12f: {  	_ =	swait.ge [sflag:s17], $0x800  }
0x130: {  	[sflag:s17] =	ssyncset.done $0x0  }
0x131: {  	s29 =	sor.u32 $0x380, s26;
	[sflag:s17] =	ssyncadd.s32 $0xFFFFF800  }
0x132: {  	[spmem:s4] =	stream.indirect.scatter.add.f32 [tilespmem:s11], [sflag:$0x8], $0x80, s29, s8, $0xb8;
	[tilespmem:$0x1A800] =	vst v63  }
0x133: {  	_ =	swait.ge [sflag:s7], $0x800  }
0x134: {  	[sflag:s7] =	ssyncset.done $0x0  }
0x135: {  	s29 =	sor.u32 $0x2600, s26;
	[sflag:s7] =	ssyncadd.s32 $0xFFFFF800  }
0x136: {  	[tilespmem:s11], [sflag:$0x3] =	stream.indirect.gather [hbm4b:s5+s8], $0x80, s29, s8, $0xb8;
	[tilespmem:$0x1A800] =	vst v63  }
0x137: {  	_ =	swait.ge [sflag:s18], $0x800  }
0x138: {  	[sflag:s18] =	ssyncset.done $0x0  }
0x139: {  	s29 =	sor.u32 $0x400, s26;
	[sflag:s18] =	ssyncadd.s32 $0xFFFFF800  }
0x13a: {  	[spmem:s4] =	stream.indirect.scatter.add.f32 [tilespmem:s12], [sflag:$0x8], $0x80, s29, s8, $0xb8;
	[tilespmem:$0x1A800] =	vst v63  }
0x13b: {  	_ =	swait.ge [sflag:s7], $0x800  }
0x13c: {  	[sflag:s7] =	ssyncset.done $0x0  }
0x13d: {  	s29 =	sor.u32 $0x2680, s26;
	[sflag:s7] =	ssyncadd.s32 $0xFFFFF800  }
0x13e: {  	[tilespmem:s12], [sflag:$0x4] =	stream.indirect.gather [hbm4b:s5+s8], $0x80, s29, s8, $0xb8;
	[tilespmem:$0x1A800] =	vst v63  }
0x13f: {  	_ =	swait.ge [sflag:s19], $0x800  }
0x140: {  	[sflag:s19] =	ssyncset.done $0x0  }
0x141: {  	s29 =	sor.u32 $0x480, s26;
	[sflag:s19] =	ssyncadd.s32 $0xFFFFF800  }
0x142: {  	[spmem:s4] =	stream.indirect.scatter.add.f32 [tilespmem:s13], [sflag:$0x8], $0x80, s29, s8, $0xb8;
	[tilespmem:$0x1A800] =	vst v63  }
0x143: {  	_ =	swait.ge [sflag:s7], $0x800  }
0x144: {  	[sflag:s7] =	ssyncset.done $0x0  }
0x145: {  	s29 =	sor.u32 $0x2700, s26;
	[sflag:s7] =	ssyncadd.s32 $0xFFFFF800  }
0x146: {  	[tilespmem:s13], [sflag:$0x5] =	stream.indirect.gather [hbm4b:s5+s8], $0x80, s29, s8, $0xb8;
	[tilespmem:$0x1A800] =	vst v63  }
0x147: {  	_ =	swait.ge [sflag:s14], $0x800  }
0x148: {  	[sflag:s14] =	ssyncset.done $0x0  }
0x149: {  	s29 =	sor.u32 $0x500, s26;
	[sflag:s14] =	ssyncadd.s32 $0xFFFFF800  }
0x14a: {  	[spmem:s4] =	stream.indirect.scatter.add.f32 [tilespmem:s9], [sflag:$0x8], $0x80, s29, s8, $0xb8;
	[tilespmem:$0x1A800] =	vst v63  }
0x14b: {  	_ =	swait.ge [sflag:s7], $0x800  }
0x14c: {  	[sflag:s7] =	ssyncset.done $0x0  }
0x14d: {  	s29 =	sor.u32 $0x2780, s26;
	[sflag:s7] =	ssyncadd.s32 $0xFFFFF800  }
0x14e: {  	[tilespmem:s9], [sflag:$0x1] =	stream.indirect.gather [hbm4b:s5+s8], $0x80, s29, s8, $0xb8;
	[tilespmem:$0x1A800] =	vst v63  }
0x14f: {  	_ =	swait.ge [sflag:s16], $0x800  }
0x150: {  	[sflag:s16] =	ssyncset.done $0x0  }
0x151: {  	s29 =	sor.u32 $0x580, s26;
	[sflag:s16] =	ssyncadd.s32 $0xFFFFF800  }
0x152: {  	[spmem:s4] =	stream.indirect.scatter.add.f32 [tilespmem:s10], [sflag:$0x8], $0x80, s29, s8, $0xb8;
	[tilespmem:$0x1A800] =	vst v63  }
0x153: {  	_ =	swait.ge [sflag:s7], $0x800  }
0x154: {  	[sflag:s7] =	ssyncset.done $0x0  }
0x155: {  	s29 =	sor.u32 $0x2800, s26;
	[sflag:s7] =	ssyncadd.s32 $0xFFFFF800  }
0x156: {  	[tilespmem:s10], [sflag:$0x2] =	stream.indirect.gather [hbm4b:s5+s8], $0x80, s29, s8, $0xb8;
	[tilespmem:$0x1A800] =	vst v63  }
0x157: {  	_ =	swait.ge [sflag:s17], $0x800  }
0x158: {  	[sflag:s17] =	ssyncset.done $0x0  }
0x159: {  	s29 =	sor.u32 $0x600, s26;
	[sflag:s17] =	ssyncadd.s32 $0xFFFFF800  }
0x15a: {  	[spmem:s4] =	stream.indirect.scatter.add.f32 [tilespmem:s11], [sflag:$0x8], $0x80, s29, s8, $0xb8;
	[tilespmem:$0x1A800] =	vst v63  }
0x15b: {  	_ =	swait.ge [sflag:s7], $0x800  }
0x15c: {  	[sflag:s7] =	ssyncset.done $0x0  }
0x15d: {  	s29 =	sor.u32 $0x2880, s26;
	[sflag:s7] =	ssyncadd.s32 $0xFFFFF800  }
0x15e: {  	[tilespmem:s11], [sflag:$0x3] =	stream.indirect.gather [hbm4b:s5+s8], $0x80, s29, s8, $0xb8;
	[tilespmem:$0x1A800] =	vst v63  }
0x15f: {  	_ =	swait.ge [sflag:s18], $0x800  }
0x160: {  	[sflag:s18] =	ssyncset.done $0x0  }
0x161: {  	s29 =	sor.u32 $0x680, s26;
	[sflag:s18] =	ssyncadd.s32 $0xFFFFF800  }
0x162: {  	[spmem:s4] =	stream.indirect.scatter.add.f32 [tilespmem:s12], [sflag:$0x8], $0x80, s29, s8, $0xb8;
	[tilespmem:$0x1A800] =	vst v63  }
0x163: {  	_ =	swait.ge [sflag:s7], $0x800  }
0x164: {  	[sflag:s7] =	ssyncset.done $0x0  }
0x165: {  	s29 =	sor.u32 $0x2900, s26;
	[sflag:s7] =	ssyncadd.s32 $0xFFFFF800  }
0x166: {  	[tilespmem:s12], [sflag:$0x4] =	stream.indirect.gather [hbm4b:s5+s8], $0x80, s29, s8, $0xb8;
	[tilespmem:$0x1A800] =	vst v63  }
0x167: {  	_ =	swait.ge [sflag:s19], $0x800  }
0x168: {  	[sflag:s19] =	ssyncset.done $0x0  }
0x169: {  	s29 =	sor.u32 $0x700, s26;
	[sflag:s19] =	ssyncadd.s32 $0xFFFFF800  }
0x16a: {  	[spmem:s4] =	stream.indirect.scatter.add.f32 [tilespmem:s13], [sflag:$0x8], $0x80, s29, s8, $0xb8;
	[tilespmem:$0x1A800] =	vst v63  }
0x16b: {  	_ =	swait.ge [sflag:s7], $0x800  }
0x16c: {  	[sflag:s7] =	ssyncset.done $0x0  }
0x16d: {  	s29 =	sor.u32 $0x2980, s26;
	[sflag:s7] =	ssyncadd.s32 $0xFFFFF800  }
0x16e: {  	[tilespmem:s13], [sflag:$0x5] =	stream.indirect.gather [hbm4b:s5+s8], $0x80, s29, s8, $0xb8;
	[tilespmem:$0x1A800] =	vst v63  }
0x16f: {  	_ =	swait.ge [sflag:s14], $0x800  }
0x170: {  	[sflag:s14] =	ssyncset.done $0x0  }
0x171: {  	s29 =	sor.u32 $0x780, s26;
	[sflag:s14] =	ssyncadd.s32 $0xFFFFF800  }
0x172: {  	[spmem:s4] =	stream.indirect.scatter.add.f32 [tilespmem:s9], [sflag:$0x8], $0x80, s29, s8, $0xb8;
	[tilespmem:$0x1A800] =	vst v63  }
0x173: {  	_ =	swait.ge [sflag:s7], $0x800  }
0x174: {  	[sflag:s7] =	ssyncset.done $0x0  }
0x175: {  	s29 =	sor.u32 $0x2A00, s26;
	[sflag:s7] =	ssyncadd.s32 $0xFFFFF800  }
0x176: {  	[tilespmem:s9], [sflag:$0x1] =	stream.indirect.gather [hbm4b:s5+s8], $0x80, s29, s8, $0xb8;
	[tilespmem:$0x1A800] =	vst v63  }
0x177: {  	_ =	swait.ge [sflag:s16], $0x800  }
0x178: {  	[sflag:s16] =	ssyncset.done $0x0  }
0x179: {  	s29 =	sor.u32 $0x800, s26;
	[sflag:s16] =	ssyncadd.s32 $0xFFFFF800  }
0x17a: {  	[spmem:s4] =	stream.indirect.scatter.add.f32 [tilespmem:s10], [sflag:$0x8], $0x80, s29, s8, $0xb8;
	[tilespmem:$0x1A800] =	vst v63  }
0x17b: {  	_ =	swait.ge [sflag:s7], $0x800  }
0x17c: {  	[sflag:s7] =	ssyncset.done $0x0  }
0x17d: {  	s29 =	sor.u32 $0x2A80, s26;
	[sflag:s7] =	ssyncadd.s32 $0xFFFFF800  }
0x17e: {  	[tilespmem:s10], [sflag:$0x2] =	stream.indirect.gather [hbm4b:s5+s8], $0x80, s29, s8, $0xb8;
	[tilespmem:$0x1A800] =	vst v63  }
0x17f: {  	_ =	swait.ge [sflag:s17], $0x800  }
0x180: {  	[sflag:s17] =	ssyncset.done $0x0  }
0x181: {  	s29 =	sor.u32 $0x880, s26;
	[sflag:s17] =	ssyncadd.s32 $0xFFFFF800  }
0x182: {  	[spmem:s4] =	stream.indirect.scatter.add.f32 [tilespmem:s11], [sflag:$0x8], $0x80, s29, s8, $0xb8;
	[tilespmem:$0x1A800] =	vst v63  }
0x183: {  	_ =	swait.ge [sflag:s7], $0x800  }
0x184: {  	[sflag:s7] =	ssyncset.done $0x0  }
0x185: {  	s29 =	sor.u32 $0x2B00, s26;
	[sflag:s7] =	ssyncadd.s32 $0xFFFFF800  }
0x186: {  	[tilespmem:s11], [sflag:$0x3] =	stream.indirect.gather [hbm4b:s5+s8], $0x80, s29, s8, $0xb8;
	[tilespmem:$0x1A800] =	vst v63  }
0x187: {  	_ =	swait.ge [sflag:s18], $0x800  }
0x188: {  	[sflag:s18] =	ssyncset.done $0x0  }
0x189: {  	s29 =	sor.u32 $0x900, s26;
	[sflag:s18] =	ssyncadd.s32 $0xFFFFF800  }
0x18a: {  	[spmem:s4] =	stream.indirect.scatter.add.f32 [tilespmem:s12], [sflag:$0x8], $0x80, s29, s8, $0xb8;
	[tilespmem:$0x1A800] =	vst v63  }
0x18b: {  	_ =	swait.ge [sflag:s7], $0x800  }
0x18c: {  	[sflag:s7] =	ssyncset.done $0x0  }
0x18d: {  	s29 =	sor.u32 $0x2B80, s26;
	[sflag:s7] =	ssyncadd.s32 $0xFFFFF800  }
0x18e: {  	[tilespmem:s12], [sflag:$0x4] =	stream.indirect.gather [hbm4b:s5+s8], $0x80, s29, s8, $0xb8;
	[tilespmem:$0x1A800] =	vst v63  }
0x18f: {  	_ =	swait.ge [sflag:s19], $0x800  }
0x190: {  	[sflag:s19] =	ssyncset.done $0x0  }
0x191: {  	s29 =	sor.u32 $0x980, s26;
	[sflag:s19] =	ssyncadd.s32 $0xFFFFF800  }
0x192: {  	[spmem:s4] =	stream.indirect.scatter.add.f32 [tilespmem:s13], [sflag:$0x8], $0x80, s29, s8, $0xb8;
	[tilespmem:$0x1A800] =	vst v63  }
0x193: {  	_ =	swait.ge [sflag:s7], $0x800  }
0x194: {  	[sflag:s7] =	ssyncset.done $0x0  }
0x195: {  	s29 =	sor.u32 $0x2C00, s26;
	[sflag:s7] =	ssyncadd.s32 $0xFFFFF800  }
0x196: {  	[tilespmem:s13], [sflag:$0x5] =	stream.indirect.gather [hbm4b:s5+s8], $0x80, s29, s8, $0xb8;
	[tilespmem:$0x1A800] =	vst v63  }
0x197: {  	_ =	swait.ge [sflag:s20], $0xC80  }
0x198: {  	[sflag:s20] =	ssyncset.done $0x0  }
0x199: {  	[sflag:s20] =	ssyncadd.s32 $0xFFFFF380  }
0x19a: {  	_ =	swait.ge [sflag:s21], $0xC80  }
0x19b: {  	[sflag:s21] =	ssyncset.done $0x0  }
0x19c: {  	[sflag:s21] =	ssyncadd.s32 $0xFFFFF380  }
0x19d: {  	_ =	swait.ge [sflag:s14], $0x800  }
0x19e: {  	[sflag:s14] =	ssyncset.done $0x0  }
0x19f: {  	s29 =	sor.u32 $0xA00, s26;
	[sflag:s14] =	ssyncadd.s32 $0xFFFFF800  }
0x1a0: {  	[spmem:s4] =	stream.indirect.scatter.add.f32 [tilespmem:s9], [sflag:$0x8], $0x80, s29, s8, $0xb8;
	[tilespmem:$0x1A800] =	vst v63  }
0x1a1: {  	_ =	swait.ge [sflag:s7], $0x800  }
0x1a2: {  	s28 =	sand.u32 $0x1000, s28;
	[sflag:s7] =	ssyncset.done $0x0  }
0x1a3: {  	s29 =	sor.u32 $0x2000, s28;
	[sflag:s7] =	ssyncadd.s32 $0xFFFFF800  }
0x1a4: {  	[tilespmem:s9], [sflag:$0x1] =	stream.indirect.gather [hbm4b:s5+s8], $0x80, s29, s8, $0xb8;
	[tilespmem:$0x1A800] =	vst v63  }
0x1a5: {  	_ =	swait.ge [sflag:s16], $0x800  }
0x1a6: {  	[sflag:s16] =	ssyncset.done $0x0  }
0x1a7: {  	s29 =	sor.u32 $0xA80, s26;
	[sflag:s16] =	ssyncadd.s32 $0xFFFFF800  }
0x1a8: {  	[spmem:s4] =	stream.indirect.scatter.add.f32 [tilespmem:s10], [sflag:$0x8], $0x80, s29, s8, $0xb8;
	[tilespmem:$0x1A800] =	vst v63  }
0x1a9: {  	_ =	swait.ge [sflag:s7], $0x800  }
0x1aa: {  	[sflag:s7] =	ssyncset.done $0x0  }
0x1ab: {  	s29 =	sor.u32 $0x2080, s28;
	[sflag:s7] =	ssyncadd.s32 $0xFFFFF800  }
0x1ac: {  	[tilespmem:s10], [sflag:$0x2] =	stream.indirect.gather [hbm4b:s5+s8], $0x80, s29, s8, $0xb8;
	[tilespmem:$0x1A800] =	vst v63  }
0x1ad: {  	_ =	swait.ge [sflag:s17], $0x800  }
0x1ae: {  	[sflag:s17] =	ssyncset.done $0x0  }
0x1af: {  	s29 =	sor.u32 $0xB00, s26;
	[sflag:s17] =	ssyncadd.s32 $0xFFFFF800  }
0x1b0: {  	[spmem:s4] =	stream.indirect.scatter.add.f32 [tilespmem:s11], [sflag:$0x8], $0x80, s29, s8, $0xb8;
	[tilespmem:$0x1A800] =	vst v63  }
0x1b1: {  	_ =	swait.ge [sflag:s7], $0x800  }
0x1b2: {  	[sflag:s7] =	ssyncset.done $0x0  }
0x1b3: {  	s29 =	sor.u32 $0x2100, s28;
	[sflag:s7] =	ssyncadd.s32 $0xFFFFF800  }
0x1b4: {  	[tilespmem:s11], [sflag:$0x3] =	stream.indirect.gather [hbm4b:s5+s8], $0x80, s29, s8, $0xb8;
	[tilespmem:$0x1A800] =	vst v63  }
0x1b5: {  	_ =	swait.ge [sflag:s18], $0x800  }
0x1b6: {  	[sflag:s18] =	ssyncset.done $0x0  }
0x1b7: {  	s29 =	sor.u32 $0xB80, s26;
	[sflag:s18] =	ssyncadd.s32 $0xFFFFF800  }
0x1b8: {  	[spmem:s4] =	stream.indirect.scatter.add.f32 [tilespmem:s12], [sflag:$0x8], $0x80, s29, s8, $0xb8;
	[tilespmem:$0x1A800] =	vst v63  }
0x1b9: {  	_ =	swait.ge [sflag:s7], $0x800  }
0x1ba: {  	[sflag:s7] =	ssyncset.done $0x0  }
0x1bb: {  	s29 =	sor.u32 $0x2180, s28;
	[sflag:s7] =	ssyncadd.s32 $0xFFFFF800  }
0x1bc: {  	[tilespmem:s12], [sflag:$0x4] =	stream.indirect.gather [hbm4b:s5+s8], $0x80, s29, s8, $0xb8;
	[tilespmem:$0x1A800] =	vst v63  }
0x1bd: {  	_ =	swait.ge [sflag:s19], $0x800  }
0x1be: {  	[sflag:s19] =	ssyncset.done $0x0  }
0x1bf: {  	s29 =	sor.u32 $0xC00, s26;
	[sflag:s19] =	ssyncadd.s32 $0xFFFFF800  }
0x1c0: {  	[spmem:s4] =	stream.indirect.scatter.add.f32 [tilespmem:s13], [sflag:$0x8], $0x80, s29, s8, $0xb8;
	[tilespmem:$0x1A800] =	vst v63  }
0x1c1: {  	_ =	swait.ge [sflag:s7], $0x800  }
0x1c2: {  	[sflag:s7] =	ssyncset.done $0x0  }
.Ltmp0:
0x1c3: {  	s28 =	sor.u32 $0x2200, s28;
	[sflag:s7] =	ssyncadd.s32 $0xFFFFF800;
	(pc) =	sbr.rel @p0 .LBB2_1-.Ltmp0, $4  }
0x1c4: {  	[tilespmem:s13], [sflag:$0x5] =	stream.indirect.gather [hbm4b:s5+s8], $0x80, s28, s8, $0xb8;
	[tilespmem:$0x1A800] =	vst v63  }
0x1c5: {  	_ = 	snop  }
0x1c6: {  	[tilespmem:s26], [sflag:$0x6] =	stream.linear.gather [hbm4b:s24+s6], $0xC80, $0x38;
	[tilespmem:$0x1A800] =	vst v63  }
0x1c7: {  	s25 =	sadd.s32 $0x200, s25;
	s26 =	sor.u32 $0x2000, s26;
	s24 =	sadd.s32 $0x200, s24  }
0x1c8: {  	[tilespmem:s26], [sflag:$0x7] =	stream.linear.gather [hbm4b:s22+s6], $0xC80, $0x38;
	[tilespmem:$0x1A800] =	vst v63  }
0x1c9: {  	s8 =	simm.s32 $0x1  }
0x1ca: {  	_ =	swait.ge [sflag:s8], $0x800  }
0x1cb: {  	s7 =	simm.s32 $0x10;
	s20 =	simm.s32 $0x1000;
	[sflag:s8] =	ssyncset.done $0x0  }
0x1cc: {  	s9 =	simm.s32 $0x4000;
	s6 =	simm.s32 $0x8;
	[sflag:s8] =	ssyncadd.s32 $0xFFFFF800  }
0x1cd: {  	[spmem:s4] =	stream.indirect.scatter.add.f32 [tilespmem:s9], [sflag:$0x8], $0x80, s20, s7, $0xb8;
	[tilespmem:$0x1A800] =	vst v63  }
0x1ce: {  	_ =	swait.ge [sflag:s6], $0x800  }
0x1cf: {  	[sflag:s6] =	ssyncset.done $0x0  }
0x1d0: {  	s10 =	simm.s32 $0x3280;
	[sflag:s6] =	ssyncadd.s32 $0xFFFFF800  }
0x1d1: {  	[tilespmem:s9], [sflag:$0x1] =	stream.indirect.gather [hbm4b:s5+s7], $0x80, s10, s7, $0xb8;
	[tilespmem:$0x1A800] =	vst v63  }
0x1d2: {  	s10 =	simm.s32 $0x2  }
0x1d3: {  	_ =	swait.ge [sflag:s10], $0x800  }
0x1d4: {  	[sflag:s10] =	ssyncset.done $0x0  }
0x1d5: {  	s12 =	simm.s32 $0x1080;
	s11 =	simm.s32 $0x4800;
	[sflag:s10] =	ssyncadd.s32 $0xFFFFF800  }
0x1d6: {  	[spmem:s4] =	stream.indirect.scatter.add.f32 [tilespmem:s11], [sflag:$0x8], $0x80, s12, s7, $0xb8;
	[tilespmem:$0x1A800] =	vst v63  }
0x1d7: {  	_ =	swait.ge [sflag:s6], $0x800  }
0x1d8: {  	[sflag:s6] =	ssyncset.done $0x0  }
0x1d9: {  	s21 =	simm.s32 $0x3300;
	s12 =	simm.s32 $0x3;
	[sflag:s6] =	ssyncadd.s32 $0xFFFFF800  }
0x1da: {  	[tilespmem:s11], [sflag:$0x2] =	stream.indirect.gather [hbm4b:s5+s7], $0x80, s21, s7, $0xb8;
	[tilespmem:$0x1A800] =	vst v63  }
0x1db: {  	_ =	swait.ge [sflag:s12], $0x800  }
0x1dc: {  	[sflag:s12] =	ssyncset.done $0x0  }
0x1dd: {  	s14 =	simm.s32 $0x1100;
	s13 =	simm.s32 $0x5000;
	[sflag:s12] =	ssyncadd.s32 $0xFFFFF800  }
0x1de: {  	[spmem:s4] =	stream.indirect.scatter.add.f32 [tilespmem:s13], [sflag:$0x8], $0x80, s14, s7, $0xb8;
	[tilespmem:$0x1A800] =	vst v63  }
0x1df: {  	_ =	swait.ge [sflag:s6], $0x800  }
0x1e0: {  	[sflag:s6] =	ssyncset.done $0x0  }
0x1e1: {  	s22 =	simm.s32 $0x3380;
	s14 =	simm.s32 $0x4;
	[sflag:s6] =	ssyncadd.s32 $0xFFFFF800  }
0x1e2: {  	[tilespmem:s13], [sflag:$0x3] =	stream.indirect.gather [hbm4b:s5+s7], $0x80, s22, s7, $0xb8;
	[tilespmem:$0x1A800] =	vst v63  }
0x1e3: {  	_ =	swait.ge [sflag:s14], $0x800  }
0x1e4: {  	[sflag:s14] =	ssyncset.done $0x0  }
0x1e5: {  	s17 =	simm.s32 $0x1180;
	s16 =	simm.s32 $0x5800;
	[sflag:s14] =	ssyncadd.s32 $0xFFFFF800  }
0x1e6: {  	[spmem:s4] =	stream.indirect.scatter.add.f32 [tilespmem:s16], [sflag:$0x8], $0x80, s17, s7, $0xb8;
	[tilespmem:$0x1A800] =	vst v63  }
0x1e7: {  	_ =	swait.ge [sflag:s6], $0x800  }
0x1e8: {  	[sflag:s6] =	ssyncset.done $0x0  }
0x1e9: {  	s23 =	simm.s32 $0x3400;
	s17 =	simm.s32 $0x5;
	[sflag:s6] =	ssyncadd.s32 $0xFFFFF800  }
0x1ea: {  	[tilespmem:s16], [sflag:$0x4] =	stream.indirect.gather [hbm4b:s5+s7], $0x80, s23, s7, $0xb8;
	[tilespmem:$0x1A800] =	vst v63  }
0x1eb: {  	_ =	swait.ge [sflag:s17], $0x800  }
0x1ec: {  	[sflag:s17] =	ssyncset.done $0x0  }
0x1ed: {  	s19 =	simm.s32 $0x1200;
	s18 =	simm.s32 $0x6000;
	[sflag:s17] =	ssyncadd.s32 $0xFFFFF800  }
0x1ee: {  	[spmem:s4] =	stream.indirect.scatter.add.f32 [tilespmem:s18], [sflag:$0x8], $0x80, s19, s7, $0xb8;
	[tilespmem:$0x1A800] =	vst v63  }
0x1ef: {  	_ =	swait.ge [sflag:s6], $0x800  }
0x1f0: {  	[sflag:s6] =	ssyncset.done $0x0  }
0x1f1: {  	s24 =	simm.s32 $0x3480;
	[sflag:s6] =	ssyncadd.s32 $0xFFFFF800  }
0x1f2: {  	[tilespmem:s18], [sflag:$0x5] =	stream.indirect.gather [hbm4b:s5+s7], $0x80, s24, s7, $0xb8;
	[tilespmem:$0x1A800] =	vst v63  }
0x1f3: {  	_ =	swait.ge [sflag:s8], $0x800  }
0x1f4: {  	[sflag:s8] =	ssyncset.done $0x0  }
0x1f5: {  	s25 =	simm.s32 $0x1280;
	[sflag:s8] =	ssyncadd.s32 $0xFFFFF800  }
0x1f6: {  	[spmem:s4] =	stream.indirect.scatter.add.f32 [tilespmem:s9], [sflag:$0x8], $0x80, s25, s7, $0xb8;
	[tilespmem:$0x1A800] =	vst v63  }
0x1f7: {  	_ =	swait.ge [sflag:s6], $0x800  }
0x1f8: {  	[sflag:s6] =	ssyncset.done $0x0  }
0x1f9: {  	s26 =	simm.s32 $0x3500;
	[sflag:s6] =	ssyncadd.s32 $0xFFFFF800  }
0x1fa: {  	[tilespmem:s9], [sflag:$0x1] =	stream.indirect.gather [hbm4b:s5+s7], $0x80, s26, s7, $0xb8;
	[tilespmem:$0x1A800] =	vst v63  }
0x1fb: {  	_ =	swait.ge [sflag:s10], $0x800  }
0x1fc: {  	[sflag:s10] =	ssyncset.done $0x0  }
0x1fd: {  	s28 =	simm.s32 $0x1300;
	[sflag:s10] =	ssyncadd.s32 $0xFFFFF800  }
0x1fe: {  	[spmem:s4] =	stream.indirect.scatter.add.f32 [tilespmem:s11], [sflag:$0x8], $0x80, s28, s7, $0xb8;
	[tilespmem:$0x1A800] =	vst v63  }
0x1ff: {  	_ =	swait.ge [sflag:s6], $0x800  }
0x200: {  	[sflag:s6] =	ssyncset.done $0x0  }
0x201: {  	s29 =	simm.s32 $0x3580;
	[sflag:s6] =	ssyncadd.s32 $0xFFFFF800  }
0x202: {  	[tilespmem:s11], [sflag:$0x2] =	stream.indirect.gather [hbm4b:s5+s7], $0x80, s29, s7, $0xb8;
	[tilespmem:$0x1A800] =	vst v63  }
0x203: {  	_ =	swait.ge [sflag:s12], $0x800  }
0x204: {  	[sflag:s12] =	ssyncset.done $0x0  }
0x205: {  	s30 =	simm.s32 $0x1380;
	[sflag:s12] =	ssyncadd.s32 $0xFFFFF800  }
0x206: {  	[spmem:s4] =	stream.indirect.scatter.add.f32 [tilespmem:s13], [sflag:$0x8], $0x80, s30, s7, $0xb8;
	[tilespmem:$0x1A800] =	vst v63  }
0x207: {  	_ =	swait.ge [sflag:s6], $0x800  }
0x208: {  	[sflag:s6] =	ssyncset.done $0x0  }
0x209: {  	s31 =	simm.s32 $0x3600;
	[sflag:s6] =	ssyncadd.s32 $0xFFFFF800  }
0x20a: {  	[tilespmem:s13], [sflag:$0x3] =	stream.indirect.gather [hbm4b:s5+s7], $0x80, s31, s7, $0xb8;
	[tilespmem:$0x1A800] =	vst v63  }
0x20b: {  	_ =	swait.ge [sflag:s14], $0x800  }
0x20c: {  	[sflag:s14] =	ssyncset.done $0x0  }
0x20d: {  	s20 =	simm.s32 $0x1400;
	[sflag:s14] =	ssyncadd.s32 $0xFFFFF800  }
0x20e: {  	[spmem:s4] =	stream.indirect.scatter.add.f32 [tilespmem:s16], [sflag:$0x8], $0x80, s20, s7, $0xb8;
	[tilespmem:$0x1A800] =	vst v63  }
0x20f: {  	_ =	swait.ge [sflag:s6], $0x800  }
0x210: {  	[sflag:s6] =	ssyncset.done $0x0  }
0x211: {  	s21 =	simm.s32 $0x3680;
	[sflag:s6] =	ssyncadd.s32 $0xFFFFF800  }
0x212: {  	[tilespmem:s16], [sflag:$0x4] =	stream.indirect.gather [hbm4b:s5+s7], $0x80, s21, s7, $0xb8;
	[tilespmem:$0x1A800] =	vst v63  }
0x213: {  	_ =	swait.ge [sflag:s17], $0x800  }
0x214: {  	[sflag:s17] =	ssyncset.done $0x0  }
0x215: {  	s22 =	simm.s32 $0x1480;
	[sflag:s17] =	ssyncadd.s32 $0xFFFFF800  }
0x216: {  	[spmem:s4] =	stream.indirect.scatter.add.f32 [tilespmem:s18], [sflag:$0x8], $0x80, s22, s7, $0xb8;
	[tilespmem:$0x1A800] =	vst v63  }
0x217: {  	_ =	swait.ge [sflag:s6], $0x800  }
0x218: {  	[sflag:s6] =	ssyncset.done $0x0  }
0x219: {  	s23 =	simm.s32 $0x3700;
	[sflag:s6] =	ssyncadd.s32 $0xFFFFF800  }
0x21a: {  	[tilespmem:s18], [sflag:$0x5] =	stream.indirect.gather [hbm4b:s5+s7], $0x80, s23, s7, $0xb8;
	[tilespmem:$0x1A800] =	vst v63  }
0x21b: {  	_ =	swait.ge [sflag:s8], $0x800  }
0x21c: {  	[sflag:s8] =	ssyncset.done $0x0  }
0x21d: {  	s24 =	simm.s32 $0x1500;
	[sflag:s8] =	ssyncadd.s32 $0xFFFFF800  }
0x21e: {  	[spmem:s4] =	stream.indirect.scatter.add.f32 [tilespmem:s9], [sflag:$0x8], $0x80, s24, s7, $0xb8;
	[tilespmem:$0x1A800] =	vst v63  }
0x21f: {  	_ =	swait.ge [sflag:s6], $0x800  }
0x220: {  	[sflag:s6] =	ssyncset.done $0x0  }
0x221: {  	s25 =	simm.s32 $0x3780;
	[sflag:s6] =	ssyncadd.s32 $0xFFFFF800  }
0x222: {  	[tilespmem:s9], [sflag:$0x1] =	stream.indirect.gather [hbm4b:s5+s7], $0x80, s25, s7, $0xb8;
	[tilespmem:$0x1A800] =	vst v63  }
0x223: {  	_ =	swait.ge [sflag:s10], $0x800  }
0x224: {  	[sflag:s10] =	ssyncset.done $0x0  }
0x225: {  	s26 =	simm.s32 $0x1580;
	[sflag:s10] =	ssyncadd.s32 $0xFFFFF800  }
0x226: {  	[spmem:s4] =	stream.indirect.scatter.add.f32 [tilespmem:s11], [sflag:$0x8], $0x80, s26, s7, $0xb8;
	[tilespmem:$0x1A800] =	vst v63  }
0x227: {  	_ =	swait.ge [sflag:s6], $0x800  }
0x228: {  	[sflag:s6] =	ssyncset.done $0x0  }
0x229: {  	s28 =	simm.s32 $0x3800;
	[sflag:s6] =	ssyncadd.s32 $0xFFFFF800  }
0x22a: {  	[tilespmem:s11], [sflag:$0x2] =	stream.indirect.gather [hbm4b:s5+s7], $0x80, s28, s7, $0xb8;
	[tilespmem:$0x1A800] =	vst v63  }
0x22b: {  	_ =	swait.ge [sflag:s12], $0x800  }
0x22c: {  	[sflag:s12] =	ssyncset.done $0x0  }
0x22d: {  	s29 =	simm.s32 $0x1600;
	[sflag:s12] =	ssyncadd.s32 $0xFFFFF800  }
0x22e: {  	[spmem:s4] =	stream.indirect.scatter.add.f32 [tilespmem:s13], [sflag:$0x8], $0x80, s29, s7, $0xb8;
	[tilespmem:$0x1A800] =	vst v63  }
0x22f: {  	_ =	swait.ge [sflag:s6], $0x800  }
0x230: {  	[sflag:s6] =	ssyncset.done $0x0  }
0x231: {  	s30 =	simm.s32 $0x3880;
	[sflag:s6] =	ssyncadd.s32 $0xFFFFF800  }
0x232: {  	[tilespmem:s13], [sflag:$0x3] =	stream.indirect.gather [hbm4b:s5+s7], $0x80, s30, s7, $0xb8;
	[tilespmem:$0x1A800] =	vst v63  }
0x233: {  	_ =	swait.ge [sflag:s14], $0x800  }
0x234: {  	[sflag:s14] =	ssyncset.done $0x0  }
0x235: {  	s31 =	simm.s32 $0x1680;
	[sflag:s14] =	ssyncadd.s32 $0xFFFFF800  }
0x236: {  	[spmem:s4] =	stream.indirect.scatter.add.f32 [tilespmem:s16], [sflag:$0x8], $0x80, s31, s7, $0xb8;
	[tilespmem:$0x1A800] =	vst v63  }
0x237: {  	_ =	swait.ge [sflag:s6], $0x800  }
0x238: {  	[sflag:s6] =	ssyncset.done $0x0  }
0x239: {  	s20 =	simm.s32 $0x3900;
	[sflag:s6] =	ssyncadd.s32 $0xFFFFF800  }
0x23a: {  	[tilespmem:s16], [sflag:$0x4] =	stream.indirect.gather [hbm4b:s5+s7], $0x80, s20, s7, $0xb8;
	[tilespmem:$0x1A800] =	vst v63  }
0x23b: {  	_ =	swait.ge [sflag:s17], $0x800  }
0x23c: {  	[sflag:s17] =	ssyncset.done $0x0  }
0x23d: {  	s21 =	simm.s32 $0x1700;
	[sflag:s17] =	ssyncadd.s32 $0xFFFFF800  }
0x23e: {  	[spmem:s4] =	stream.indirect.scatter.add.f32 [tilespmem:s18], [sflag:$0x8], $0x80, s21, s7, $0xb8;
	[tilespmem:$0x1A800] =	vst v63  }
0x23f: {  	_ =	swait.ge [sflag:s6], $0x800  }
0x240: {  	[sflag:s6] =	ssyncset.done $0x0  }
0x241: {  	s22 =	simm.s32 $0x3980;
	[sflag:s6] =	ssyncadd.s32 $0xFFFFF800  }
0x242: {  	[tilespmem:s18], [sflag:$0x5] =	stream.indirect.gather [hbm4b:s5+s7], $0x80, s22, s7, $0xb8;
	[tilespmem:$0x1A800] =	vst v63  }
0x243: {  	_ =	swait.ge [sflag:s8], $0x800  }
0x244: {  	[sflag:s8] =	ssyncset.done $0x0  }
0x245: {  	s23 =	simm.s32 $0x1780;
	[sflag:s8] =	ssyncadd.s32 $0xFFFFF800  }
0x246: {  	[spmem:s4] =	stream.indirect.scatter.add.f32 [tilespmem:s9], [sflag:$0x8], $0x80, s23, s7, $0xb8;
	[tilespmem:$0x1A800] =	vst v63  }
0x247: {  	_ =	swait.ge [sflag:s6], $0x800  }
0x248: {  	[sflag:s6] =	ssyncset.done $0x0  }
0x249: {  	s24 =	simm.s32 $0x3A00;
	[sflag:s6] =	ssyncadd.s32 $0xFFFFF800  }
0x24a: {  	[tilespmem:s9], [sflag:$0x1] =	stream.indirect.gather [hbm4b:s5+s7], $0x80, s24, s7, $0xb8;
	[tilespmem:$0x1A800] =	vst v63  }
0x24b: {  	_ =	swait.ge [sflag:s10], $0x800  }
0x24c: {  	[sflag:s10] =	ssyncset.done $0x0  }
0x24d: {  	s25 =	simm.s32 $0x1800;
	[sflag:s10] =	ssyncadd.s32 $0xFFFFF800  }
0x24e: {  	[spmem:s4] =	stream.indirect.scatter.add.f32 [tilespmem:s11], [sflag:$0x8], $0x80, s25, s7, $0xb8;
	[tilespmem:$0x1A800] =	vst v63  }
0x24f: {  	_ =	swait.ge [sflag:s6], $0x800  }
0x250: {  	[sflag:s6] =	ssyncset.done $0x0  }
0x251: {  	s26 =	simm.s32 $0x3A80;
	[sflag:s6] =	ssyncadd.s32 $0xFFFFF800  }
0x252: {  	[tilespmem:s11], [sflag:$0x2] =	stream.indirect.gather [hbm4b:s5+s7], $0x80, s26, s7, $0xb8;
	[tilespmem:$0x1A800] =	vst v63  }
0x253: {  	_ =	swait.ge [sflag:s12], $0x800  }
0x254: {  	[sflag:s12] =	ssyncset.done $0x0  }
0x255: {  	s28 =	simm.s32 $0x1880;
	[sflag:s12] =	ssyncadd.s32 $0xFFFFF800  }
0x256: {  	[spmem:s4] =	stream.indirect.scatter.add.f32 [tilespmem:s13], [sflag:$0x8], $0x80, s28, s7, $0xb8;
	[tilespmem:$0x1A800] =	vst v63  }
0x257: {  	_ =	swait.ge [sflag:s6], $0x800  }
0x258: {  	[sflag:s6] =	ssyncset.done $0x0  }
0x259: {  	s29 =	simm.s32 $0x3B00;
	[sflag:s6] =	ssyncadd.s32 $0xFFFFF800  }
0x25a: {  	[tilespmem:s13], [sflag:$0x3] =	stream.indirect.gather [hbm4b:s5+s7], $0x80, s29, s7, $0xb8;
	[tilespmem:$0x1A800] =	vst v63  }
0x25b: {  	_ =	swait.ge [sflag:s14], $0x800  }
0x25c: {  	[sflag:s14] =	ssyncset.done $0x0  }
0x25d: {  	s30 =	simm.s32 $0x1900;
	[sflag:s14] =	ssyncadd.s32 $0xFFFFF800  }
0x25e: {  	[spmem:s4] =	stream.indirect.scatter.add.f32 [tilespmem:s16], [sflag:$0x8], $0x80, s30, s7, $0xb8;
	[tilespmem:$0x1A800] =	vst v63  }
0x25f: {  	_ =	swait.ge [sflag:s6], $0x800  }
0x260: {  	[sflag:s6] =	ssyncset.done $0x0  }
0x261: {  	s31 =	simm.s32 $0x3B80;
	[sflag:s6] =	ssyncadd.s32 $0xFFFFF800  }
0x262: {  	[tilespmem:s16], [sflag:$0x4] =	stream.indirect.gather [hbm4b:s5+s7], $0x80, s31, s7, $0xb8;
	[tilespmem:$0x1A800] =	vst v63  }
0x263: {  	_ =	swait.ge [sflag:s17], $0x800  }
0x264: {  	[sflag:s17] =	ssyncset.done $0x0  }
0x265: {  	s20 =	simm.s32 $0x1980;
	[sflag:s17] =	ssyncadd.s32 $0xFFFFF800  }
0x266: {  	[spmem:s4] =	stream.indirect.scatter.add.f32 [tilespmem:s18], [sflag:$0x8], $0x80, s20, s7, $0xb8;
	[tilespmem:$0x1A800] =	vst v63  }
0x267: {  	_ =	swait.ge [sflag:s6], $0x800  }
0x268: {  	[sflag:s6] =	ssyncset.done $0x0  }
0x269: {  	s21 =	simm.s32 $0x3C00;
	[sflag:s6] =	ssyncadd.s32 $0xFFFFF800  }
0x26a: {  	[tilespmem:s18], [sflag:$0x5] =	stream.indirect.gather [hbm4b:s5+s7], $0x80, s21, s7, $0xb8;
	[tilespmem:$0x1A800] =	vst v63  }
0x26b: {  	_ =	swait.ge [sflag:s8], $0x800  }
0x26c: {  	[sflag:s8] =	ssyncset.done $0x0  }
0x26d: {  	s22 =	simm.s32 $0x1A00;
	[sflag:s8] =	ssyncadd.s32 $0xFFFFF800  }
0x26e: {  	[spmem:s4] =	stream.indirect.scatter.add.f32 [tilespmem:s9], [sflag:$0x8], $0x80, s22, s7, $0xb8;
	[tilespmem:$0x1A800] =	vst v63  }
0x26f: {  	_ =	swait.ge [sflag:s6], $0x800  }
0x270: {  	[sflag:s6] =	ssyncset.done $0x0  }
0x271: {  	[sflag:s6] =	ssyncadd.s32 $0xFFFFF800  }
0x272: {  	_ =	swait.ge [sflag:s10], $0x800  }
0x273: {  	[sflag:s10] =	ssyncset.done $0x0  }
0x274: {  	s23 =	simm.s32 $0x1A80;
	[sflag:s10] =	ssyncadd.s32 $0xFFFFF800  }
0x275: {  	[spmem:s4] =	stream.indirect.scatter.add.f32 [tilespmem:s11], [sflag:$0x8], $0x80, s23, s7, $0xb8;
	[tilespmem:$0x1A800] =	vst v63  }
0x276: {  	_ =	swait.ge [sflag:s6], $0x800  }
0x277: {  	[sflag:s6] =	ssyncset.done $0x0  }
0x278: {  	[sflag:s6] =	ssyncadd.s32 $0xFFFFF800  }
0x279: {  	_ =	swait.ge [sflag:s12], $0x800  }
0x27a: {  	[sflag:s12] =	ssyncset.done $0x0  }
0x27b: {  	s24 =	simm.s32 $0x1B00;
	[sflag:s12] =	ssyncadd.s32 $0xFFFFF800  }
0x27c: {  	[spmem:s4] =	stream.indirect.scatter.add.f32 [tilespmem:s13], [sflag:$0x8], $0x80, s24, s7, $0xb8;
	[tilespmem:$0x1A800] =	vst v63  }
0x27d: {  	_ =	swait.ge [sflag:s6], $0x800  }
0x27e: {  	[sflag:s6] =	ssyncset.done $0x0  }
0x27f: {  	[sflag:s6] =	ssyncadd.s32 $0xFFFFF800  }
0x280: {  	_ =	swait.ge [sflag:s14], $0x800  }
0x281: {  	[sflag:s14] =	ssyncset.done $0x0  }
0x282: {  	s25 =	simm.s32 $0x1B80;
	[sflag:s14] =	ssyncadd.s32 $0xFFFFF800  }
0x283: {  	[spmem:s4] =	stream.indirect.scatter.add.f32 [tilespmem:s16], [sflag:$0x8], $0x80, s25, s7, $0xb8;
	[tilespmem:$0x1A800] =	vst v63  }
0x284: {  	_ =	swait.ge [sflag:s6], $0x800  }
0x285: {  	[sflag:s6] =	ssyncset.done $0x0  }
0x286: {  	[sflag:s6] =	ssyncadd.s32 $0xFFFFF800  }
0x287: {  	_ =	swait.ge [sflag:s17], $0x800  }
0x288: {  	[sflag:s17] =	ssyncset.done $0x0  }
0x289: {  	s26 =	simm.s32 $0x1C00;
	[sflag:s17] =	ssyncadd.s32 $0xFFFFF800  }
0x28a: {  	[spmem:s4] =	stream.indirect.scatter.add.f32 [tilespmem:s18], [sflag:$0x8], $0x80, s26, s7, $0xb8;
	[tilespmem:$0x1A800] =	vst v63  }
0x28b: {  	_ =	swait.ge [sflag:s6], $0x800  }
0x28c: {  	[sflag:s6] =	ssyncset.done $0x0  }
0x28d: {  	s28 =	simm.s32 $0x6;
	[sflag:s6] =	ssyncadd.s32 $0xFFFFF800  }
0x28e: {  	_ =	swait.ge [sflag:s28], $0xC80  }
0x28f: {  	[sflag:s28] =	ssyncset.done $0x0  }
0x290: {  	s29 =	simm.s32 $0x7;
	[sflag:s28] =	ssyncadd.s32 $0xFFFFF380  }
0x291: {  	_ =	swait.ge [sflag:s29], $0xC80  }
0x292: {  	s30 =	smul.u32 $0x2800, s0;
	[sflag:s29] =	ssyncset.done $0x0  }
0x293: {  	[sflag:s29] =	ssyncadd.s32 $0xFFFFF380  }
0x294: {  	s31 =	sadd.s32 s15, s30;
	[bflag:$0x0] =	sbarrier.arrive $0xFFFF  }
0x295: {  	[hbm:s31], [sflag:s2] =	dma.local [spmem:s3], $0x2800  }
0x296: {  	_ =	swait.ge [sflag:s6], $0x2800  }
0x297: {  	[sflag:s6] =	ssyncset.done $0x0  }
0x298: {  	[sflag:s6] =	ssyncadd.s32 $0xFFFFD800  }
0x299: {  	_ =	sfence.sel $0x180000  }
0x29a: {  	[bflag:$0x0] =	sbarrier.arrive $0xFFFF  }
0x29b: {  	p0 =	sne.s32 s0, $0x0;
	_ =	strace $0x90000047  }
0x29c: {  	s0 =	sadd.s32 @!p0 $0x100000, s1;
	[bflag:$0x2] =	sbarrier.arrive $0xFFFF  }
0x29d: {  	[sflag:s0] =	ssyncadd.tile.s32 @!p0 $0x1;
	_ =	shalt  }
.Lfunc_end2:
_tile_overlayer_lowered:
.L_overlay_start_2:
0x29e: {  	(tag) =	ssettag $0x2  }
0x29f: {  	s0 =	rddreg [dreg:$0x0];
	s2 =	stileid.u32  }
0x2a0: {  	s1 =	rddreg [dreg:$0x1];
	p0 =	sne.s32 s2, $0x0  }
0x2a1: {  	s3 =	rddreg [dreg:$0x2];
	[bflag:$0x3] =	sbarrier.arrive $0xFFFF;
	s2 =	simm.s32 @!p0 $0x1C08  }
0x2a2: {  	[timem:s3], [sflag:s2] =	dma.local @!p0 [hbm:s0], s1  }
0x2a3: {  	s0 =	simm.s32 @!p0 $0x8  }
0x2a4: {  	_ =	swait.ge @!p0 [sflag:s0], s1  }
0x2a5: {  	s1 =	ssub.s32 @!p0 $0x0, s1;
	[sflag:s0] =	ssyncset.done @!p0 $0x0  }
0x2a6: {  	[sflag:s0] =	ssyncadd.s32 @!p0 s1  }
0x2a7: {  	[bflag:$0x3] =	sbarrier.arrive $0xFFFF  }
0x2a8: {  	_ =	shalt  }

</sc_bundles>
